<compile_context>
chip_gen: v7x
topology: tpu7x:2x2x1
jax: 0.10.2.dev20260603
libtpu: 0.0.44.dev20260713+nightly
codegen_flags: <defaults>
</compile_context>

<pallas_src>
import dataclasses
import functools

import jax
import jax.numpy as jnp
from jax import lax
from jax.experimental import pallas as pl
from jax.experimental.pallas import tpu as pltpu
from jax.experimental.pallas import tpu_sc as plsc

_KERNEL_SIZE = 5
_PADDING = 4

_NC = 2
_NS = 16
_LANES = 16

_SC_ROWS = 1024
_TC_BLK = 256


def _compiler_params():
    cp = pltpu.CompilerParams(use_tc_tiling_on_sc=True)
    if "needs_layout_passes" in pltpu.CompilerParams.__dataclass_fields__:
        cp = dataclasses.replace(cp, needs_layout_passes=False)
    return cp


def kernel(x):
    B, F, S = x.shape
    W = (S + 2 * _PADDING) // _KERNEL_SIZE
    WP = ((W + 127) // 128) * 128
    CT = WP // 128

    idx = jax.random.randint(
        jax.random.key(1), (B, W), 0, _KERNEL_SIZE, dtype=jnp.int32
    )
    w_ar = jnp.arange(W, dtype=jnp.int32)
    src = idx * W + w_ar[None, :] - _PADDING
    valid = (src >= 0) & (src < S)

    src_pad = jnp.zeros((B, WP), jnp.int32).at[:, :W].set(
        jnp.where(valid, src, 0)
    )
    mask = jnp.zeros((B, WP), jnp.float32).at[:, :W].set(
        valid.astype(jnp.float32)
    )

    sel = (idx[:, None, :] == jnp.arange(_KERNEL_SIZE)[None, :, None])
    selm = jnp.zeros((B, _KERNEL_SIZE, WP), jnp.float32)
    selm = selm.at[:, :, :W].set(
        (sel & valid[:, None, :]).astype(jnp.float32)
    )

    NW = _NC * _NS
    R = B * F
    NBLK = R // 8
    TC_ROWS = R - _SC_ROWS
    SC_BLKS = _SC_ROWS // 8
    SC_OFF_BLK = TC_ROWS // 8
    blocks_per_tile = SC_BLKS // NW
    x3 = x.reshape(NBLK, 8, S)
    x2 = x.reshape(R, S)

    mesh = plsc.VectorSubcoreMesh(core_axis_name="c", subcore_axis_name="s")

    @functools.partial(
        pl.kernel,
        out_type=jax.ShapeDtypeStruct((SC_BLKS, CT, 8, 128), x.dtype),
        mesh=mesh,
        compiler_params=_compiler_params(),
        scratch_types=[
            pltpu.VMEM((B, WP), jnp.int32),
            pltpu.VMEM((B, WP), jnp.float32),
            pltpu.VMEM((8, S), jnp.float32),
            pltpu.VMEM((CT, 8, 128), jnp.float32),
            pltpu.VMEM((CT, 8, 128), jnp.float32),
            pltpu.SemaphoreType.DMA,
            pltpu.SemaphoreType.DMA,
        ],
    )
    def sc_gather_blocks(x_hbm, src_hbm, msk_hbm, o_hbm, src_v, msk_v, ib,
                         ob0, ob1, osem0, osem1):
        wid = lax.axis_index("s") * _NC + lax.axis_index("c")
        base = SC_OFF_BLK + wid * blocks_per_tile
        bt = (base * 8) // F
        pltpu.sync_copy(src_hbm, src_v)
        pltpu.sync_copy(msk_hbm, msk_v)

        def out_copy(t, obuf, sem):
            return pltpu.make_async_copy(
                obuf, o_hbm.at[base - SC_OFF_BLK + t], sem
            )

        def do_block(t, obuf):
            pltpu.sync_copy(x_hbm.at[base + t], ib)

            @pl.loop(0, CT)
            def _(c):
                for u in range(8):
                    iv = src_v[bt, pl.ds(c * 128 + u * 16, _LANES)]
                    mv = msk_v[bt, pl.ds(c * 128 + u * 16, _LANES)]
                    for fs in range(8):
                        rowv = jnp.full((_LANES,), fs, jnp.int32)
                        g = plsc.load_gather(ib, [rowv, iv])
                        obuf[c, fs, pl.ds(u * 16, _LANES)] = g * mv

        @pl.loop(0, blocks_per_tile, step=2)
        def _(t):
            @pl.when(t >= 2)
            def _():
                out_copy(t - 2, ob0, osem0).wait()

            do_block(t, ob0)
            out_copy(t, ob0, osem0).start()

            @pl.when(t >= 2)
            def _():
                out_copy(t - 1, ob1, osem1).wait()

            do_block(t + 1, ob1)
            out_copy(t + 1, ob1, osem1).start()

        out_copy(blocks_per_tile - 2, ob0, osem0).wait()
        out_copy(blocks_per_tile - 1, ob1, osem1).wait()

    def tc_select_body(x_ref, m_ref, o_ref):
        xb = x_ref[...]
        z4 = jnp.zeros((_TC_BLK, _PADDING), jnp.float32)
        acc = None
        for k in range(_KERNEL_SIZE):
            lo = k * W - _PADDING
            if lo < 0:
                cand = jnp.concatenate([z4, xb[:, : W + lo]], axis=1)
            elif lo + W > S:
                cand = jnp.concatenate([xb[:, lo:S], z4], axis=1)
            else:
                cand = xb[:, lo : lo + W]
            term = cand * m_ref[0, k : k + 1, :W]
            acc = term if acc is None else acc + term
        o_ref[...] = acc

    y_tc = pl.pallas_call(
        tc_select_body,
        grid=(TC_ROWS // _TC_BLK,),
        in_specs=[
            pl.BlockSpec((_TC_BLK, S), lambda i: (i, 0)),
            pl.BlockSpec(
                (1, _KERNEL_SIZE, WP), lambda i: (i * _TC_BLK // F, 0, 0)
            ),
        ],
        out_specs=pl.BlockSpec((_TC_BLK, W), lambda i: (i, 0)),
        out_shape=jax.ShapeDtypeStruct((R, W), x.dtype),
    )(x2, selm)

    y_sc = sc_gather_blocks(x3, src_pad, mask)

    BPG = _TC_BLK // 8

    def fold_body(ysc_ref, yfull_ref, o_ref):
        del yfull_ref
        yb = ysc_ref[...]
        yb = yb.transpose(0, 2, 1, 3).reshape(_TC_BLK, WP)
        o_ref[...] = yb[:, :W]

    out = pl.pallas_call(
        fold_body,
        grid=(_SC_ROWS // _TC_BLK,),
        in_specs=[
            pl.BlockSpec((BPG, CT, 8, 128), lambda i: (i, 0, 0, 0)),
            pl.BlockSpec((_TC_BLK, W), lambda i: (0, 0)),
        ],
        out_specs=pl.BlockSpec(
            (_TC_BLK, W), lambda i: (i + TC_ROWS // _TC_BLK, 0)
        ),
        out_shape=jax.ShapeDtypeStruct((R, W), x.dtype),
        input_output_aliases={1: 0},
    )(y_sc, y_tc)

    return out.reshape(B, F, W)

# --- scband reference (transcript-rebuilt; emitter-appended) ---
"""Pipeline reference for scband-strided-random-pool-66082366816341 (READ-ONLY COPY).

The authoritative reference and input builder live on the scoring server;
editing this copy changes nothing except your own understanding.
"""

import jax, jax.numpy as jnp
import numpy as np

KERNEL_SIZE = 5
PADDING = 4

def setup_inputs(seed: int = 0) -> dict:
    key = jax.random.key(seed)
    x = jax.random.normal(key, (2, 2048, 8192), dtype=jnp.float32)
    return {"x": x}

def reference(x):
    batch_size, feature_dim, seq_len = x.shape
    x_pad = jnp.zeros((batch_size, feature_dim, PADDING), dtype=x.dtype)
    xc = jnp.concatenate((x_pad, x, x_pad), axis=2)
    xr = xc.reshape(batch_size, feature_dim, KERNEL_SIZE, -1)
    n_windows = xr.shape[-1]
    idx = jax.random.randint(jax.random.key(1), (batch_size, n_windows), 0, KERNEL_SIZE, dtype=jnp.int32)
    idx_exp = jnp.broadcast_to(idx[:, None, None, :], (batch_size, feature_dim, 1, n_windows))
    out = jnp.take_along_axis(xr, idx_exp, axis=2)
    return out.squeeze(2)

if __name__ == "__main__":
    import jax
    _d = setup_inputs()
    print(jax.jit(kernel)(*tuple(_d.values())))

</pallas_src>

<mosaic_0001>
#map = affine_map<(d0, d1) -> (0, 0, 0)>
#map1 = affine_map<(d0, d1) -> (0, 0)>
#map2 = affine_map<(d0, d1) -> (0, 0, 0, 0)>
module attributes {stable_mosaic.version = 14 : i64} {
  func.func @sc_gather_blocks(%arg0: i32, %arg1: i32, %arg2: memref<512x8x8192xf32, #tpu.memory_space<hbm>>, %arg3: memref<2x1664xi32, #tpu.memory_space<hbm>>, %arg4: memref<2x1664xf32, #tpu.memory_space<hbm>>, %arg5: memref<128x13x8x128xf32, #tpu.memory_space<hbm>>, %arg6: memref<2x1664xi32, #tpu.memory_space<vmem>>, %arg7: memref<2x1664xf32, #tpu.memory_space<vmem>>, %arg8: memref<8x8192xf32, #tpu.memory_space<vmem>>, %arg9: memref<13x8x128xf32, #tpu.memory_space<vmem>>, %arg10: memref<13x8x128xf32, #tpu.memory_space<vmem>>, %arg11: memref<!tpu.dma_semaphore, #tpu.memory_space<semaphore_mem>>, %arg12: memref<!tpu.dma_semaphore, #tpu.memory_space<semaphore_mem>>) attributes {dimension_semantics = [#tpu.dimension_semantics<core_parallel>, #tpu.dimension_semantics<subcore_parallel>], iteration_bounds = array<i64: 2, 16>, scalar_prefetch = 0 : i64, scratch_operands = 7 : i64, tpu.core_type = #tpu.core_type<sc_vector_subcore>, window_params = [{transform_indices = #map}, {transform_indices = #map1}, {transform_indices = #map1}, {transform_indices = #map2}]} {
    %mul3A = arith.constant 2 : i32
    %mul3A_0 = arith.muli %arg1, %mul3A : i32
    %add3A = arith.addi %mul3A_0, %arg0 : i32
    %mul3A_1 = arith.constant 4 : i32
    %mul3A_2 = arith.muli %add3A, %mul3A_1 : i32
    %add3A_3 = arith.constant 384 : i32
    %add3A_4 = arith.addi %add3A_3, %mul3A_2 : i32
    %mul3A_5 = arith.constant 8 : i32
    %mul3A_6 = arith.muli %add3A_4, %mul3A_5 : i32
    %jit3A = arith.constant 2048 : i32
    %div3A = arith.divsi %mul3A_6, %jit3A : i32
    %sign3A = arith.constant 0 : i32
    %sign3A_7 = arith.cmpi sgt, %mul3A_6, %sign3A : i32
    %sign3A_8 = arith.extui %sign3A_7 : i1 to i32
    %sign3A_9 = arith.constant 0 : i32
    %sign3A_10 = arith.cmpi slt, %mul3A_6, %sign3A_9 : i32
    %sign3A_11 = arith.extui %sign3A_10 : i1 to i32
    %sign3A_12 = arith.subi %sign3A_8, %sign3A_11 : i32
    %sign3A_13 = arith.constant 0 : i32
    %sign3A_14 = arith.cmpi sgt, %jit3A, %sign3A_13 : i32
    %sign3A_15 = arith.extui %sign3A_14 : i1 to i32
    %sign3A_16 = arith.constant 0 : i32
    %sign3A_17 = arith.cmpi slt, %jit3A, %sign3A_16 : i32
    %sign3A_18 = arith.extui %sign3A_17 : i1 to i32
    %sign3A_19 = arith.subi %sign3A_15, %sign3A_18 : i32
    %ne3A = arith.cmpi ne, %sign3A_12, %sign3A_19 : i32
    %rem3A = arith.remsi %mul3A_6, %jit3A : i32
    %ne3A_20 = arith.constant 0 : i32
    %ne3A_21 = arith.cmpi ne, %rem3A, %ne3A_20 : i32
    %and3A = arith.andi %ne3A, %ne3A_21 : i1
    %sub3A = arith.constant 1 : i32
    %sub3A_22 = arith.subi %div3A, %sub3A : i32
    %select_n3A = arith.select %and3A, %sub3A_22, %div3A : i32
    "tpu.region"() ({
      %run_scoped3A = tpu.sem_alloc : memref<!tpu.dma_semaphore, #tpu.memory_space<semaphore_mem>>
      tpu.enqueue_dma source(%arg3 : memref<2x1664xi32, #tpu.memory_space<hbm>>) target(%arg6 : memref<2x1664xi32, #tpu.memory_space<vmem>>) target_semaphore(%run_scoped3A : memref<!tpu.dma_semaphore, #tpu.memory_space<semaphore_mem>>)
      tpu.wait_dma2 semaphore(%run_scoped3A : memref<!tpu.dma_semaphore, #tpu.memory_space<semaphore_mem>>) src(%arg3 : memref<2x1664xi32, #tpu.memory_space<hbm>>) dst(%arg6 : memref<2x1664xi32, #tpu.memory_space<vmem>>)
      tpu.yield
    }) : () -> ()
    "tpu.region"() ({
      %run_scoped3A = tpu.sem_alloc : memref<!tpu.dma_semaphore, #tpu.memory_space<semaphore_mem>>
      tpu.enqueue_dma source(%arg4 : memref<2x1664xf32, #tpu.memory_space<hbm>>) target(%arg7 : memref<2x1664xf32, #tpu.memory_space<vmem>>) target_semaphore(%run_scoped3A : memref<!tpu.dma_semaphore, #tpu.memory_space<semaphore_mem>>)
      tpu.wait_dma2 semaphore(%run_scoped3A : memref<!tpu.dma_semaphore, #tpu.memory_space<semaphore_mem>>) src(%arg4 : memref<2x1664xf32, #tpu.memory_space<hbm>>) dst(%arg7 : memref<2x1664xf32, #tpu.memory_space<vmem>>)
      tpu.yield
    }) : () -> ()
    %scan3A = arith.constant 0 : i32
    %scan3A_23 = arith.constant 2 : i32
    %scan3A_24 = arith.addi %scan3A, %scan3A_23 : i32
    %scan3A_25 = arith.constant 1 : i32
    scf.for %scan3A_54 = %scan3A to %scan3A_24 step %scan3A_25  : i32 {
      %mul3A_55 = arith.constant 2 : i32
      %mul3A_56 = arith.muli %scan3A_54, %mul3A_55 : i32
      %add3A_57 = arith.constant 0 : i32
      %add3A_58 = arith.addi %add3A_57, %mul3A_56 : i32
      %ge3A = arith.constant 2 : i32
      %ge3A_59 = arith.cmpi sge, %add3A_58, %ge3A : i32
      %convert_element_type3A = arith.extui %ge3A_59 : i1 to i32
      %cond3A = arith.constant 0 : i32
      %cond3A_60 = arith.cmpi ne, %convert_element_type3A, %cond3A : i32
      scf.if %cond3A_60 {
        %sub3A_107 = arith.constant 2 : i32
        %sub3A_108 = arith.subi %add3A_58, %sub3A_107 : i32
        %sub3A_109 = arith.constant 384 : i32
        %sub3A_110 = arith.subi %add3A_4, %sub3A_109 : i32
        %add3A_111 = arith.addi %sub3A_110, %sub3A_108 : i32
        %dma_wait3A_112 = arith.constant 0 : i32
        %dma_wait3A_113 = arith.constant 0 : i32
        %dma_wait3A_114 = arith.constant 0 : i32
        %dma_wait3A_115 = tpu.memref_slice %arg5[%add3A_111, %dma_wait3A_112, %dma_wait3A_113, %dma_wait3A_114] : memref<128x13x8x128xf32, #tpu.memory_space<hbm>> -> memref<1x13x8x128xf32, #tpu.memory_space<hbm>>
        %dma_wait3A_116 = tpu.memref_squeeze %dma_wait3A_115 : memref<1x13x8x128xf32, #tpu.memory_space<hbm>> -> memref<13x8x128xf32, #tpu.memory_space<hbm>>
        %dma_wait3A_117 = arith.constant 0 : i32
        %dma_wait3A_118 = arith.constant 0 : i32
        %dma_wait3A_119 = arith.constant 0 : i32
        %dma_wait3A_120 = tpu.memref_slice %arg5[%add3A_111, %dma_wait3A_117, %dma_wait3A_118, %dma_wait3A_119] : memref<128x13x8x128xf32, #tpu.memory_space<hbm>> -> memref<1x13x8x128xf32, #tpu.memory_space<hbm>>
        %dma_wait3A_121 = tpu.memref_squeeze %dma_wait3A_120 : memref<1x13x8x128xf32, #tpu.memory_space<hbm>> -> memref<13x8x128xf32, #tpu.memory_space<hbm>>
        tpu.wait_dma2 semaphore(%arg11 : memref<!tpu.dma_semaphore, #tpu.memory_space<semaphore_mem>>) src(%arg9 : memref<13x8x128xf32, #tpu.memory_space<vmem>>) dst(%dma_wait3A_121 : memref<13x8x128xf32, #tpu.memory_space<hbm>>)
      } else {
      }
      %add3A_61 = arith.addi %add3A_4, %add3A_58 : i32
      "tpu.region"() ({
        %run_scoped3A = tpu.sem_alloc : memref<!tpu.dma_semaphore, #tpu.memory_space<semaphore_mem>>
        %dma_start3A_107 = arith.constant 0 : i32
        %dma_start3A_108 = arith.constant 0 : i32
        %dma_start3A_109 = tpu.memref_slice %arg2[%add3A_61, %dma_start3A_107, %dma_start3A_108] : memref<512x8x8192xf32, #tpu.memory_space<hbm>> -> memref<1x8x8192xf32, #tpu.memory_space<hbm>>
        %dma_start3A_110 = tpu.memref_squeeze %dma_start3A_109 : memref<1x8x8192xf32, #tpu.memory_space<hbm>> -> memref<8x8192xf32, #tpu.memory_space<hbm>>
        %dma_start3A_111 = arith.constant 0 : i32
        %dma_start3A_112 = arith.constant 0 : i32
        %dma_start3A_113 = tpu.memref_slice %arg2[%add3A_61, %dma_start3A_111, %dma_start3A_112] : memref<512x8x8192xf32, #tpu.memory_space<hbm>> -> memref<1x8x8192xf32, #tpu.memory_space<hbm>>
        %dma_start3A_114 = tpu.memref_squeeze %dma_start3A_113 : memref<1x8x8192xf32, #tpu.memory_space<hbm>> -> memref<8x8192xf32, #tpu.memory_space<hbm>>
        tpu.enqueue_dma source(%dma_start3A_114 : memref<8x8192xf32, #tpu.memory_space<hbm>>) target(%arg8 : memref<8x8192xf32, #tpu.memory_space<vmem>>) target_semaphore(%run_scoped3A : memref<!tpu.dma_semaphore, #tpu.memory_space<semaphore_mem>>)
        %dma_wait3A_115 = arith.constant 0 : i32
        %dma_wait3A_116 = arith.constant 0 : i32
        %dma_wait3A_117 = tpu.memref_slice %arg2[%add3A_61, %dma_wait3A_115, %dma_wait3A_116] : memref<512x8x8192xf32, #tpu.memory_space<hbm>> -> memref<1x8x8192xf32, #tpu.memory_space<hbm>>
        %dma_wait3A_118 = tpu.memref_squeeze %dma_wait3A_117 : memref<1x8x8192xf32, #tpu.memory_space<hbm>> -> memref<8x8192xf32, #tpu.memory_space<hbm>>
        %dma_wait3A_119 = arith.constant 0 : i32
        %dma_wait3A_120 = arith.constant 0 : i32
        %dma_wait3A_121 = tpu.memref_slice %arg2[%add3A_61, %dma_wait3A_119, %dma_wait3A_120] : memref<512x8x8192xf32, #tpu.memory_space<hbm>> -> memref<1x8x8192xf32, #tpu.memory_space<hbm>>
        %dma_wait3A_122 = tpu.memref_squeeze %dma_wait3A_121 : memref<1x8x8192xf32, #tpu.memory_space<hbm>> -> memref<8x8192xf32, #tpu.memory_space<hbm>>
        tpu.wait_dma2 semaphore(%run_scoped3A : memref<!tpu.dma_semaphore, #tpu.memory_space<semaphore_mem>>) src(%dma_wait3A_122 : memref<8x8192xf32, #tpu.memory_space<hbm>>) dst(%arg8 : memref<8x8192xf32, #tpu.memory_space<vmem>>)
        tpu.yield
      }) : () -> ()
      %scan3A_62 = arith.constant 0 : i32
      %scan3A_63 = arith.constant 13 : i32
      %scan3A_64 = arith.addi %scan3A_62, %scan3A_63 : i32
      %scan3A_65 = arith.constant 1 : i32
      scf.for %scan3A_107 = %scan3A_62 to %scan3A_64 step %scan3A_65  : i32 {
        %mul3A_108 = arith.constant 1 : i32
        %mul3A_109 = arith.muli %scan3A_107, %mul3A_108 : i32
        %add3A_110 = arith.constant 0 : i32
        %add3A_111 = arith.addi %add3A_110, %mul3A_109 : i32
        %mul3A_112 = arith.constant 128 : i32
        %mul3A_113 = arith.muli %add3A_111, %mul3A_112 : i32
        %add3A_114 = arith.constant 0 : i32
        %add3A_115 = arith.addi %mul3A_113, %add3A_114 : i32
        %get3A = arith.index_cast %select_n3A : i32 to index
        %get3A_116 = arith.index_cast %add3A_115 : i32 to index
        %get3A_117 = tpu.vector_load %arg6[%get3A, %get3A_116] {strides = array<i32>} : memref<2x1664xi32, #tpu.memory_space<vmem>>, vector<16xi32>,
        %mul3A_118 = arith.constant 128 : i32
        %mul3A_119 = arith.muli %add3A_111, %mul3A_118 : i32
        %add3A_120 = arith.constant 0 : i32
        %add3A_121 = arith.addi %mul3A_119, %add3A_120 : i32
        %get3A_122 = arith.index_cast %select_n3A : i32 to index
        %get3A_123 = arith.index_cast %add3A_121 : i32 to index
        %get3A_124 = tpu.vector_load %arg7[%get3A_122, %get3A_123] {strides = array<i32>} : memref<2x1664xf32, #tpu.memory_space<vmem>>, vector<16xf32>,
        %broadcast_in_dim3A = arith.constant 0 : i32
        %broadcast_in_dim3A_125 = vector.broadcast %broadcast_in_dim3A : i32 to vector<16xi32>
        %gather3A = tpu.vector_load_idx %arg8[%broadcast_in_dim3A_125, %get3A_117] : memref<8x8192xf32, #tpu.memory_space<vmem>>[vector<16xi32>, vector<16xi32>], vector<16xf32>,
        %mul3A_126 = arith.mulf %gather3A, %get3A_124 : vector<16xf32>
        %swap3A = arith.constant 0 : i32
        %swap3A_127 = arith.index_cast %add3A_111 : i32 to index
        %swap3A_128 = arith.index_cast %swap3A : i32 to index
        %swap3A_129 = arith.constant 0 : index
        %swap3A_130 = tpu.vector_load %arg9[%swap3A_127, %swap3A_128, %swap3A_129] {strides = array<i32>} : memref<13x8x128xf32, #tpu.memory_space<vmem>>, vector<16xf32>,
        tpu.vector_store %arg9[%swap3A_127, %swap3A_128, %swap3A_129], %mul3A_126 {strides = array<i32>} : memref<13x8x128xf32, #tpu.memory_space<vmem>>, vector<16xf32>,
        %broadcast_in_dim3A_131 = arith.constant 1 : i32
        %broadcast_in_dim3A_132 = vector.broadcast %broadcast_in_dim3A_131 : i32 to vector<16xi32>
        %gather3A_133 = tpu.vector_load_idx %arg8[%broadcast_in_dim3A_132, %get3A_117] : memref<8x8192xf32, #tpu.memory_space<vmem>>[vector<16xi32>, vector<16xi32>], vector<16xf32>,
        %mul3A_134 = arith.mulf %gather3A_133, %get3A_124 : vector<16xf32>
        %swap3A_135 = arith.constant 1 : i32
        %swap3A_136 = arith.index_cast %add3A_111 : i32 to index
        %swap3A_137 = arith.index_cast %swap3A_135 : i32 to index
        %swap3A_138 = arith.constant 0 : index
        %swap3A_139 = tpu.vector_load %arg9[%swap3A_136, %swap3A_137, %swap3A_138] {strides = array<i32>} : memref<13x8x128xf32, #tpu.memory_space<vmem>>, vector<16xf32>,
        tpu.vector_store %arg9[%swap3A_136, %swap3A_137, %swap3A_138], %mul3A_134 {strides = array<i32>} : memref<13x8x128xf32, #tpu.memory_space<vmem>>, vector<16xf32>,
        %broadcast_in_dim3A_140 = arith.constant 2 : i32
        %broadcast_in_dim3A_141 = vector.broadcast %broadcast_in_dim3A_140 : i32 to vector<16xi32>
        %gather3A_142 = tpu.vector_load_idx %arg8[%broadcast_in_dim3A_141, %get3A_117] : memref<8x8192xf32, #tpu.memory_space<vmem>>[vector<16xi32>, vector<16xi32>], vector<16xf32>,
        %mul3A_143 = arith.mulf %gather3A_142, %get3A_124 : vector<16xf32>
        %swap3A_144 = arith.constant 2 : i32
        %swap3A_145 = arith.index_cast %add3A_111 : i32 to index
        %swap3A_146 = arith.index_cast %swap3A_144 : i32 to index
        %swap3A_147 = arith.constant 0 : index
        %swap3A_148 = tpu.vector_load %arg9[%swap3A_145, %swap3A_146, %swap3A_147] {strides = array<i32>} : memref<13x8x128xf32, #tpu.memory_space<vmem>>, vector<16xf32>,
        tpu.vector_store %arg9[%swap3A_145, %swap3A_146, %swap3A_147], %mul3A_143 {strides = array<i32>} : memref<13x8x128xf32, #tpu.memory_space<vmem>>, vector<16xf32>,
        %broadcast_in_dim3A_149 = arith.constant 3 : i32
        %broadcast_in_dim3A_150 = vector.broadcast %broadcast_in_dim3A_149 : i32 to vector<16xi32>
        %gather3A_151 = tpu.vector_load_idx %arg8[%broadcast_in_dim3A_150, %get3A_117] : memref<8x8192xf32, #tpu.memory_space<vmem>>[vector<16xi32>, vector<16xi32>], vector<16xf32>,
        %mul3A_152 = arith.mulf %gather3A_151, %get3A_124 : vector<16xf32>
        %swap3A_153 = arith.constant 3 : i32
        %swap3A_154 = arith.index_cast %add3A_111 : i32 to index
        %swap3A_155 = arith.index_cast %swap3A_153 : i32 to index
        %swap3A_156 = arith.constant 0 : index
        %swap3A_157 = tpu.vector_load %arg9[%swap3A_154, %swap3A_155, %swap3A_156] {strides = array<i32>} : memref<13x8x128xf32, #tpu.memory_space<vmem>>, vector<16xf32>,
        tpu.vector_store %arg9[%swap3A_154, %swap3A_155, %swap3A_156], %mul3A_152 {strides = array<i32>} : memref<13x8x128xf32, #tpu.memory_space<vmem>>, vector<16xf32>,
        %broadcast_in_dim3A_158 = arith.constant 4 : i32
        %broadcast_in_dim3A_159 = vector.broadcast %broadcast_in_dim3A_158 : i32 to vector<16xi32>
        %gather3A_160 = tpu.vector_load_idx %arg8[%broadcast_in_dim3A_159, %get3A_117] : memref<8x8192xf32, #tpu.memory_space<vmem>>[vector<16xi32>, vector<16xi32>], vector<16xf32>,
        %mul3A_161 = arith.mulf %gather3A_160, %get3A_124 : vector<16xf32>
        %swap3A_162 = arith.constant 4 : i32
        %swap3A_163 = arith.index_cast %add3A_111 : i32 to index
        %swap3A_164 = arith.index_cast %swap3A_162 : i32 to index
        %swap3A_165 = arith.constant 0 : index
        %swap3A_166 = tpu.vector_load %arg9[%swap3A_163, %swap3A_164, %swap3A_165] {strides = array<i32>} : memref<13x8x128xf32, #tpu.memory_space<vmem>>, vector<16xf32>,
        tpu.vector_store %arg9[%swap3A_163, %swap3A_164, %swap3A_165], %mul3A_161 {strides = array<i32>} : memref<13x8x128xf32, #tpu.memory_space<vmem>>, vector<16xf32>,
        %broadcast_in_dim3A_167 = arith.constant 5 : i32
        %broadcast_in_dim3A_168 = vector.broadcast %broadcast_in_dim3A_167 : i32 to vector<16xi32>
        %gather3A_169 = tpu.vector_load_idx %arg8[%broadcast_in_dim3A_168, %get3A_117] : memref<8x8192xf32, #tpu.memory_space<vmem>>[vector<16xi32>, vector<16xi32>], vector<16xf32>,
        %mul3A_170 = arith.mulf %gather3A_169, %get3A_124 : vector<16xf32>
        %swap3A_171 = arith.constant 5 : i32
        %swap3A_172 = arith.index_cast %add3A_111 : i32 to index
        %swap3A_173 = arith.index_cast %swap3A_171 : i32 to index
        %swap3A_174 = arith.constant 0 : index
        %swap3A_175 = tpu.vector_load %arg9[%swap3A_172, %swap3A_173, %swap3A_174] {strides = array<i32>} : memref<13x8x128xf32, #tpu.memory_space<vmem>>, vector<16xf32>,
        tpu.vector_store %arg9[%swap3A_172, %swap3A_173, %swap3A_174], %mul3A_170 {strides = array<i32>} : memref<13x8x128xf32, #tpu.memory_space<vmem>>, vector<16xf32>,
        %broadcast_in_dim3A_176 = arith.constant 6 : i32
        %broadcast_in_dim3A_177 = vector.broadcast %broadcast_in_dim3A_176 : i32 to vector<16xi32>
        %gather3A_178 = tpu.vector_load_idx %arg8[%broadcast_in_dim3A_177, %get3A_117] : memref<8x8192xf32, #tpu.memory_space<vmem>>[vector<16xi32>, vector<16xi32>], vector<16xf32>,
        %mul3A_179 = arith.mulf %gather3A_178, %get3A_124 : vector<16xf32>
        %swap3A_180 = arith.constant 6 : i32
        %swap3A_181 = arith.index_cast %add3A_111 : i32 to index
        %swap3A_182 = arith.index_cast %swap3A_180 : i32 to index
        %swap3A_183 = arith.constant 0 : index
        %swap3A_184 = tpu.vector_load %arg9[%swap3A_181, %swap3A_182, %swap3A_183] {strides = array<i32>} : memref<13x8x128xf32, #tpu.memory_space<vmem>>, vector<16xf32>,
        tpu.vector_store %arg9[%swap3A_181, %swap3A_182, %swap3A_183], %mul3A_179 {strides = array<i32>} : memref<13x8x128xf32, #tpu.memory_space<vmem>>, vector<16xf32>,
        %broadcast_in_dim3A_185 = arith.constant 7 : i32
        %broadcast_in_dim3A_186 = vector.broadcast %broadcast_in_dim3A_185 : i32 to vector<16xi32>
        %gather3A_187 = tpu.vector_load_idx %arg8[%broadcast_in_dim3A_186, %get3A_117] : memref<8x8192xf32, #tpu.memory_space<vmem>>[vector<16xi32>, vector<16xi32>], vector<16xf32>,
        %mul3A_188 = arith.mulf %gather3A_187, %get3A_124 : vector<16xf32>
        %swap3A_189 = arith.constant 7 : i32
        %swap3A_190 = arith.index_cast %add3A_111 : i32 to index
        %swap3A_191 = arith.index_cast %swap3A_189 : i32 to index
        %swap3A_192 = arith.constant 0 : index
        %swap3A_193 = tpu.vector_load %arg9[%swap3A_190, %swap3A_191, %swap3A_192] {strides = array<i32>} : memref<13x8x128xf32, #tpu.memory_space<vmem>>, vector<16xf32>,
        tpu.vector_store %arg9[%swap3A_190, %swap3A_191, %swap3A_192], %mul3A_188 {strides = array<i32>} : memref<13x8x128xf32, #tpu.memory_space<vmem>>, vector<16xf32>,
        %mul3A_194 = arith.constant 128 : i32
        %mul3A_195 = arith.muli %add3A_111, %mul3A_194 : i32
        %add3A_196 = arith.constant 16 : i32
        %add3A_197 = arith.addi %mul3A_195, %add3A_196 : i32
        %get3A_198 = arith.index_cast %select_n3A : i32 to index
        %get3A_199 = arith.index_cast %add3A_197 : i32 to index
        %get3A_200 = tpu.vector_load %arg6[%get3A_198, %get3A_199] {strides = array<i32>} : memref<2x1664xi32, #tpu.memory_space<vmem>>, vector<16xi32>,
        %mul3A_201 = arith.constant 128 : i32
        %mul3A_202 = arith.muli %add3A_111, %mul3A_201 : i32
        %add3A_203 = arith.constant 16 : i32
        %add3A_204 = arith.addi %mul3A_202, %add3A_203 : i32
        %get3A_205 = arith.index_cast %select_n3A : i32 to index
        %get3A_206 = arith.index_cast %add3A_204 : i32 to index
        %get3A_207 = tpu.vector_load %arg7[%get3A_205, %get3A_206] {strides = array<i32>} : memref<2x1664xf32, #tpu.memory_space<vmem>>, vector<16xf32>,
        %broadcast_in_dim3A_208 = arith.constant 0 : i32
        %broadcast_in_dim3A_209 = vector.broadcast %broadcast_in_dim3A_208 : i32 to vector<16xi32>
        %gather3A_210 = tpu.vector_load_idx %arg8[%broadcast_in_dim3A_209, %get3A_200] : memref<8x8192xf32, #tpu.memory_space<vmem>>[vector<16xi32>, vector<16xi32>], vector<16xf32>,
        %mul3A_211 = arith.mulf %gather3A_210, %get3A_207 : vector<16xf32>
        %swap3A_212 = arith.constant 0 : i32
        %swap3A_213 = arith.index_cast %add3A_111 : i32 to index
        %swap3A_214 = arith.index_cast %swap3A_212 : i32 to index
        %swap3A_215 = arith.constant 16 : index
        %swap3A_216 = tpu.vector_load %arg9[%swap3A_213, %swap3A_214, %swap3A_215] {strides = array<i32>} : memref<13x8x128xf32, #tpu.memory_space<vmem>>, vector<16xf32>,
        tpu.vector_store %arg9[%swap3A_213, %swap3A_214, %swap3A_215], %mul3A_211 {strides = array<i32>} : memref<13x8x128xf32, #tpu.memory_space<vmem>>, vector<16xf32>,
        %broadcast_in_dim3A_217 = arith.constant 1 : i32
        %broadcast_in_dim3A_218 = vector.broadcast %broadcast_in_dim3A_217 : i32 to vector<16xi32>
        %gather3A_219 = tpu.vector_load_idx %arg8[%broadcast_in_dim3A_218, %get3A_200] : memref<8x8192xf32, #tpu.memory_space<vmem>>[vector<16xi32>, vector<16xi32>], vector<16xf32>,
        %mul3A_220 = arith.mulf %gather3A_219, %get3A_207 : vector<16xf32>
        %swap3A_221 = arith.constant 1 : i32
        %swap3A_222 = arith.index_cast %add3A_111 : i32 to index
        %swap3A_223 = arith.index_cast %swap3A_221 : i32 to index
        %swap3A_224 = arith.constant 16 : index
        %swap3A_225 = tpu.vector_load %arg9[%swap3A_222, %swap3A_223, %swap3A_224] {strides = array<i32>} : memref<13x8x128xf32, #tpu.memory_space<vmem>>, vector<16xf32>,
        tpu.vector_store %arg9[%swap3A_222, %swap3A_223, %swap3A_224], %mul3A_220 {strides = array<i32>} : memref<13x8x128xf32, #tpu.memory_space<vmem>>, vector<16xf32>,
        %broadcast_in_dim3A_226 = arith.constant 2 : i32
        %broadcast_in_dim3A_227 = vector.broadcast %broadcast_in_dim3A_226 : i32 to vector<16xi32>
        %gather3A_228 = tpu.vector_load_idx %arg8[%broadcast_in_dim3A_227, %get3A_200] : memref<8x8192xf32, #tpu.memory_space<vmem>>[vector<16xi32>, vector<16xi32>], vector<16xf32>,
        %mul3A_229 = arith.mulf %gather3A_228, %get3A_207 : vector<16xf32>
        %swap3A_230 = arith.constant 2 : i32
        %swap3A_231 = arith.index_cast %add3A_111 : i32 to index
        %swap3A_232 = arith.index_cast %swap3A_230 : i32 to index
        %swap3A_233 = arith.constant 16 : index
        %swap3A_234 = tpu.vector_load %arg9[%swap3A_231, %swap3A_232, %swap3A_233] {strides = array<i32>} : memref<13x8x128xf32, #tpu.memory_space<vmem>>, vector<16xf32>,
        tpu.vector_store %arg9[%swap3A_231, %swap3A_232, %swap3A_233], %mul3A_229 {strides = array<i32>} : memref<13x8x128xf32, #tpu.memory_space<vmem>>, vector<16xf32>,
        %broadcast_in_dim3A_235 = arith.constant 3 : i32
        %broadcast_in_dim3A_236 = vector.broadcast %broadcast_in_dim3A_235 : i32 to vector<16xi32>
        %gather3A_237 = tpu.vector_load_idx %arg8[%broadcast_in_dim3A_236, %get3A_200] : memref<8x8192xf32, #tpu.memory_space<vmem>>[vector<16xi32>, vector<16xi32>], vector<16xf32>,
        %mul3A_238 = arith.mulf %gather3A_237, %get3A_207 : vector<16xf32>
        %swap3A_239 = arith.constant 3 : i32
        %swap3A_240 = arith.index_cast %add3A_111 : i32 to index
        %swap3A_241 = arith.index_cast %swap3A_239 : i32 to index
        %swap3A_242 = arith.constant 16 : index
        %swap3A_243 = tpu.vector_load %arg9[%swap3A_240, %swap3A_241, %swap3A_242] {strides = array<i32>} : memref<13x8x128xf32, #tpu.memory_space<vmem>>, vector<16xf32>,
        tpu.vector_store %arg9[%swap3A_240, %swap3A_241, %swap3A_242], %mul3A_238 {strides = array<i32>} : memref<13x8x128xf32, #tpu.memory_space<vmem>>, vector<16xf32>,
        %broadcast_in_dim3A_244 = arith.constant 4 : i32
        %broadcast_in_dim3A_245 = vector.broadcast %broadcast_in_dim3A_244 : i32 to vector<16xi32>
        %gather3A_246 = tpu.vector_load_idx %arg8[%broadcast_in_dim3A_245, %get3A_200] : memref<8x8192xf32, #tpu.memory_space<vmem>>[vector<16xi32>, vector<16xi32>], vector<16xf32>,
        %mul3A_247 = arith.mulf %gather3A_246, %get3A_207 : vector<16xf32>
        %swap3A_248 = arith.constant 4 : i32
        %swap3A_249 = arith.index_cast %add3A_111 : i32 to index
        %swap3A_250 = arith.index_cast %swap3A_248 : i32 to index
        %swap3A_251 = arith.constant 16 : index
        %swap3A_252 = tpu.vector_load %arg9[%swap3A_249, %swap3A_250, %swap3A_251] {strides = array<i32>} : memref<13x8x128xf32, #tpu.memory_space<vmem>>, vector<16xf32>,
        tpu.vector_store %arg9[%swap3A_249, %swap3A_250, %swap3A_251], %mul3A_247 {strides = array<i32>} : memref<13x8x128xf32, #tpu.memory_space<vmem>>, vector<16xf32>,
        %broadcast_in_dim3A_253 = arith.constant 5 : i32
        %broadcast_in_dim3A_254 = vector.broadcast %broadcast_in_dim3A_253 : i32 to vector<16xi32>
        %gather3A_255 = tpu.vector_load_idx %arg8[%broadcast_in_dim3A_254, %get3A_200] : memref<8x8192xf32, #tpu.memory_space<vmem>>[vector<16xi32>, vector<16xi32>], vector<16xf32>,
        %mul3A_256 = arith.mulf %gather3A_255, %get3A_207 : vector<16xf32>
        %swap3A_257 = arith.constant 5 : i32
        %swap3A_258 = arith.index_cast %add3A_111 : i32 to index
        %swap3A_259 = arith.index_cast %swap3A_257 : i32 to index
        %swap3A_260 = arith.constant 16 : index
        %swap3A_261 = tpu.vector_load %arg9[%swap3A_258, %swap3A_259, %swap3A_260] {strides = array<i32>} : memref<13x8x128xf32, #tpu.memory_space<vmem>>, vector<16xf32>,
        tpu.vector_store %arg9[%swap3A_258, %swap3A_259, %swap3A_260], %mul3A_256 {strides = array<i32>} : memref<13x8x128xf32, #tpu.memory_space<vmem>>, vector<16xf32>,
        %broadcast_in_dim3A_262 = arith.constant 6 : i32
        %broadcast_in_dim3A_263 = vector.broadcast %broadcast_in_dim3A_262 : i32 to vector<16xi32>
        %gather3A_264 = tpu.vector_load_idx %arg8[%broadcast_in_dim3A_263, %get3A_200] : memref<8x8192xf32, #tpu.memory_space<vmem>>[vector<16xi32>, vector<16xi32>], vector<16xf32>,
        %mul3A_265 = arith.mulf %gather3A_264, %get3A_207 : vector<16xf32>
        %swap3A_266 = arith.constant 6 : i32
        %swap3A_267 = arith.index_cast %add3A_111 : i32 to index
        %swap3A_268 = arith.index_cast %swap3A_266 : i32 to index
        %swap3A_269 = arith.constant 16 : index
        %swap3A_270 = tpu.vector_load %arg9[%swap3A_267, %swap3A_268, %swap3A_269] {strides = array<i32>} : memref<13x8x128xf32, #tpu.memory_space<vmem>>, vector<16xf32>,
        tpu.vector_store %arg9[%swap3A_267, %swap3A_268, %swap3A_269], %mul3A_265 {strides = array<i32>} : memref<13x8x128xf32, #tpu.memory_space<vmem>>, vector<16xf32>,
        %broadcast_in_dim3A_271 = arith.constant 7 : i32
        %broadcast_in_dim3A_272 = vector.broadcast %broadcast_in_dim3A_271 : i32 to vector<16xi32>
        %gather3A_273 = tpu.vector_load_idx %arg8[%broadcast_in_dim3A_272, %get3A_200] : memref<8x8192xf32, #tpu.memory_space<vmem>>[vector<16xi32>, vector<16xi32>], vector<16xf32>,
        %mul3A_274 = arith.mulf %gather3A_273, %get3A_207 : vector<16xf32>
        %swap3A_275 = arith.constant 7 : i32
        %swap3A_276 = arith.index_cast %add3A_111 : i32 to index
        %swap3A_277 = arith.index_cast %swap3A_275 : i32 to index
        %swap3A_278 = arith.constant 16 : index
        %swap3A_279 = tpu.vector_load %arg9[%swap3A_276, %swap3A_277, %swap3A_278] {strides = array<i32>} : memref<13x8x128xf32, #tpu.memory_space<vmem>>, vector<16xf32>,
        tpu.vector_store %arg9[%swap3A_276, %swap3A_277, %swap3A_278], %mul3A_274 {strides = array<i32>} : memref<13x8x128xf32, #tpu.memory_space<vmem>>, vector<16xf32>,
        %mul3A_280 = arith.constant 128 : i32
        %mul3A_281 = arith.muli %add3A_111, %mul3A_280 : i32
        %add3A_282 = arith.constant 32 : i32
        %add3A_283 = arith.addi %mul3A_281, %add3A_282 : i32
        %get3A_284 = arith.index_cast %select_n3A : i32 to index
        %get3A_285 = arith.index_cast %add3A_283 : i32 to index
        %get3A_286 = tpu.vector_load %arg6[%get3A_284, %get3A_285] {strides = array<i32>} : memref<2x1664xi32, #tpu.memory_space<vmem>>, vector<16xi32>,
        %mul3A_287 = arith.constant 128 : i32
        %mul3A_288 = arith.muli %add3A_111, %mul3A_287 : i32
        %add3A_289 = arith.constant 32 : i32
        %add3A_290 = arith.addi %mul3A_288, %add3A_289 : i32
        %get3A_291 = arith.index_cast %select_n3A : i32 to index
        %get3A_292 = arith.index_cast %add3A_290 : i32 to index
        %get3A_293 = tpu.vector_load %arg7[%get3A_291, %get3A_292] {strides = array<i32>} : memref<2x1664xf32, #tpu.memory_space<vmem>>, vector<16xf32>,
        %broadcast_in_dim3A_294 = arith.constant 0 : i32
        %broadcast_in_dim3A_295 = vector.broadcast %broadcast_in_dim3A_294 : i32 to vector<16xi32>
        %gather3A_296 = tpu.vector_load_idx %arg8[%broadcast_in_dim3A_295, %get3A_286] : memref<8x8192xf32, #tpu.memory_space<vmem>>[vector<16xi32>, vector<16xi32>], vector<16xf32>,
        %mul3A_297 = arith.mulf %gather3A_296, %get3A_293 : vector<16xf32>
        %swap3A_298 = arith.constant 0 : i32
        %swap3A_299 = arith.index_cast %add3A_111 : i32 to index
        %swap3A_300 = arith.index_cast %swap3A_298 : i32 to index
        %swap3A_301 = arith.constant 32 : index
        %swap3A_302 = tpu.vector_load %arg9[%swap3A_299, %swap3A_300, %swap3A_301] {strides = array<i32>} : memref<13x8x128xf32, #tpu.memory_space<vmem>>, vector<16xf32>,
        tpu.vector_store %arg9[%swap3A_299, %swap3A_300, %swap3A_301], %mul3A_297 {strides = array<i32>} : memref<13x8x128xf32, #tpu.memory_space<vmem>>, vector<16xf32>,
        %broadcast_in_dim3A_303 = arith.constant 1 : i32
        %broadcast_in_dim3A_304 = vector.broadcast %broadcast_in_dim3A_303 : i32 to vector<16xi32>
        %gather3A_305 = tpu.vector_load_idx %arg8[%broadcast_in_dim3A_304, %get3A_286] : memref<8x8192xf32, #tpu.memory_space<vmem>>[vector<16xi32>, vector<16xi32>], vector<16xf32>,
        %mul3A_306 = arith.mulf %gather3A_305, %get3A_293 : vector<16xf32>
        %swap3A_307 = arith.constant 1 : i32
        %swap3A_308 = arith.index_cast %add3A_111 : i32 to index
        %swap3A_309 = arith.index_cast %swap3A_307 : i32 to index
        %swap3A_310 = arith.constant 32 : index
        %swap3A_311 = tpu.vector_load %arg9[%swap3A_308, %swap3A_309, %swap3A_310] {strides = array<i32>} : memref<13x8x128xf32, #tpu.memory_space<vmem>>, vector<16xf32>,
        tpu.vector_store %arg9[%swap3A_308, %swap3A_309, %swap3A_310], %mul3A_306 {strides = array<i32>} : memref<13x8x128xf32, #tpu.memory_space<vmem>>, vector<16xf32>,
        %broadcast_in_dim3A_312 = arith.constant 2 : i32
        %broadcast_in_dim3A_313 = vector.broadcast %broadcast_in_dim3A_312 : i32 to vector<16xi32>
        %gather3A_314 = tpu.vector_load_idx %arg8[%broadcast_in_dim3A_313, %get3A_286] : memref<8x8192xf32, #tpu.memory_space<vmem>>[vector<16xi32>, vector<16xi32>], vector<16xf32>,
        %mul3A_315 = arith.mulf %gather3A_314, %get3A_293 : vector<16xf32>
        %swap3A_316 = arith.constant 2 : i32
        %swap3A_317 = arith.index_cast %add3A_111 : i32 to index
        %swap3A_318 = arith.index_cast %swap3A_316 : i32 to index
        %swap3A_319 = arith.constant 32 : index
        %swap3A_320 = tpu.vector_load %arg9[%swap3A_317, %swap3A_318, %swap3A_319] {strides = array<i32>} : memref<13x8x128xf32, #tpu.memory_space<vmem>>, vector<16xf32>,
        tpu.vector_store %arg9[%swap3A_317, %swap3A_318, %swap3A_319], %mul3A_315 {strides = array<i32>} : memref<13x8x128xf32, #tpu.memory_space<vmem>>, vector<16xf32>,
        %broadcast_in_dim3A_321 = arith.constant 3 : i32
        %broadcast_in_dim3A_322 = vector.broadcast %broadcast_in_dim3A_321 : i32 to vector<16xi32>
        %gather3A_323 = tpu.vector_load_idx %arg8[%broadcast_in_dim3A_322, %get3A_286] : memref<8x8192xf32, #tpu.memory_space<vmem>>[vector<16xi32>, vector<16xi32>], vector<16xf32>,
        %mul3A_324 = arith.mulf %gather3A_323, %get3A_293 : vector<16xf32>
        %swap3A_325 = arith.constant 3 : i32
        %swap3A_326 = arith.index_cast %add3A_111 : i32 to index
        %swap3A_327 = arith.index_cast %swap3A_325 : i32 to index
        %swap3A_328 = arith.constant 32 : index
        %swap3A_329 = tpu.vector_load %arg9[%swap3A_326, %swap3A_327, %swap3A_328] {strides = array<i32>} : memref<13x8x128xf32, #tpu.memory_space<vmem>>, vector<16xf32>,
        tpu.vector_store %arg9[%swap3A_326, %swap3A_327, %swap3A_328], %mul3A_324 {strides = array<i32>} : memref<13x8x128xf32, #tpu.memory_space<vmem>>, vector<16xf32>,
        %broadcast_in_dim3A_330 = arith.constant 4 : i32
        %broadcast_in_dim3A_331 = vector.broadcast %broadcast_in_dim3A_330 : i32 to vector<16xi32>
        %gather3A_332 = tpu.vector_load_idx %arg8[%broadcast_in_dim3A_331, %get3A_286] : memref<8x8192xf32, #tpu.memory_space<vmem>>[vector<16xi32>, vector<16xi32>], vector<16xf32>,
        %mul3A_333 = arith.mulf %gather3A_332, %get3A_293 : vector<16xf32>
        %swap3A_334 = arith.constant 4 : i32
        %swap3A_335 = arith.index_cast %add3A_111 : i32 to index
        %swap3A_336 = arith.index_cast %swap3A_334 : i32 to index
        %swap3A_337 = arith.constant 32 : index
        %swap3A_338 = tpu.vector_load %arg9[%swap3A_335, %swap3A_336, %swap3A_337] {strides = array<i32>} : memref<13x8x128xf32, #tpu.memory_space<vmem>>, vector<16xf32>,
        tpu.vector_store %arg9[%swap3A_335, %swap3A_336, %swap3A_337], %mul3A_333 {strides = array<i32>} : memref<13x8x128xf32, #tpu.memory_space<vmem>>, vector<16xf32>,
        %broadcast_in_dim3A_339 = arith.constant 5 : i32
        %broadcast_in_dim3A_340 = vector.broadcast %broadcast_in_dim3A_339 : i32 to vector<16xi32>
        %gather3A_341 = tpu.vector_load_idx %arg8[%broadcast_in_dim3A_340, %get3A_286] : memref<8x8192xf32, #tpu.memory_space<vmem>>[vector<16xi32>, vector<16xi32>], vector<16xf32>,
        %mul3A_342 = arith.mulf %gather3A_341, %get3A_293 : vector<16xf32>
        %swap3A_343 = arith.constant 5 : i32
        %swap3A_344 = arith.index_cast %add3A_111 : i32 to index
        %swap3A_345 = arith.index_cast %swap3A_343 : i32 to index
        %swap3A_346 = arith.constant 32 : index
        %swap3A_347 = tpu.vector_load %arg9[%swap3A_344, %swap3A_345, %swap3A_346] {strides = array<i32>} : memref<13x8x128xf32, #tpu.memory_space<vmem>>, vector<16xf32>,
        tpu.vector_store %arg9[%swap3A_344, %swap3A_345, %swap3A_346], %mul3A_342 {strides = array<i32>} : memref<13x8x128xf32, #tpu.memory_space<vmem>>, vector<16xf32>,
        %broadcast_in_dim3A_348 = arith.constant 6 : i32
        %broadcast_in_dim3A_349 = vector.broadcast %broadcast_in_dim3A_348 : i32 to vector<16xi32>
        %gather3A_350 = tpu.vector_load_idx %arg8[%broadcast_in_dim3A_349, %get3A_286] : memref<8x8192xf32, #tpu.memory_space<vmem>>[vector<16xi32>, vector<16xi32>], vector<16xf32>,
        %mul3A_351 = arith.mulf %gather3A_350, %get3A_293 : vector<16xf32>
        %swap3A_352 = arith.constant 6 : i32
        %swap3A_353 = arith.index_cast %add3A_111 : i32 to index
        %swap3A_354 = arith.index_cast %swap3A_352 : i32 to index
        %swap3A_355 = arith.constant 32 : index
        %swap3A_356 = tpu.vector_load %arg9[%swap3A_353, %swap3A_354, %swap3A_355] {strides = array<i32>} : memref<13x8x128xf32, #tpu.memory_space<vmem>>, vector<16xf32>,
        tpu.vector_store %arg9[%swap3A_353, %swap3A_354, %swap3A_355], %mul3A_351 {strides = array<i32>} : memref<13x8x128xf32, #tpu.memory_space<vmem>>, vector<16xf32>,
        %broadcast_in_dim3A_357 = arith.constant 7 : i32
        %broadcast_in_dim3A_358 = vector.broadcast %broadcast_in_dim3A_357 : i32 to vector<16xi32>
        %gather3A_359 = tpu.vector_load_idx %arg8[%broadcast_in_dim3A_358, %get3A_286] : memref<8x8192xf32, #tpu.memory_space<vmem>>[vector<16xi32>, vector<16xi32>], vector<16xf32>,
        %mul3A_360 = arith.mulf %gather3A_359, %get3A_293 : vector<16xf32>
        %swap3A_361 = arith.constant 7 : i32
        %swap3A_362 = arith.index_cast %add3A_111 : i32 to index
        %swap3A_363 = arith.index_cast %swap3A_361 : i32 to index
        %swap3A_364 = arith.constant 32 : index
        %swap3A_365 = tpu.vector_load %arg9[%swap3A_362, %swap3A_363, %swap3A_364] {strides = array<i32>} : memref<13x8x128xf32, #tpu.memory_space<vmem>>, vector<16xf32>,
        tpu.vector_store %arg9[%swap3A_362, %swap3A_363, %swap3A_364], %mul3A_360 {strides = array<i32>} : memref<13x8x128xf32, #tpu.memory_space<vmem>>, vector<16xf32>,
        %mul3A_366 = arith.constant 128 : i32
        %mul3A_367 = arith.muli %add3A_111, %mul3A_366 : i32
        %add3A_368 = arith.constant 48 : i32
        %add3A_369 = arith.addi %mul3A_367, %add3A_368 : i32
        %get3A_370 = arith.index_cast %select_n3A : i32 to index
        %get3A_371 = arith.index_cast %add3A_369 : i32 to index
        %get3A_372 = tpu.vector_load %arg6[%get3A_370, %get3A_371] {strides = array<i32>} : memref<2x1664xi32, #tpu.memory_space<vmem>>, vector<16xi32>,
        %mul3A_373 = arith.constant 128 : i32
        %mul3A_374 = arith.muli %add3A_111, %mul3A_373 : i32
        %add3A_375 = arith.constant 48 : i32
        %add3A_376 = arith.addi %mul3A_374, %add3A_375 : i32
        %get3A_377 = arith.index_cast %select_n3A : i32 to index
        %get3A_378 = arith.index_cast %add3A_376 : i32 to index
        %get3A_379 = tpu.vector_load %arg7[%get3A_377, %get3A_378] {strides = array<i32>} : memref<2x1664xf32, #tpu.memory_space<vmem>>, vector<16xf32>,
        %broadcast_in_dim3A_380 = arith.constant 0 : i32
        %broadcast_in_dim3A_381 = vector.broadcast %broadcast_in_dim3A_380 : i32 to vector<16xi32>
        %gather3A_382 = tpu.vector_load_idx %arg8[%broadcast_in_dim3A_381, %get3A_372] : memref<8x8192xf32, #tpu.memory_space<vmem>>[vector<16xi32>, vector<16xi32>], vector<16xf32>,
        %mul3A_383 = arith.mulf %gather3A_382, %get3A_379 : vector<16xf32>
        %swap3A_384 = arith.constant 0 : i32
        %swap3A_385 = arith.index_cast %add3A_111 : i32 to index
        %swap3A_386 = arith.index_cast %swap3A_384 : i32 to index
        %swap3A_387 = arith.constant 48 : index
        %swap3A_388 = tpu.vector_load %arg9[%swap3A_385, %swap3A_386, %swap3A_387] {strides = array<i32>} : memref<13x8x128xf32, #tpu.memory_space<vmem>>, vector<16xf32>,
        tpu.vector_store %arg9[%swap3A_385, %swap3A_386, %swap3A_387], %mul3A_383 {strides = array<i32>} : memref<13x8x128xf32, #tpu.memory_space<vmem>>, vector<16xf32>,
        %broadcast_in_dim3A_389 = arith.constant 1 : i32
        %broadcast_in_dim3A_390 = vector.broadcast %broadcast_in_dim3A_389 : i32 to vector<16xi32>
        %gather3A_391 = tpu.vector_load_idx %arg8[%broadcast_in_dim3A_390, %get3A_372] : memref<8x8192xf32, #tpu.memory_space<vmem>>[vector<16xi32>, vector<16xi32>], vector<16xf32>,
        %mul3A_392 = arith.mulf %gather3A_391, %get3A_379 : vector<16xf32>
        %swap3A_393 = arith.constant 1 : i32
        %swap3A_394 = arith.index_cast %add3A_111 : i32 to index
        %swap3A_395 = arith.index_cast %swap3A_393 : i32 to index
        %swap3A_396 = arith.constant 48 : index
        %swap3A_397 = tpu.vector_load %arg9[%swap3A_394, %swap3A_395, %swap3A_396] {strides = array<i32>} : memref<13x8x128xf32, #tpu.memory_space<vmem>>, vector<16xf32>,
        tpu.vector_store %arg9[%swap3A_394, %swap3A_395, %swap3A_396], %mul3A_392 {strides = array<i32>} : memref<13x8x128xf32, #tpu.memory_space<vmem>>, vector<16xf32>,
        %broadcast_in_dim3A_398 = arith.constant 2 : i32
        %broadcast_in_dim3A_399 = vector.broadcast %broadcast_in_dim3A_398 : i32 to vector<16xi32>
        %gather3A_400 = tpu.vector_load_idx %arg8[%broadcast_in_dim3A_399, %get3A_372] : memref<8x8192xf32, #tpu.memory_space<vmem>>[vector<16xi32>, vector<16xi32>], vector<16xf32>,
        %mul3A_401 = arith.mulf %gather3A_400, %get3A_379 : vector<16xf32>
        %swap3A_402 = arith.constant 2 : i32
        %swap3A_403 = arith.index_cast %add3A_111 : i32 to index
        %swap3A_404 = arith.index_cast %swap3A_402 : i32 to index
        %swap3A_405 = arith.constant 48 : index
        %swap3A_406 = tpu.vector_load %arg9[%swap3A_403, %swap3A_404, %swap3A_405] {strides = array<i32>} : memref<13x8x128xf32, #tpu.memory_space<vmem>>, vector<16xf32>,
        tpu.vector_store %arg9[%swap3A_403, %swap3A_404, %swap3A_405], %mul3A_401 {strides = array<i32>} : memref<13x8x128xf32, #tpu.memory_space<vmem>>, vector<16xf32>,
        %broadcast_in_dim3A_407 = arith.constant 3 : i32
        %broadcast_in_dim3A_408 = vector.broadcast %broadcast_in_dim3A_407 : i32 to vector<16xi32>
        %gather3A_409 = tpu.vector_load_idx %arg8[%broadcast_in_dim3A_408, %get3A_372] : memref<8x8192xf32, #tpu.memory_space<vmem>>[vector<16xi32>, vector<16xi32>], vector<16xf32>,
        %mul3A_410 = arith.mulf %gather3A_409, %get3A_379 : vector<16xf32>
        %swap3A_411 = arith.constant 3 : i32
        %swap3A_412 = arith.index_cast %add3A_111 : i32 to index
        %swap3A_413 = arith.index_cast %swap3A_411 : i32 to index
        %swap3A_414 = arith.constant 48 : index
        %swap3A_415 = tpu.vector_load %arg9[%swap3A_412, %swap3A_413, %swap3A_414] {strides = array<i32>} : memref<13x8x128xf32, #tpu.memory_space<vmem>>, vector<16xf32>,
        tpu.vector_store %arg9[%swap3A_412, %swap3A_413, %swap3A_414], %mul3A_410 {strides = array<i32>} : memref<13x8x128xf32, #tpu.memory_space<vmem>>, vector<16xf32>,
        %broadcast_in_dim3A_416 = arith.constant 4 : i32
        %broadcast_in_dim3A_417 = vector.broadcast %broadcast_in_dim3A_416 : i32 to vector<16xi32>
        %gather3A_418 = tpu.vector_load_idx %arg8[%broadcast_in_dim3A_417, %get3A_372] : memref<8x8192xf32, #tpu.memory_space<vmem>>[vector<16xi32>, vector<16xi32>], vector<16xf32>,
        %mul3A_419 = arith.mulf %gather3A_418, %get3A_379 : vector<16xf32>
        %swap3A_420 = arith.constant 4 : i32
        %swap3A_421 = arith.index_cast %add3A_111 : i32 to index
        %swap3A_422 = arith.index_cast %swap3A_420 : i32 to index
        %swap3A_423 = arith.constant 48 : index
        %swap3A_424 = tpu.vector_load %arg9[%swap3A_421, %swap3A_422, %swap3A_423] {strides = array<i32>} : memref<13x8x128xf32, #tpu.memory_space<vmem>>, vector<16xf32>,
        tpu.vector_store %arg9[%swap3A_421, %swap3A_422, %swap3A_423], %mul3A_419 {strides = array<i32>} : memref<13x8x128xf32, #tpu.memory_space<vmem>>, vector<16xf32>,
        %broadcast_in_dim3A_425 = arith.constant 5 : i32
        %broadcast_in_dim3A_426 = vector.broadcast %broadcast_in_dim3A_425 : i32 to vector<16xi32>
        %gather3A_427 = tpu.vector_load_idx %arg8[%broadcast_in_dim3A_426, %get3A_372] : memref<8x8192xf32, #tpu.memory_space<vmem>>[vector<16xi32>, vector<16xi32>], vector<16xf32>,
        %mul3A_428 = arith.mulf %gather3A_427, %get3A_379 : vector<16xf32>
        %swap3A_429 = arith.constant 5 : i32
        %swap3A_430 = arith.index_cast %add3A_111 : i32 to index
        %swap3A_431 = arith.index_cast %swap3A_429 : i32 to index
        %swap3A_432 = arith.constant 48 : index
        %swap3A_433 = tpu.vector_load %arg9[%swap3A_430, %swap3A_431, %swap3A_432] {strides = array<i32>} : memref<13x8x128xf32, #tpu.memory_space<vmem>>, vector<16xf32>,
        tpu.vector_store %arg9[%swap3A_430, %swap3A_431, %swap3A_432], %mul3A_428 {strides = array<i32>} : memref<13x8x128xf32, #tpu.memory_space<vmem>>, vector<16xf32>,
        %broadcast_in_dim3A_434 = arith.constant 6 : i32
        %broadcast_in_dim3A_435 = vector.broadcast %broadcast_in_dim3A_434 : i32 to vector<16xi32>
        %gather3A_436 = tpu.vector_load_idx %arg8[%broadcast_in_dim3A_435, %get3A_372] : memref<8x8192xf32, #tpu.memory_space<vmem>>[vector<16xi32>, vector<16xi32>], vector<16xf32>,
        %mul3A_437 = arith.mulf %gather3A_436, %get3A_379 : vector<16xf32>
        %swap3A_438 = arith.constant 6 : i32
        %swap3A_439 = arith.index_cast %add3A_111 : i32 to index
        %swap3A_440 = arith.index_cast %swap3A_438 : i32 to index
        %swap3A_441 = arith.constant 48 : index
        %swap3A_442 = tpu.vector_load %arg9[%swap3A_439, %swap3A_440, %swap3A_441] {strides = array<i32>} : memref<13x8x128xf32, #tpu.memory_space<vmem>>, vector<16xf32>,
        tpu.vector_store %arg9[%swap3A_439, %swap3A_440, %swap3A_441], %mul3A_437 {strides = array<i32>} : memref<13x8x128xf32, #tpu.memory_space<vmem>>, vector<16xf32>,
        %broadcast_in_dim3A_443 = arith.constant 7 : i32
        %broadcast_in_dim3A_444 = vector.broadcast %broadcast_in_dim3A_443 : i32 to vector<16xi32>
        %gather3A_445 = tpu.vector_load_idx %arg8[%broadcast_in_dim3A_444, %get3A_372] : memref<8x8192xf32, #tpu.memory_space<vmem>>[vector<16xi32>, vector<16xi32>], vector<16xf32>,
        %mul3A_446 = arith.mulf %gather3A_445, %get3A_379 : vector<16xf32>
        %swap3A_447 = arith.constant 7 : i32
        %swap3A_448 = arith.index_cast %add3A_111 : i32 to index
        %swap3A_449 = arith.index_cast %swap3A_447 : i32 to index
        %swap3A_450 = arith.constant 48 : index
        %swap3A_451 = tpu.vector_load %arg9[%swap3A_448, %swap3A_449, %swap3A_450] {strides = array<i32>} : memref<13x8x128xf32, #tpu.memory_space<vmem>>, vector<16xf32>,
        tpu.vector_store %arg9[%swap3A_448, %swap3A_449, %swap3A_450], %mul3A_446 {strides = array<i32>} : memref<13x8x128xf32, #tpu.memory_space<vmem>>, vector<16xf32>,
        %mul3A_452 = arith.constant 128 : i32
        %mul3A_453 = arith.muli %add3A_111, %mul3A_452 : i32
        %add3A_454 = arith.constant 64 : i32
        %add3A_455 = arith.addi %mul3A_453, %add3A_454 : i32
        %get3A_456 = arith.index_cast %select_n3A : i32 to index
        %get3A_457 = arith.index_cast %add3A_455 : i32 to index
        %get3A_458 = tpu.vector_load %arg6[%get3A_456, %get3A_457] {strides = array<i32>} : memref<2x1664xi32, #tpu.memory_space<vmem>>, vector<16xi32>,
        %mul3A_459 = arith.constant 128 : i32
        %mul3A_460 = arith.muli %add3A_111, %mul3A_459 : i32
        %add3A_461 = arith.constant 64 : i32
        %add3A_462 = arith.addi %mul3A_460, %add3A_461 : i32
        %get3A_463 = arith.index_cast %select_n3A : i32 to index
        %get3A_464 = arith.index_cast %add3A_462 : i32 to index
        %get3A_465 = tpu.vector_load %arg7[%get3A_463, %get3A_464] {strides = array<i32>} : memref<2x1664xf32, #tpu.memory_space<vmem>>, vector<16xf32>,
        %broadcast_in_dim3A_466 = arith.constant 0 : i32
        %broadcast_in_dim3A_467 = vector.broadcast %broadcast_in_dim3A_466 : i32 to vector<16xi32>
        %gather3A_468 = tpu.vector_load_idx %arg8[%broadcast_in_dim3A_467, %get3A_458] : memref<8x8192xf32, #tpu.memory_space<vmem>>[vector<16xi32>, vector<16xi32>], vector<16xf32>,
        %mul3A_469 = arith.mulf %gather3A_468, %get3A_465 : vector<16xf32>
        %swap3A_470 = arith.constant 0 : i32
        %swap3A_471 = arith.index_cast %add3A_111 : i32 to index
        %swap3A_472 = arith.index_cast %swap3A_470 : i32 to index
        %swap3A_473 = arith.constant 64 : index
        %swap3A_474 = tpu.vector_load %arg9[%swap3A_471, %swap3A_472, %swap3A_473] {strides = array<i32>} : memref<13x8x128xf32, #tpu.memory_space<vmem>>, vector<16xf32>,
        tpu.vector_store %arg9[%swap3A_471, %swap3A_472, %swap3A_473], %mul3A_469 {strides = array<i32>} : memref<13x8x128xf32, #tpu.memory_space<vmem>>, vector<16xf32>,
        %broadcast_in_dim3A_475 = arith.constant 1 : i32
        %broadcast_in_dim3A_476 = vector.broadcast %broadcast_in_dim3A_475 : i32 to vector<16xi32>
        %gather3A_477 = tpu.vector_load_idx %arg8[%broadcast_in_dim3A_476, %get3A_458] : memref<8x8192xf32, #tpu.memory_space<vmem>>[vector<16xi32>, vector<16xi32>], vector<16xf32>,
        %mul3A_478 = arith.mulf %gather3A_477, %get3A_465 : vector<16xf32>
        %swap3A_479 = arith.constant 1 : i32
        %swap3A_480 = arith.index_cast %add3A_111 : i32 to index
        %swap3A_481 = arith.index_cast %swap3A_479 : i32 to index
        %swap3A_482 = arith.constant 64 : index
        %swap3A_483 = tpu.vector_load %arg9[%swap3A_480, %swap3A_481, %swap3A_482] {strides = array<i32>} : memref<13x8x128xf32, #tpu.memory_space<vmem>>, vector<16xf32>,
        tpu.vector_store %arg9[%swap3A_480, %swap3A_481, %swap3A_482], %mul3A_478 {strides = array<i32>} : memref<13x8x128xf32, #tpu.memory_space<vmem>>, vector<16xf32>,
        %broadcast_in_dim3A_484 = arith.constant 2 : i32
        %broadcast_in_dim3A_485 = vector.broadcast %broadcast_in_dim3A_484 : i32 to vector<16xi32>
        %gather3A_486 = tpu.vector_load_idx %arg8[%broadcast_in_dim3A_485, %get3A_458] : memref<8x8192xf32, #tpu.memory_space<vmem>>[vector<16xi32>, vector<16xi32>], vector<16xf32>,
        %mul3A_487 = arith.mulf %gather3A_486, %get3A_465 : vector<16xf32>
        %swap3A_488 = arith.constant 2 : i32
        %swap3A_489 = arith.index_cast %add3A_111 : i32 to index
        %swap3A_490 = arith.index_cast %swap3A_488 : i32 to index
        %swap3A_491 = arith.constant 64 : index
        %swap3A_492 = tpu.vector_load %arg9[%swap3A_489, %swap3A_490, %swap3A_491] {strides = array<i32>} : memref<13x8x128xf32, #tpu.memory_space<vmem>>, vector<16xf32>,
        tpu.vector_store %arg9[%swap3A_489, %swap3A_490, %swap3A_491], %mul3A_487 {strides = array<i32>} : memref<13x8x128xf32, #tpu.memory_space<vmem>>, vector<16xf32>,
        %broadcast_in_dim3A_493 = arith.constant 3 : i32
        %broadcast_in_dim3A_494 = vector.broadcast %broadcast_in_dim3A_493 : i32 to vector<16xi32>
        %gather3A_495 = tpu.vector_load_idx %arg8[%broadcast_in_dim3A_494, %get3A_458] : memref<8x8192xf32, #tpu.memory_space<vmem>>[vector<16xi32>, vector<16xi32>], vector<16xf32>,
        %mul3A_496 = arith.mulf %gather3A_495, %get3A_465 : vector<16xf32>
        %swap3A_497 = arith.constant 3 : i32
        %swap3A_498 = arith.index_cast %add3A_111 : i32 to index
        %swap3A_499 = arith.index_cast %swap3A_497 : i32 to index
        %swap3A_500 = arith.constant 64 : index
        %swap3A_501 = tpu.vector_load %arg9[%swap3A_498, %swap3A_499, %swap3A_500] {strides = array<i32>} : memref<13x8x128xf32, #tpu.memory_space<vmem>>, vector<16xf32>,
        tpu.vector_store %arg9[%swap3A_498, %swap3A_499, %swap3A_500], %mul3A_496 {strides = array<i32>} : memref<13x8x128xf32, #tpu.memory_space<vmem>>, vector<16xf32>,
        %broadcast_in_dim3A_502 = arith.constant 4 : i32
        %broadcast_in_dim3A_503 = vector.broadcast %broadcast_in_dim3A_502 : i32 to vector<16xi32>
        %gather3A_504 = tpu.vector_load_idx %arg8[%broadcast_in_dim3A_503, %get3A_458] : memref<8x8192xf32, #tpu.memory_space<vmem>>[vector<16xi32>, vector<16xi32>], vector<16xf32>,
        %mul3A_505 = arith.mulf %gather3A_504, %get3A_465 : vector<16xf32>
        %swap3A_506 = arith.constant 4 : i32
        %swap3A_507 = arith.index_cast %add3A_111 : i32 to index
        %swap3A_508 = arith.index_cast %swap3A_506 : i32 to index
        %swap3A_509 = arith.constant 64 : index
        %swap3A_510 = tpu.vector_load %arg9[%swap3A_507, %swap3A_508, %swap3A_509] {strides = array<i32>} : memref<13x8x128xf32, #tpu.memory_space<vmem>>, vector<16xf32>,
        tpu.vector_store %arg9[%swap3A_507, %swap3A_508, %swap3A_509], %mul3A_505 {strides = array<i32>} : memref<13x8x128xf32, #tpu.memory_space<vmem>>, vector<16xf32>,
        %broadcast_in_dim3A_511 = arith.constant 5 : i32
        %broadcast_in_dim3A_512 = vector.broadcast %broadcast_in_dim3A_511 : i32 to vector<16xi32>
        %gather3A_513 = tpu.vector_load_idx %arg8[%broadcast_in_dim3A_512, %get3A_458] : memref<8x8192xf32, #tpu.memory_space<vmem>>[vector<16xi32>, vector<16xi32>], vector<16xf32>,
        %mul3A_514 = arith.mulf %gather3A_513, %get3A_465 : vector<16xf32>
        %swap3A_515 = arith.constant 5 : i32
        %swap3A_516 = arith.index_cast %add3A_111 : i32 to index
        %swap3A_517 = arith.index_cast %swap3A_515 : i32 to index
        %swap3A_518 = arith.constant 64 : index
        %swap3A_519 = tpu.vector_load %arg9[%swap3A_516, %swap3A_517, %swap3A_518] {strides = array<i32>} : memref<13x8x128xf32, #tpu.memory_space<vmem>>, vector<16xf32>,
        tpu.vector_store %arg9[%swap3A_516, %swap3A_517, %swap3A_518], %mul3A_514 {strides = array<i32>} : memref<13x8x128xf32, #tpu.memory_space<vmem>>, vector<16xf32>,
        %broadcast_in_dim3A_520 = arith.constant 6 : i32
        %broadcast_in_dim3A_521 = vector.broadcast %broadcast_in_dim3A_520 : i32 to vector<16xi32>
        %gather3A_522 = tpu.vector_load_idx %arg8[%broadcast_in_dim3A_521, %get3A_458] : memref<8x8192xf32, #tpu.memory_space<vmem>>[vector<16xi32>, vector<16xi32>], vector<16xf32>,
        %mul3A_523 = arith.mulf %gather3A_522, %get3A_465 : vector<16xf32>
        %swap3A_524 = arith.constant 6 : i32
        %swap3A_525 = arith.index_cast %add3A_111 : i32 to index
        %swap3A_526 = arith.index_cast %swap3A_524 : i32 to index
        %swap3A_527 = arith.constant 64 : index
        %swap3A_528 = tpu.vector_load %arg9[%swap3A_525, %swap3A_526, %swap3A_527] {strides = array<i32>} : memref<13x8x128xf32, #tpu.memory_space<vmem>>, vector<16xf32>,
        tpu.vector_store %arg9[%swap3A_525, %swap3A_526, %swap3A_527], %mul3A_523 {strides = array<i32>} : memref<13x8x128xf32, #tpu.memory_space<vmem>>, vector<16xf32>,
        %broadcast_in_dim3A_529 = arith.constant 7 : i32
        %broadcast_in_dim3A_530 = vector.broadcast %broadcast_in_dim3A_529 : i32 to vector<16xi32>
        %gather3A_531 = tpu.vector_load_idx %arg8[%broadcast_in_dim3A_530, %get3A_458] : memref<8x8192xf32, #tpu.memory_space<vmem>>[vector<16xi32>, vector<16xi32>], vector<16xf32>,
        %mul3A_532 = arith.mulf %gather3A_531, %get3A_465 : vector<16xf32>
        %swap3A_533 = arith.constant 7 : i32
        %swap3A_534 = arith.index_cast %add3A_111 : i32 to index
        %swap3A_535 = arith.index_cast %swap3A_533 : i32 to index
        %swap3A_536 = arith.constant 64 : index
        %swap3A_537 = tpu.vector_load %arg9[%swap3A_534, %swap3A_535, %swap3A_536] {strides = array<i32>} : memref<13x8x128xf32, #tpu.memory_space<vmem>>, vector<16xf32>,
        tpu.vector_store %arg9[%swap3A_534, %swap3A_535, %swap3A_536], %mul3A_532 {strides = array<i32>} : memref<13x8x128xf32, #tpu.memory_space<vmem>>, vector<16xf32>,
        %mul3A_538 = arith.constant 128 : i32
        %mul3A_539 = arith.muli %add3A_111, %mul3A_538 : i32
        %add3A_540 = arith.constant 80 : i32
        %add3A_541 = arith.addi %mul3A_539, %add3A_540 : i32
        %get3A_542 = arith.index_cast %select_n3A : i32 to index
        %get3A_543 = arith.index_cast %add3A_541 : i32 to index
        %get3A_544 = tpu.vector_load %arg6[%get3A_542, %get3A_543] {strides = array<i32>} : memref<2x1664xi32, #tpu.memory_space<vmem>>, vector<16xi32>,
        %mul3A_545 = arith.constant 128 : i32
        %mul3A_546 = arith.muli %add3A_111, %mul3A_545 : i32
        %add3A_547 = arith.constant 80 : i32
        %add3A_548 = arith.addi %mul3A_546, %add3A_547 : i32
        %get3A_549 = arith.index_cast %select_n3A : i32 to index
        %get3A_550 = arith.index_cast %add3A_548 : i32 to index
        %get3A_551 = tpu.vector_load %arg7[%get3A_549, %get3A_550] {strides = array<i32>} : memref<2x1664xf32, #tpu.memory_space<vmem>>, vector<16xf32>,
        %broadcast_in_dim3A_552 = arith.constant 0 : i32
        %broadcast_in_dim3A_553 = vector.broadcast %broadcast_in_dim3A_552 : i32 to vector<16xi32>
        %gather3A_554 = tpu.vector_load_idx %arg8[%broadcast_in_dim3A_553, %get3A_544] : memref<8x8192xf32, #tpu.memory_space<vmem>>[vector<16xi32>, vector<16xi32>], vector<16xf32>,
        %mul3A_555 = arith.mulf %gather3A_554, %get3A_551 : vector<16xf32>
        %swap3A_556 = arith.constant 0 : i32
        %swap3A_557 = arith.index_cast %add3A_111 : i32 to index
        %swap3A_558 = arith.index_cast %swap3A_556 : i32 to index
        %swap3A_559 = arith.constant 80 : index
        %swap3A_560 = tpu.vector_load %arg9[%swap3A_557, %swap3A_558, %swap3A_559] {strides = array<i32>} : memref<13x8x128xf32, #tpu.memory_space<vmem>>, vector<16xf32>,
        tpu.vector_store %arg9[%swap3A_557, %swap3A_558, %swap3A_559], %mul3A_555 {strides = array<i32>} : memref<13x8x128xf32, #tpu.memory_space<vmem>>, vector<16xf32>,
        %broadcast_in_dim3A_561 = arith.constant 1 : i32
        %broadcast_in_dim3A_562 = vector.broadcast %broadcast_in_dim3A_561 : i32 to vector<16xi32>
        %gather3A_563 = tpu.vector_load_idx %arg8[%broadcast_in_dim3A_562, %get3A_544] : memref<8x8192xf32, #tpu.memory_space<vmem>>[vector<16xi32>, vector<16xi32>], vector<16xf32>,
        %mul3A_564 = arith.mulf %gather3A_563, %get3A_551 : vector<16xf32>
        %swap3A_565 = arith.constant 1 : i32
        %swap3A_566 = arith.index_cast %add3A_111 : i32 to index
        %swap3A_567 = arith.index_cast %swap3A_565 : i32 to index
        %swap3A_568 = arith.constant 80 : index
        %swap3A_569 = tpu.vector_load %arg9[%swap3A_566, %swap3A_567, %swap3A_568] {strides = array<i32>} : memref<13x8x128xf32, #tpu.memory_space<vmem>>, vector<16xf32>,
        tpu.vector_store %arg9[%swap3A_566, %swap3A_567, %swap3A_568], %mul3A_564 {strides = array<i32>} : memref<13x8x128xf32, #tpu.memory_space<vmem>>, vector<16xf32>,
        %broadcast_in_dim3A_570 = arith.constant 2 : i32
        %broadcast_in_dim3A_571 = vector.broadcast %broadcast_in_dim3A_570 : i32 to vector<16xi32>
        %gather3A_572 = tpu.vector_load_idx %arg8[%broadcast_in_dim3A_571, %get3A_544] : memref<8x8192xf32, #tpu.memory_space<vmem>>[vector<16xi32>, vector<16xi32>], vector<16xf32>,
        %mul3A_573 = arith.mulf %gather3A_572, %get3A_551 : vector<16xf32>
        %swap3A_574 = arith.constant 2 : i32
        %swap3A_575 = arith.index_cast %add3A_111 : i32 to index
        %swap3A_576 = arith.index_cast %swap3A_574 : i32 to index
        %swap3A_577 = arith.constant 80 : index
        %swap3A_578 = tpu.vector_load %arg9[%swap3A_575, %swap3A_576, %swap3A_577] {strides = array<i32>} : memref<13x8x128xf32, #tpu.memory_space<vmem>>, vector<16xf32>,
        tpu.vector_store %arg9[%swap3A_575, %swap3A_576, %swap3A_577], %mul3A_573 {strides = array<i32>} : memref<13x8x128xf32, #tpu.memory_space<vmem>>, vector<16xf32>,
        %broadcast_in_dim3A_579 = arith.constant 3 : i32
        %broadcast_in_dim3A_580 = vector.broadcast %broadcast_in_dim3A_579 : i32 to vector<16xi32>
        %gather3A_581 = tpu.vector_load_idx %arg8[%broadcast_in_dim3A_580, %get3A_544] : memref<8x8192xf32, #tpu.memory_space<vmem>>[vector<16xi32>, vector<16xi32>], vector<16xf32>,
        %mul3A_582 = arith.mulf %gather3A_581, %get3A_551 : vector<16xf32>
        %swap3A_583 = arith.constant 3 : i32
        %swap3A_584 = arith.index_cast %add3A_111 : i32 to index
        %swap3A_585 = arith.index_cast %swap3A_583 : i32 to index
        %swap3A_586 = arith.constant 80 : index
        %swap3A_587 = tpu.vector_load %arg9[%swap3A_584, %swap3A_585, %swap3A_586] {strides = array<i32>} : memref<13x8x128xf32, #tpu.memory_space<vmem>>, vector<16xf32>,
        tpu.vector_store %arg9[%swap3A_584, %swap3A_585, %swap3A_586], %mul3A_582 {strides = array<i32>} : memref<13x8x128xf32, #tpu.memory_space<vmem>>, vector<16xf32>,
        %broadcast_in_dim3A_588 = arith.constant 4 : i32
        %broadcast_in_dim3A_589 = vector.broadcast %broadcast_in_dim3A_588 : i32 to vector<16xi32>
        %gather3A_590 = tpu.vector_load_idx %arg8[%broadcast_in_dim3A_589, %get3A_544] : memref<8x8192xf32, #tpu.memory_space<vmem>>[vector<16xi32>, vector<16xi32>], vector<16xf32>,
        %mul3A_591 = arith.mulf %gather3A_590, %get3A_551 : vector<16xf32>
        %swap3A_592 = arith.constant 4 : i32
        %swap3A_593 = arith.index_cast %add3A_111 : i32 to index
        %swap3A_594 = arith.index_cast %swap3A_592 : i32 to index
        %swap3A_595 = arith.constant 80 : index
        %swap3A_596 = tpu.vector_load %arg9[%swap3A_593, %swap3A_594, %swap3A_595] {strides = array<i32>} : memref<13x8x128xf32, #tpu.memory_space<vmem>>, vector<16xf32>,
        tpu.vector_store %arg9[%swap3A_593, %swap3A_594, %swap3A_595], %mul3A_591 {strides = array<i32>} : memref<13x8x128xf32, #tpu.memory_space<vmem>>, vector<16xf32>,
        %broadcast_in_dim3A_597 = arith.constant 5 : i32
        %broadcast_in_dim3A_598 = vector.broadcast %broadcast_in_dim3A_597 : i32 to vector<16xi32>
        %gather3A_599 = tpu.vector_load_idx %arg8[%broadcast_in_dim3A_598, %get3A_544] : memref<8x8192xf32, #tpu.memory_space<vmem>>[vector<16xi32>, vector<16xi32>], vector<16xf32>,
        %mul3A_600 = arith.mulf %gather3A_599, %get3A_551 : vector<16xf32>
        %swap3A_601 = arith.constant 5 : i32
        %swap3A_602 = arith.index_cast %add3A_111 : i32 to index
        %swap3A_603 = arith.index_cast %swap3A_601 : i32 to index
        %swap3A_604 = arith.constant 80 : index
        %swap3A_605 = tpu.vector_load %arg9[%swap3A_602, %swap3A_603, %swap3A_604] {strides = array<i32>} : memref<13x8x128xf32, #tpu.memory_space<vmem>>, vector<16xf32>,
        tpu.vector_store %arg9[%swap3A_602, %swap3A_603, %swap3A_604], %mul3A_600 {strides = array<i32>} : memref<13x8x128xf32, #tpu.memory_space<vmem>>, vector<16xf32>,
        %broadcast_in_dim3A_606 = arith.constant 6 : i32
        %broadcast_in_dim3A_607 = vector.broadcast %broadcast_in_dim3A_606 : i32 to vector<16xi32>
        %gather3A_608 = tpu.vector_load_idx %arg8[%broadcast_in_dim3A_607, %get3A_544] : memref<8x8192xf32, #tpu.memory_space<vmem>>[vector<16xi32>, vector<16xi32>], vector<16xf32>,
        %mul3A_609 = arith.mulf %gather3A_608, %get3A_551 : vector<16xf32>
        %swap3A_610 = arith.constant 6 : i32
        %swap3A_611 = arith.index_cast %add3A_111 : i32 to index
        %swap3A_612 = arith.index_cast %swap3A_610 : i32 to index
        %swap3A_613 = arith.constant 80 : index
        %swap3A_614 = tpu.vector_load %arg9[%swap3A_611, %swap3A_612, %swap3A_613] {strides = array<i32>} : memref<13x8x128xf32, #tpu.memory_space<vmem>>, vector<16xf32>,
        tpu.vector_store %arg9[%swap3A_611, %swap3A_612, %swap3A_613], %mul3A_609 {strides = array<i32>} : memref<13x8x128xf32, #tpu.memory_space<vmem>>, vector<16xf32>,
        %broadcast_in_dim3A_615 = arith.constant 7 : i32
        %broadcast_in_dim3A_616 = vector.broadcast %broadcast_in_dim3A_615 : i32 to vector<16xi32>
        %gather3A_617 = tpu.vector_load_idx %arg8[%broadcast_in_dim3A_616, %get3A_544] : memref<8x8192xf32, #tpu.memory_space<vmem>>[vector<16xi32>, vector<16xi32>], vector<16xf32>,
        %mul3A_618 = arith.mulf %gather3A_617, %get3A_551 : vector<16xf32>
        %swap3A_619 = arith.constant 7 : i32
        %swap3A_620 = arith.index_cast %add3A_111 : i32 to index
        %swap3A_621 = arith.index_cast %swap3A_619 : i32 to index
        %swap3A_622 = arith.constant 80 : index
        %swap3A_623 = tpu.vector_load %arg9[%swap3A_620, %swap3A_621, %swap3A_622] {strides = array<i32>} : memref<13x8x128xf32, #tpu.memory_space<vmem>>, vector<16xf32>,
        tpu.vector_store %arg9[%swap3A_620, %swap3A_621, %swap3A_622], %mul3A_618 {strides = array<i32>} : memref<13x8x128xf32, #tpu.memory_space<vmem>>, vector<16xf32>,
        %mul3A_624 = arith.constant 128 : i32
        %mul3A_625 = arith.muli %add3A_111, %mul3A_624 : i32
        %add3A_626 = arith.constant 96 : i32
        %add3A_627 = arith.addi %mul3A_625, %add3A_626 : i32
        %get3A_628 = arith.index_cast %select_n3A : i32 to index
        %get3A_629 = arith.index_cast %add3A_627 : i32 to index
        %get3A_630 = tpu.vector_load %arg6[%get3A_628, %get3A_629] {strides = array<i32>} : memref<2x1664xi32, #tpu.memory_space<vmem>>, vector<16xi32>,
        %mul3A_631 = arith.constant 128 : i32
        %mul3A_632 = arith.muli %add3A_111, %mul3A_631 : i32
        %add3A_633 = arith.constant 96 : i32
        %add3A_634 = arith.addi %mul3A_632, %add3A_633 : i32
        %get3A_635 = arith.index_cast %select_n3A : i32 to index
        %get3A_636 = arith.index_cast %add3A_634 : i32 to index
        %get3A_637 = tpu.vector_load %arg7[%get3A_635, %get3A_636] {strides = array<i32>} : memref<2x1664xf32, #tpu.memory_space<vmem>>, vector<16xf32>,
        %broadcast_in_dim3A_638 = arith.constant 0 : i32
        %broadcast_in_dim3A_639 = vector.broadcast %broadcast_in_dim3A_638 : i32 to vector<16xi32>
        %gather3A_640 = tpu.vector_load_idx %arg8[%broadcast_in_dim3A_639, %get3A_630] : memref<8x8192xf32, #tpu.memory_space<vmem>>[vector<16xi32>, vector<16xi32>], vector<16xf32>,
        %mul3A_641 = arith.mulf %gather3A_640, %get3A_637 : vector<16xf32>
        %swap3A_642 = arith.constant 0 : i32
        %swap3A_643 = arith.index_cast %add3A_111 : i32 to index
        %swap3A_644 = arith.index_cast %swap3A_642 : i32 to index
        %swap3A_645 = arith.constant 96 : index
        %swap3A_646 = tpu.vector_load %arg9[%swap3A_643, %swap3A_644, %swap3A_645] {strides = array<i32>} : memref<13x8x128xf32, #tpu.memory_space<vmem>>, vector<16xf32>,
        tpu.vector_store %arg9[%swap3A_643, %swap3A_644, %swap3A_645], %mul3A_641 {strides = array<i32>} : memref<13x8x128xf32, #tpu.memory_space<vmem>>, vector<16xf32>,
        %broadcast_in_dim3A_647 = arith.constant 1 : i32
        %broadcast_in_dim3A_648 = vector.broadcast %broadcast_in_dim3A_647 : i32 to vector<16xi32>
        %gather3A_649 = tpu.vector_load_idx %arg8[%broadcast_in_dim3A_648, %get3A_630] : memref<8x8192xf32, #tpu.memory_space<vmem>>[vector<16xi32>, vector<16xi32>], vector<16xf32>,
        %mul3A_650 = arith.mulf %gather3A_649, %get3A_637 : vector<16xf32>
        %swap3A_651 = arith.constant 1 : i32
        %swap3A_652 = arith.index_cast %add3A_111 : i32 to index
        %swap3A_653 = arith.index_cast %swap3A_651 : i32 to index
        %swap3A_654 = arith.constant 96 : index
        %swap3A_655 = tpu.vector_load %arg9[%swap3A_652, %swap3A_653, %swap3A_654] {strides = array<i32>} : memref<13x8x128xf32, #tpu.memory_space<vmem>>, vector<16xf32>,
        tpu.vector_store %arg9[%swap3A_652, %swap3A_653, %swap3A_654], %mul3A_650 {strides = array<i32>} : memref<13x8x128xf32, #tpu.memory_space<vmem>>, vector<16xf32>,
        %broadcast_in_dim3A_656 = arith.constant 2 : i32
        %broadcast_in_dim3A_657 = vector.broadcast %broadcast_in_dim3A_656 : i32 to vector<16xi32>
        %gather3A_658 = tpu.vector_load_idx %arg8[%broadcast_in_dim3A_657, %get3A_630] : memref<8x8192xf32, #tpu.memory_space<vmem>>[vector<16xi32>, vector<16xi32>], vector<16xf32>,
        %mul3A_659 = arith.mulf %gather3A_658, %get3A_637 : vector<16xf32>
        %swap3A_660 = arith.constant 2 : i32
        %swap3A_661 = arith.index_cast %add3A_111 : i32 to index
        %swap3A_662 = arith.index_cast %swap3A_660 : i32 to index
        %swap3A_663 = arith.constant 96 : index
        %swap3A_664 = tpu.vector_load %arg9[%swap3A_661, %swap3A_662, %swap3A_663] {strides = array<i32>} : memref<13x8x128xf32, #tpu.memory_space<vmem>>, vector<16xf32>,
        tpu.vector_store %arg9[%swap3A_661, %swap3A_662, %swap3A_663], %mul3A_659 {strides = array<i32>} : memref<13x8x128xf32, #tpu.memory_space<vmem>>, vector<16xf32>,
        %broadcast_in_dim3A_665 = arith.constant 3 : i32
        %broadcast_in_dim3A_666 = vector.broadcast %broadcast_in_dim3A_665 : i32 to vector<16xi32>
        %gather3A_667 = tpu.vector_load_idx %arg8[%broadcast_in_dim3A_666, %get3A_630] : memref<8x8192xf32, #tpu.memory_space<vmem>>[vector<16xi32>, vector<16xi32>], vector<16xf32>,
        %mul3A_668 = arith.mulf %gather3A_667, %get3A_637 : vector<16xf32>
        %swap3A_669 = arith.constant 3 : i32
        %swap3A_670 = arith.index_cast %add3A_111 : i32 to index
        %swap3A_671 = arith.index_cast %swap3A_669 : i32 to index
        %swap3A_672 = arith.constant 96 : index
        %swap3A_673 = tpu.vector_load %arg9[%swap3A_670, %swap3A_671, %swap3A_672] {strides = array<i32>} : memref<13x8x128xf32, #tpu.memory_space<vmem>>, vector<16xf32>,
        tpu.vector_store %arg9[%swap3A_670, %swap3A_671, %swap3A_672], %mul3A_668 {strides = array<i32>} : memref<13x8x128xf32, #tpu.memory_space<vmem>>, vector<16xf32>,
        %broadcast_in_dim3A_674 = arith.constant 4 : i32
        %broadcast_in_dim3A_675 = vector.broadcast %broadcast_in_dim3A_674 : i32 to vector<16xi32>
        %gather3A_676 = tpu.vector_load_idx %arg8[%broadcast_in_dim3A_675, %get3A_630] : memref<8x8192xf32, #tpu.memory_space<vmem>>[vector<16xi32>, vector<16xi32>], vector<16xf32>,
        %mul3A_677 = arith.mulf %gather3A_676, %get3A_637 : vector<16xf32>
        %swap3A_678 = arith.constant 4 : i32
        %swap3A_679 = arith.index_cast %add3A_111 : i32 to index
        %swap3A_680 = arith.index_cast %swap3A_678 : i32 to index
        %swap3A_681 = arith.constant 96 : index
        %swap3A_682 = tpu.vector_load %arg9[%swap3A_679, %swap3A_680, %swap3A_681] {strides = array<i32>} : memref<13x8x128xf32, #tpu.memory_space<vmem>>, vector<16xf32>,
        tpu.vector_store %arg9[%swap3A_679, %swap3A_680, %swap3A_681], %mul3A_677 {strides = array<i32>} : memref<13x8x128xf32, #tpu.memory_space<vmem>>, vector<16xf32>,
        %broadcast_in_dim3A_683 = arith.constant 5 : i32
        %broadcast_in_dim3A_684 = vector.broadcast %broadcast_in_dim3A_683 : i32 to vector<16xi32>
        %gather3A_685 = tpu.vector_load_idx %arg8[%broadcast_in_dim3A_684, %get3A_630] : memref<8x8192xf32, #tpu.memory_space<vmem>>[vector<16xi32>, vector<16xi32>], vector<16xf32>,
        %mul3A_686 = arith.mulf %gather3A_685, %get3A_637 : vector<16xf32>
        %swap3A_687 = arith.constant 5 : i32
        %swap3A_688 = arith.index_cast %add3A_111 : i32 to index
        %swap3A_689 = arith.index_cast %swap3A_687 : i32 to index
        %swap3A_690 = arith.constant 96 : index
        %swap3A_691 = tpu.vector_load %arg9[%swap3A_688, %swap3A_689, %swap3A_690] {strides = array<i32>} : memref<13x8x128xf32, #tpu.memory_space<vmem>>, vector<16xf32>,
        tpu.vector_store %arg9[%swap3A_688, %swap3A_689, %swap3A_690], %mul3A_686 {strides = array<i32>} : memref<13x8x128xf32, #tpu.memory_space<vmem>>, vector<16xf32>,
        %broadcast_in_dim3A_692 = arith.constant 6 : i32
        %broadcast_in_dim3A_693 = vector.broadcast %broadcast_in_dim3A_692 : i32 to vector<16xi32>
        %gather3A_694 = tpu.vector_load_idx %arg8[%broadcast_in_dim3A_693, %get3A_630] : memref<8x8192xf32, #tpu.memory_space<vmem>>[vector<16xi32>, vector<16xi32>], vector<16xf32>,
        %mul3A_695 = arith.mulf %gather3A_694, %get3A_637 : vector<16xf32>
        %swap3A_696 = arith.constant 6 : i32
        %swap3A_697 = arith.index_cast %add3A_111 : i32 to index
        %swap3A_698 = arith.index_cast %swap3A_696 : i32 to index
        %swap3A_699 = arith.constant 96 : index
        %swap3A_700 = tpu.vector_load %arg9[%swap3A_697, %swap3A_698, %swap3A_699] {strides = array<i32>} : memref<13x8x128xf32, #tpu.memory_space<vmem>>, vector<16xf32>,
        tpu.vector_store %arg9[%swap3A_697, %swap3A_698, %swap3A_699], %mul3A_695 {strides = array<i32>} : memref<13x8x128xf32, #tpu.memory_space<vmem>>, vector<16xf32>,
        %broadcast_in_dim3A_701 = arith.constant 7 : i32
        %broadcast_in_dim3A_702 = vector.broadcast %broadcast_in_dim3A_701 : i32 to vector<16xi32>
        %gather3A_703 = tpu.vector_load_idx %arg8[%broadcast_in_dim3A_702, %get3A_630] : memref<8x8192xf32, #tpu.memory_space<vmem>>[vector<16xi32>, vector<16xi32>], vector<16xf32>,
        %mul3A_704 = arith.mulf %gather3A_703, %get3A_637 : vector<16xf32>
        %swap3A_705 = arith.constant 7 : i32
        %swap3A_706 = arith.index_cast %add3A_111 : i32 to index
        %swap3A_707 = arith.index_cast %swap3A_705 : i32 to index
        %swap3A_708 = arith.constant 96 : index
        %swap3A_709 = tpu.vector_load %arg9[%swap3A_706, %swap3A_707, %swap3A_708] {strides = array<i32>} : memref<13x8x128xf32, #tpu.memory_space<vmem>>, vector<16xf32>,
        tpu.vector_store %arg9[%swap3A_706, %swap3A_707, %swap3A_708], %mul3A_704 {strides = array<i32>} : memref<13x8x128xf32, #tpu.memory_space<vmem>>, vector<16xf32>,
        %mul3A_710 = arith.constant 128 : i32
        %mul3A_711 = arith.muli %add3A_111, %mul3A_710 : i32
        %add3A_712 = arith.constant 112 : i32
        %add3A_713 = arith.addi %mul3A_711, %add3A_712 : i32
        %get3A_714 = arith.index_cast %select_n3A : i32 to index
        %get3A_715 = arith.index_cast %add3A_713 : i32 to index
        %get3A_716 = tpu.vector_load %arg6[%get3A_714, %get3A_715] {strides = array<i32>} : memref<2x1664xi32, #tpu.memory_space<vmem>>, vector<16xi32>,
        %mul3A_717 = arith.constant 128 : i32
        %mul3A_718 = arith.muli %add3A_111, %mul3A_717 : i32
        %add3A_719 = arith.constant 112 : i32
        %add3A_720 = arith.addi %mul3A_718, %add3A_719 : i32
        %get3A_721 = arith.index_cast %select_n3A : i32 to index
        %get3A_722 = arith.index_cast %add3A_720 : i32 to index
        %get3A_723 = tpu.vector_load %arg7[%get3A_721, %get3A_722] {strides = array<i32>} : memref<2x1664xf32, #tpu.memory_space<vmem>>, vector<16xf32>,
        %broadcast_in_dim3A_724 = arith.constant 0 : i32
        %broadcast_in_dim3A_725 = vector.broadcast %broadcast_in_dim3A_724 : i32 to vector<16xi32>
        %gather3A_726 = tpu.vector_load_idx %arg8[%broadcast_in_dim3A_725, %get3A_716] : memref<8x8192xf32, #tpu.memory_space<vmem>>[vector<16xi32>, vector<16xi32>], vector<16xf32>,
        %mul3A_727 = arith.mulf %gather3A_726, %get3A_723 : vector<16xf32>
        %swap3A_728 = arith.constant 0 : i32
        %swap3A_729 = arith.index_cast %add3A_111 : i32 to index
        %swap3A_730 = arith.index_cast %swap3A_728 : i32 to index
        %swap3A_731 = arith.constant 112 : index
        %swap3A_732 = tpu.vector_load %arg9[%swap3A_729, %swap3A_730, %swap3A_731] {strides = array<i32>} : memref<13x8x128xf32, #tpu.memory_space<vmem>>, vector<16xf32>,
        tpu.vector_store %arg9[%swap3A_729, %swap3A_730, %swap3A_731], %mul3A_727 {strides = array<i32>} : memref<13x8x128xf32, #tpu.memory_space<vmem>>, vector<16xf32>,
        %broadcast_in_dim3A_733 = arith.constant 1 : i32
        %broadcast_in_dim3A_734 = vector.broadcast %broadcast_in_dim3A_733 : i32 to vector<16xi32>
        %gather3A_735 = tpu.vector_load_idx %arg8[%broadcast_in_dim3A_734, %get3A_716] : memref<8x8192xf32, #tpu.memory_space<vmem>>[vector<16xi32>, vector<16xi32>], vector<16xf32>,
        %mul3A_736 = arith.mulf %gather3A_735, %get3A_723 : vector<16xf32>
        %swap3A_737 = arith.constant 1 : i32
        %swap3A_738 = arith.index_cast %add3A_111 : i32 to index
        %swap3A_739 = arith.index_cast %swap3A_737 : i32 to index
        %swap3A_740 = arith.constant 112 : index
        %swap3A_741 = tpu.vector_load %arg9[%swap3A_738, %swap3A_739, %swap3A_740] {strides = array<i32>} : memref<13x8x128xf32, #tpu.memory_space<vmem>>, vector<16xf32>,
        tpu.vector_store %arg9[%swap3A_738, %swap3A_739, %swap3A_740], %mul3A_736 {strides = array<i32>} : memref<13x8x128xf32, #tpu.memory_space<vmem>>, vector<16xf32>,
        %broadcast_in_dim3A_742 = arith.constant 2 : i32
        %broadcast_in_dim3A_743 = vector.broadcast %broadcast_in_dim3A_742 : i32 to vector<16xi32>
        %gather3A_744 = tpu.vector_load_idx %arg8[%broadcast_in_dim3A_743, %get3A_716] : memref<8x8192xf32, #tpu.memory_space<vmem>>[vector<16xi32>, vector<16xi32>], vector<16xf32>,
        %mul3A_745 = arith.mulf %gather3A_744, %get3A_723 : vector<16xf32>
        %swap3A_746 = arith.constant 2 : i32
        %swap3A_747 = arith.index_cast %add3A_111 : i32 to index
        %swap3A_748 = arith.index_cast %swap3A_746 : i32 to index
        %swap3A_749 = arith.constant 112 : index
        %swap3A_750 = tpu.vector_load %arg9[%swap3A_747, %swap3A_748, %swap3A_749] {strides = array<i32>} : memref<13x8x128xf32, #tpu.memory_space<vmem>>, vector<16xf32>,
        tpu.vector_store %arg9[%swap3A_747, %swap3A_748, %swap3A_749], %mul3A_745 {strides = array<i32>} : memref<13x8x128xf32, #tpu.memory_space<vmem>>, vector<16xf32>,
        %broadcast_in_dim3A_751 = arith.constant 3 : i32
        %broadcast_in_dim3A_752 = vector.broadcast %broadcast_in_dim3A_751 : i32 to vector<16xi32>
        %gather3A_753 = tpu.vector_load_idx %arg8[%broadcast_in_dim3A_752, %get3A_716] : memref<8x8192xf32, #tpu.memory_space<vmem>>[vector<16xi32>, vector<16xi32>], vector<16xf32>,
        %mul3A_754 = arith.mulf %gather3A_753, %get3A_723 : vector<16xf32>
        %swap3A_755 = arith.constant 3 : i32
        %swap3A_756 = arith.index_cast %add3A_111 : i32 to index
        %swap3A_757 = arith.index_cast %swap3A_755 : i32 to index
        %swap3A_758 = arith.constant 112 : index
        %swap3A_759 = tpu.vector_load %arg9[%swap3A_756, %swap3A_757, %swap3A_758] {strides = array<i32>} : memref<13x8x128xf32, #tpu.memory_space<vmem>>, vector<16xf32>,
        tpu.vector_store %arg9[%swap3A_756, %swap3A_757, %swap3A_758], %mul3A_754 {strides = array<i32>} : memref<13x8x128xf32, #tpu.memory_space<vmem>>, vector<16xf32>,
        %broadcast_in_dim3A_760 = arith.constant 4 : i32
        %broadcast_in_dim3A_761 = vector.broadcast %broadcast_in_dim3A_760 : i32 to vector<16xi32>
        %gather3A_762 = tpu.vector_load_idx %arg8[%broadcast_in_dim3A_761, %get3A_716] : memref<8x8192xf32, #tpu.memory_space<vmem>>[vector<16xi32>, vector<16xi32>], vector<16xf32>,
        %mul3A_763 = arith.mulf %gather3A_762, %get3A_723 : vector<16xf32>
        %swap3A_764 = arith.constant 4 : i32
        %swap3A_765 = arith.index_cast %add3A_111 : i32 to index
        %swap3A_766 = arith.index_cast %swap3A_764 : i32 to index
        %swap3A_767 = arith.constant 112 : index
        %swap3A_768 = tpu.vector_load %arg9[%swap3A_765, %swap3A_766, %swap3A_767] {strides = array<i32>} : memref<13x8x128xf32, #tpu.memory_space<vmem>>, vector<16xf32>,
        tpu.vector_store %arg9[%swap3A_765, %swap3A_766, %swap3A_767], %mul3A_763 {strides = array<i32>} : memref<13x8x128xf32, #tpu.memory_space<vmem>>, vector<16xf32>,
        %broadcast_in_dim3A_769 = arith.constant 5 : i32
        %broadcast_in_dim3A_770 = vector.broadcast %broadcast_in_dim3A_769 : i32 to vector<16xi32>
        %gather3A_771 = tpu.vector_load_idx %arg8[%broadcast_in_dim3A_770, %get3A_716] : memref<8x8192xf32, #tpu.memory_space<vmem>>[vector<16xi32>, vector<16xi32>], vector<16xf32>,
        %mul3A_772 = arith.mulf %gather3A_771, %get3A_723 : vector<16xf32>
        %swap3A_773 = arith.constant 5 : i32
        %swap3A_774 = arith.index_cast %add3A_111 : i32 to index
        %swap3A_775 = arith.index_cast %swap3A_773 : i32 to index
        %swap3A_776 = arith.constant 112 : index
        %swap3A_777 = tpu.vector_load %arg9[%swap3A_774, %swap3A_775, %swap3A_776] {strides = array<i32>} : memref<13x8x128xf32, #tpu.memory_space<vmem>>, vector<16xf32>,
        tpu.vector_store %arg9[%swap3A_774, %swap3A_775, %swap3A_776], %mul3A_772 {strides = array<i32>} : memref<13x8x128xf32, #tpu.memory_space<vmem>>, vector<16xf32>,
        %broadcast_in_dim3A_778 = arith.constant 6 : i32
        %broadcast_in_dim3A_779 = vector.broadcast %broadcast_in_dim3A_778 : i32 to vector<16xi32>
        %gather3A_780 = tpu.vector_load_idx %arg8[%broadcast_in_dim3A_779, %get3A_716] : memref<8x8192xf32, #tpu.memory_space<vmem>>[vector<16xi32>, vector<16xi32>], vector<16xf32>,
        %mul3A_781 = arith.mulf %gather3A_780, %get3A_723 : vector<16xf32>
        %swap3A_782 = arith.constant 6 : i32
        %swap3A_783 = arith.index_cast %add3A_111 : i32 to index
        %swap3A_784 = arith.index_cast %swap3A_782 : i32 to index
        %swap3A_785 = arith.constant 112 : index
        %swap3A_786 = tpu.vector_load %arg9[%swap3A_783, %swap3A_784, %swap3A_785] {strides = array<i32>} : memref<13x8x128xf32, #tpu.memory_space<vmem>>, vector<16xf32>,
        tpu.vector_store %arg9[%swap3A_783, %swap3A_784, %swap3A_785], %mul3A_781 {strides = array<i32>} : memref<13x8x128xf32, #tpu.memory_space<vmem>>, vector<16xf32>,
        %broadcast_in_dim3A_787 = arith.constant 7 : i32
        %broadcast_in_dim3A_788 = vector.broadcast %broadcast_in_dim3A_787 : i32 to vector<16xi32>
        %gather3A_789 = tpu.vector_load_idx %arg8[%broadcast_in_dim3A_788, %get3A_716] : memref<8x8192xf32, #tpu.memory_space<vmem>>[vector<16xi32>, vector<16xi32>], vector<16xf32>,
        %mul3A_790 = arith.mulf %gather3A_789, %get3A_723 : vector<16xf32>
        %swap3A_791 = arith.constant 7 : i32
        %swap3A_792 = arith.index_cast %add3A_111 : i32 to index
        %swap3A_793 = arith.index_cast %swap3A_791 : i32 to index
        %swap3A_794 = arith.constant 112 : index
        %swap3A_795 = tpu.vector_load %arg9[%swap3A_792, %swap3A_793, %swap3A_794] {strides = array<i32>} : memref<13x8x128xf32, #tpu.memory_space<vmem>>, vector<16xf32>,
        tpu.vector_store %arg9[%swap3A_792, %swap3A_793, %swap3A_794], %mul3A_790 {strides = array<i32>} : memref<13x8x128xf32, #tpu.memory_space<vmem>>, vector<16xf32>,
      }
      %scan3A_66 = arith.constant 13 : i32
      %sub3A_67 = arith.constant 384 : i32
      %sub3A_68 = arith.subi %add3A_4, %sub3A_67 : i32
      %add3A_69 = arith.addi %sub3A_68, %add3A_58 : i32
      %dma_start3A = arith.constant 0 : i32
      %dma_start3A_70 = arith.constant 0 : i32
      %dma_start3A_71 = arith.constant 0 : i32
      %dma_start3A_72 = tpu.memref_slice %arg5[%add3A_69, %dma_start3A, %dma_start3A_70, %dma_start3A_71] : memref<128x13x8x128xf32, #tpu.memory_space<hbm>> -> memref<1x13x8x128xf32, #tpu.memory_space<hbm>>
      %dma_start3A_73 = tpu.memref_squeeze %dma_start3A_72 : memref<1x13x8x128xf32, #tpu.memory_space<hbm>> -> memref<13x8x128xf32, #tpu.memory_space<hbm>>
      %dma_start3A_74 = arith.constant 0 : i32
      %dma_start3A_75 = arith.constant 0 : i32
      %dma_start3A_76 = arith.constant 0 : i32
      %dma_start3A_77 = tpu.memref_slice %arg5[%add3A_69, %dma_start3A_74, %dma_start3A_75, %dma_start3A_76] : memref<128x13x8x128xf32, #tpu.memory_space<hbm>> -> memref<1x13x8x128xf32, #tpu.memory_space<hbm>>
      %dma_start3A_78 = tpu.memref_squeeze %dma_start3A_77 : memref<1x13x8x128xf32, #tpu.memory_space<hbm>> -> memref<13x8x128xf32, #tpu.memory_space<hbm>>
      tpu.enqueue_dma source(%arg9 : memref<13x8x128xf32, #tpu.memory_space<vmem>>) target(%dma_start3A_78 : memref<13x8x128xf32, #tpu.memory_space<hbm>>) target_semaphore(%arg11 : memref<!tpu.dma_semaphore, #tpu.memory_space<semaphore_mem>>)
      %ge3A_79 = arith.constant 2 : i32
      %ge3A_80 = arith.cmpi sge, %add3A_58, %ge3A_79 : i32
      %convert_element_type3A_81 = arith.extui %ge3A_80 : i1 to i32
      %cond3A_82 = arith.constant 0 : i32
      %cond3A_83 = arith.cmpi ne, %convert_element_type3A_81, %cond3A_82 : i32
      scf.if %cond3A_83 {
        %sub3A_107 = arith.constant 1 : i32
        %sub3A_108 = arith.subi %add3A_58, %sub3A_107 : i32
        %sub3A_109 = arith.constant 384 : i32
        %sub3A_110 = arith.subi %add3A_4, %sub3A_109 : i32
        %add3A_111 = arith.addi %sub3A_110, %sub3A_108 : i32
        %dma_wait3A_112 = arith.constant 0 : i32
        %dma_wait3A_113 = arith.constant 0 : i32
        %dma_wait3A_114 = arith.constant 0 : i32
        %dma_wait3A_115 = tpu.memref_slice %arg5[%add3A_111, %dma_wait3A_112, %dma_wait3A_113, %dma_wait3A_114] : memref<128x13x8x128xf32, #tpu.memory_space<hbm>> -> memref<1x13x8x128xf32, #tpu.memory_space<hbm>>
        %dma_wait3A_116 = tpu.memref_squeeze %dma_wait3A_115 : memref<1x13x8x128xf32, #tpu.memory_space<hbm>> -> memref<13x8x128xf32, #tpu.memory_space<hbm>>
        %dma_wait3A_117 = arith.constant 0 : i32
        %dma_wait3A_118 = arith.constant 0 : i32
        %dma_wait3A_119 = arith.constant 0 : i32
        %dma_wait3A_120 = tpu.memref_slice %arg5[%add3A_111, %dma_wait3A_117, %dma_wait3A_118, %dma_wait3A_119] : memref<128x13x8x128xf32, #tpu.memory_space<hbm>> -> memref<1x13x8x128xf32, #tpu.memory_space<hbm>>
        %dma_wait3A_121 = tpu.memref_squeeze %dma_wait3A_120 : memref<1x13x8x128xf32, #tpu.memory_space<hbm>> -> memref<13x8x128xf32, #tpu.memory_space<hbm>>
        tpu.wait_dma2 semaphore(%arg12 : memref<!tpu.dma_semaphore, #tpu.memory_space<semaphore_mem>>) src(%arg10 : memref<13x8x128xf32, #tpu.memory_space<vmem>>) dst(%dma_wait3A_121 : memref<13x8x128xf32, #tpu.memory_space<hbm>>)
      } else {
      }
      %add3A_84 = arith.constant 1 : i32
      %add3A_85 = arith.addi %add3A_58, %add3A_84 : i32
      %add3A_86 = arith.addi %add3A_4, %add3A_85 : i32
      "tpu.region"() ({
        %run_scoped3A = tpu.sem_alloc : memref<!tpu.dma_semaphore, #tpu.memory_space<semaphore_mem>>
        %dma_start3A_107 = arith.constant 0 : i32
        %dma_start3A_108 = arith.constant 0 : i32
        %dma_start3A_109 = tpu.memref_slice %arg2[%add3A_86, %dma_start3A_107, %dma_start3A_108] : memref<512x8x8192xf32, #tpu.memory_space<hbm>> -> memref<1x8x8192xf32, #tpu.memory_space<hbm>>
        %dma_start3A_110 = tpu.memref_squeeze %dma_start3A_109 : memref<1x8x8192xf32, #tpu.memory_space<hbm>> -> memref<8x8192xf32, #tpu.memory_space<hbm>>
        %dma_start3A_111 = arith.constant 0 : i32
        %dma_start3A_112 = arith.constant 0 : i32
        %dma_start3A_113 = tpu.memref_slice %arg2[%add3A_86, %dma_start3A_111, %dma_start3A_112] : memref<512x8x8192xf32, #tpu.memory_space<hbm>> -> memref<1x8x8192xf32, #tpu.memory_space<hbm>>
        %dma_start3A_114 = tpu.memref_squeeze %dma_start3A_113 : memref<1x8x8192xf32, #tpu.memory_space<hbm>> -> memref<8x8192xf32, #tpu.memory_space<hbm>>
        tpu.enqueue_dma source(%dma_start3A_114 : memref<8x8192xf32, #tpu.memory_space<hbm>>) target(%arg8 : memref<8x8192xf32, #tpu.memory_space<vmem>>) target_semaphore(%run_scoped3A : memref<!tpu.dma_semaphore, #tpu.memory_space<semaphore_mem>>)
        %dma_wait3A_115 = arith.constant 0 : i32
        %dma_wait3A_116 = arith.constant 0 : i32
        %dma_wait3A_117 = tpu.memref_slice %arg2[%add3A_86, %dma_wait3A_115, %dma_wait3A_116] : memref<512x8x8192xf32, #tpu.memory_space<hbm>> -> memref<1x8x8192xf32, #tpu.memory_space<hbm>>
        %dma_wait3A_118 = tpu.memref_squeeze %dma_wait3A_117 : memref<1x8x8192xf32, #tpu.memory_space<hbm>> -> memref<8x8192xf32, #tpu.memory_space<hbm>>
        %dma_wait3A_119 = arith.constant 0 : i32
        %dma_wait3A_120 = arith.constant 0 : i32
        %dma_wait3A_121 = tpu.memref_slice %arg2[%add3A_86, %dma_wait3A_119, %dma_wait3A_120] : memref<512x8x8192xf32, #tpu.memory_space<hbm>> -> memref<1x8x8192xf32, #tpu.memory_space<hbm>>
        %dma_wait3A_122 = tpu.memref_squeeze %dma_wait3A_121 : memref<1x8x8192xf32, #tpu.memory_space<hbm>> -> memref<8x8192xf32, #tpu.memory_space<hbm>>
        tpu.wait_dma2 semaphore(%run_scoped3A : memref<!tpu.dma_semaphore, #tpu.memory_space<semaphore_mem>>) src(%dma_wait3A_122 : memref<8x8192xf32, #tpu.memory_space<hbm>>) dst(%arg8 : memref<8x8192xf32, #tpu.memory_space<vmem>>)
        tpu.yield
      }) : () -> ()
      %scan3A_87 = arith.constant 0 : i32
      %scan3A_88 = arith.constant 13 : i32
      %scan3A_89 = arith.addi %scan3A_87, %scan3A_88 : i32
      %scan3A_90 = arith.constant 1 : i32
      scf.for %scan3A_107 = %scan3A_87 to %scan3A_89 step %scan3A_90  : i32 {
        %mul3A_108 = arith.constant 1 : i32
        %mul3A_109 = arith.muli %scan3A_107, %mul3A_108 : i32
        %add3A_110 = arith.constant 0 : i32
        %add3A_111 = arith.addi %add3A_110, %mul3A_109 : i32
        %mul3A_112 = arith.constant 128 : i32
        %mul3A_113 = arith.muli %add3A_111, %mul3A_112 : i32
        %add3A_114 = arith.constant 0 : i32
        %add3A_115 = arith.addi %mul3A_113, %add3A_114 : i32
        %get3A = arith.index_cast %select_n3A : i32 to index
        %get3A_116 = arith.index_cast %add3A_115 : i32 to index
        %get3A_117 = tpu.vector_load %arg6[%get3A, %get3A_116] {strides = array<i32>} : memref<2x1664xi32, #tpu.memory_space<vmem>>, vector<16xi32>,
        %mul3A_118 = arith.constant 128 : i32
        %mul3A_119 = arith.muli %add3A_111, %mul3A_118 : i32
        %add3A_120 = arith.constant 0 : i32
        %add3A_121 = arith.addi %mul3A_119, %add3A_120 : i32
        %get3A_122 = arith.index_cast %select_n3A : i32 to index
        %get3A_123 = arith.index_cast %add3A_121 : i32 to index
        %get3A_124 = tpu.vector_load %arg7[%get3A_122, %get3A_123] {strides = array<i32>} : memref<2x1664xf32, #tpu.memory_space<vmem>>, vector<16xf32>,
        %broadcast_in_dim3A = arith.constant 0 : i32
        %broadcast_in_dim3A_125 = vector.broadcast %broadcast_in_dim3A : i32 to vector<16xi32>
        %gather3A = tpu.vector_load_idx %arg8[%broadcast_in_dim3A_125, %get3A_117] : memref<8x8192xf32, #tpu.memory_space<vmem>>[vector<16xi32>, vector<16xi32>], vector<16xf32>,
        %mul3A_126 = arith.mulf %gather3A, %get3A_124 : vector<16xf32>
        %swap3A = arith.constant 0 : i32
        %swap3A_127 = arith.index_cast %add3A_111 : i32 to index
        %swap3A_128 = arith.index_cast %swap3A : i32 to index
        %swap3A_129 = arith.constant 0 : index
        %swap3A_130 = tpu.vector_load %arg10[%swap3A_127, %swap3A_128, %swap3A_129] {strides = array<i32>} : memref<13x8x128xf32, #tpu.memory_space<vmem>>, vector<16xf32>,
        tpu.vector_store %arg10[%swap3A_127, %swap3A_128, %swap3A_129], %mul3A_126 {strides = array<i32>} : memref<13x8x128xf32, #tpu.memory_space<vmem>>, vector<16xf32>,
        %broadcast_in_dim3A_131 = arith.constant 1 : i32
        %broadcast_in_dim3A_132 = vector.broadcast %broadcast_in_dim3A_131 : i32 to vector<16xi32>
        %gather3A_133 = tpu.vector_load_idx %arg8[%broadcast_in_dim3A_132, %get3A_117] : memref<8x8192xf32, #tpu.memory_space<vmem>>[vector<16xi32>, vector<16xi32>], vector<16xf32>,
        %mul3A_134 = arith.mulf %gather3A_133, %get3A_124 : vector<16xf32>
        %swap3A_135 = arith.constant 1 : i32
        %swap3A_136 = arith.index_cast %add3A_111 : i32 to index
        %swap3A_137 = arith.index_cast %swap3A_135 : i32 to index
        %swap3A_138 = arith.constant 0 : index
        %swap3A_139 = tpu.vector_load %arg10[%swap3A_136, %swap3A_137, %swap3A_138] {strides = array<i32>} : memref<13x8x128xf32, #tpu.memory_space<vmem>>, vector<16xf32>,
        tpu.vector_store %arg10[%swap3A_136, %swap3A_137, %swap3A_138], %mul3A_134 {strides = array<i32>} : memref<13x8x128xf32, #tpu.memory_space<vmem>>, vector<16xf32>,
        %broadcast_in_dim3A_140 = arith.constant 2 : i32
        %broadcast_in_dim3A_141 = vector.broadcast %broadcast_in_dim3A_140 : i32 to vector<16xi32>
        %gather3A_142 = tpu.vector_load_idx %arg8[%broadcast_in_dim3A_141, %get3A_117] : memref<8x8192xf32, #tpu.memory_space<vmem>>[vector<16xi32>, vector<16xi32>], vector<16xf32>,
        %mul3A_143 = arith.mulf %gather3A_142, %get3A_124 : vector<16xf32>
        %swap3A_144 = arith.constant 2 : i32
        %swap3A_145 = arith.index_cast %add3A_111 : i32 to index
        %swap3A_146 = arith.index_cast %swap3A_144 : i32 to index
        %swap3A_147 = arith.constant 0 : index
        %swap3A_148 = tpu.vector_load %arg10[%swap3A_145, %swap3A_146, %swap3A_147] {strides = array<i32>} : memref<13x8x128xf32, #tpu.memory_space<vmem>>, vector<16xf32>,
        tpu.vector_store %arg10[%swap3A_145, %swap3A_146, %swap3A_147], %mul3A_143 {strides = array<i32>} : memref<13x8x128xf32, #tpu.memory_space<vmem>>, vector<16xf32>,
        %broadcast_in_dim3A_149 = arith.constant 3 : i32
        %broadcast_in_dim3A_150 = vector.broadcast %broadcast_in_dim3A_149 : i32 to vector<16xi32>
        %gather3A_151 = tpu.vector_load_idx %arg8[%broadcast_in_dim3A_150, %get3A_117] : memref<8x8192xf32, #tpu.memory_space<vmem>>[vector<16xi32>, vector<16xi32>], vector<16xf32>,
        %mul3A_152 = arith.mulf %gather3A_151, %get3A_124 : vector<16xf32>
        %swap3A_153 = arith.constant 3 : i32
        %swap3A_154 = arith.index_cast %add3A_111 : i32 to index
        %swap3A_155 = arith.index_cast %swap3A_153 : i32 to index
        %swap3A_156 = arith.constant 0 : index
        %swap3A_157 = tpu.vector_load %arg10[%swap3A_154, %swap3A_155, %swap3A_156] {strides = array<i32>} : memref<13x8x128xf32, #tpu.memory_space<vmem>>, vector<16xf32>,
        tpu.vector_store %arg10[%swap3A_154, %swap3A_155, %swap3A_156], %mul3A_152 {strides = array<i32>} : memref<13x8x128xf32, #tpu.memory_space<vmem>>, vector<16xf32>,
        %broadcast_in_dim3A_158 = arith.constant 4 : i32
        %broadcast_in_dim3A_159 = vector.broadcast %broadcast_in_dim3A_158 : i32 to vector<16xi32>
        %gather3A_160 = tpu.vector_load_idx %arg8[%broadcast_in_dim3A_159, %get3A_117] : memref<8x8192xf32, #tpu.memory_space<vmem>>[vector<16xi32>, vector<16xi32>], vector<16xf32>,
        %mul3A_161 = arith.mulf %gather3A_160, %get3A_124 : vector<16xf32>
        %swap3A_162 = arith.constant 4 : i32
        %swap3A_163 = arith.index_cast %add3A_111 : i32 to index
        %swap3A_164 = arith.index_cast %swap3A_162 : i32 to index
        %swap3A_165 = arith.constant 0 : index
        %swap3A_166 = tpu.vector_load %arg10[%swap3A_163, %swap3A_164, %swap3A_165] {strides = array<i32>} : memref<13x8x128xf32, #tpu.memory_space<vmem>>, vector<16xf32>,
        tpu.vector_store %arg10[%swap3A_163, %swap3A_164, %swap3A_165], %mul3A_161 {strides = array<i32>} : memref<13x8x128xf32, #tpu.memory_space<vmem>>, vector<16xf32>,
        %broadcast_in_dim3A_167 = arith.constant 5 : i32
        %broadcast_in_dim3A_168 = vector.broadcast %broadcast_in_dim3A_167 : i32 to vector<16xi32>
        %gather3A_169 = tpu.vector_load_idx %arg8[%broadcast_in_dim3A_168, %get3A_117] : memref<8x8192xf32, #tpu.memory_space<vmem>>[vector<16xi32>, vector<16xi32>], vector<16xf32>,
        %mul3A_170 = arith.mulf %gather3A_169, %get3A_124 : vector<16xf32>
        %swap3A_171 = arith.constant 5 : i32
        %swap3A_172 = arith.index_cast %add3A_111 : i32 to index
        %swap3A_173 = arith.index_cast %swap3A_171 : i32 to index
        %swap3A_174 = arith.constant 0 : index
        %swap3A_175 = tpu.vector_load %arg10[%swap3A_172, %swap3A_173, %swap3A_174] {strides = array<i32>} : memref<13x8x128xf32, #tpu.memory_space<vmem>>, vector<16xf32>,
        tpu.vector_store %arg10[%swap3A_172, %swap3A_173, %swap3A_174], %mul3A_170 {strides = array<i32>} : memref<13x8x128xf32, #tpu.memory_space<vmem>>, vector<16xf32>,
        %broadcast_in_dim3A_176 = arith.constant 6 : i32
        %broadcast_in_dim3A_177 = vector.broadcast %broadcast_in_dim3A_176 : i32 to vector<16xi32>
        %gather3A_178 = tpu.vector_load_idx %arg8[%broadcast_in_dim3A_177, %get3A_117] : memref<8x8192xf32, #tpu.memory_space<vmem>>[vector<16xi32>, vector<16xi32>], vector<16xf32>,
        %mul3A_179 = arith.mulf %gather3A_178, %get3A_124 : vector<16xf32>
        %swap3A_180 = arith.constant 6 : i32
        %swap3A_181 = arith.index_cast %add3A_111 : i32 to index
        %swap3A_182 = arith.index_cast %swap3A_180 : i32 to index
        %swap3A_183 = arith.constant 0 : index
        %swap3A_184 = tpu.vector_load %arg10[%swap3A_181, %swap3A_182, %swap3A_183] {strides = array<i32>} : memref<13x8x128xf32, #tpu.memory_space<vmem>>, vector<16xf32>,
        tpu.vector_store %arg10[%swap3A_181, %swap3A_182, %swap3A_183], %mul3A_179 {strides = array<i32>} : memref<13x8x128xf32, #tpu.memory_space<vmem>>, vector<16xf32>,
        %broadcast_in_dim3A_185 = arith.constant 7 : i32
        %broadcast_in_dim3A_186 = vector.broadcast %broadcast_in_dim3A_185 : i32 to vector<16xi32>
        %gather3A_187 = tpu.vector_load_idx %arg8[%broadcast_in_dim3A_186, %get3A_117] : memref<8x8192xf32, #tpu.memory_space<vmem>>[vector<16xi32>, vector<16xi32>], vector<16xf32>,
        %mul3A_188 = arith.mulf %gather3A_187, %get3A_124 : vector<16xf32>
        %swap3A_189 = arith.constant 7 : i32
        %swap3A_190 = arith.index_cast %add3A_111 : i32 to index
        %swap3A_191 = arith.index_cast %swap3A_189 : i32 to index
        %swap3A_192 = arith.constant 0 : index
        %swap3A_193 = tpu.vector_load %arg10[%swap3A_190, %swap3A_191, %swap3A_192] {strides = array<i32>} : memref<13x8x128xf32, #tpu.memory_space<vmem>>, vector<16xf32>,
        tpu.vector_store %arg10[%swap3A_190, %swap3A_191, %swap3A_192], %mul3A_188 {strides = array<i32>} : memref<13x8x128xf32, #tpu.memory_space<vmem>>, vector<16xf32>,
        %mul3A_194 = arith.constant 128 : i32
        %mul3A_195 = arith.muli %add3A_111, %mul3A_194 : i32
        %add3A_196 = arith.constant 16 : i32
        %add3A_197 = arith.addi %mul3A_195, %add3A_196 : i32
        %get3A_198 = arith.index_cast %select_n3A : i32 to index
        %get3A_199 = arith.index_cast %add3A_197 : i32 to index
        %get3A_200 = tpu.vector_load %arg6[%get3A_198, %get3A_199] {strides = array<i32>} : memref<2x1664xi32, #tpu.memory_space<vmem>>, vector<16xi32>,
        %mul3A_201 = arith.constant 128 : i32
        %mul3A_202 = arith.muli %add3A_111, %mul3A_201 : i32
        %add3A_203 = arith.constant 16 : i32
        %add3A_204 = arith.addi %mul3A_202, %add3A_203 : i32
        %get3A_205 = arith.index_cast %select_n3A : i32 to index
        %get3A_206 = arith.index_cast %add3A_204 : i32 to index
        %get3A_207 = tpu.vector_load %arg7[%get3A_205, %get3A_206] {strides = array<i32>} : memref<2x1664xf32, #tpu.memory_space<vmem>>, vector<16xf32>,
        %broadcast_in_dim3A_208 = arith.constant 0 : i32
        %broadcast_in_dim3A_209 = vector.broadcast %broadcast_in_dim3A_208 : i32 to vector<16xi32>
        %gather3A_210 = tpu.vector_load_idx %arg8[%broadcast_in_dim3A_209, %get3A_200] : memref<8x8192xf32, #tpu.memory_space<vmem>>[vector<16xi32>, vector<16xi32>], vector<16xf32>,
        %mul3A_211 = arith.mulf %gather3A_210, %get3A_207 : vector<16xf32>
        %swap3A_212 = arith.constant 0 : i32
        %swap3A_213 = arith.index_cast %add3A_111 : i32 to index
        %swap3A_214 = arith.index_cast %swap3A_212 : i32 to index
        %swap3A_215 = arith.constant 16 : index
        %swap3A_216 = tpu.vector_load %arg10[%swap3A_213, %swap3A_214, %swap3A_215] {strides = array<i32>} : memref<13x8x128xf32, #tpu.memory_space<vmem>>, vector<16xf32>,
        tpu.vector_store %arg10[%swap3A_213, %swap3A_214, %swap3A_215], %mul3A_211 {strides = array<i32>} : memref<13x8x128xf32, #tpu.memory_space<vmem>>, vector<16xf32>,
        %broadcast_in_dim3A_217 = arith.constant 1 : i32
        %broadcast_in_dim3A_218 = vector.broadcast %broadcast_in_dim3A_217 : i32 to vector<16xi32>
        %gather3A_219 = tpu.vector_load_idx %arg8[%broadcast_in_dim3A_218, %get3A_200] : memref<8x8192xf32, #tpu.memory_space<vmem>>[vector<16xi32>, vector<16xi32>], vector<16xf32>,
        %mul3A_220 = arith.mulf %gather3A_219, %get3A_207 : vector<16xf32>
        %swap3A_221 = arith.constant 1 : i32
        %swap3A_222 = arith.index_cast %add3A_111 : i32 to index
        %swap3A_223 = arith.index_cast %swap3A_221 : i32 to index
        %swap3A_224 = arith.constant 16 : index
        %swap3A_225 = tpu.vector_load %arg10[%swap3A_222, %swap3A_223, %swap3A_224] {strides = array<i32>} : memref<13x8x128xf32, #tpu.memory_space<vmem>>, vector<16xf32>,
        tpu.vector_store %arg10[%swap3A_222, %swap3A_223, %swap3A_224], %mul3A_220 {strides = array<i32>} : memref<13x8x128xf32, #tpu.memory_space<vmem>>, vector<16xf32>,
        %broadcast_in_dim3A_226 = arith.constant 2 : i32
        %broadcast_in_dim3A_227 = vector.broadcast %broadcast_in_dim3A_226 : i32 to vector<16xi32>
        %gather3A_228 = tpu.vector_load_idx %arg8[%broadcast_in_dim3A_227, %get3A_200] : memref<8x8192xf32, #tpu.memory_space<vmem>>[vector<16xi32>, vector<16xi32>], vector<16xf32>,
        %mul3A_229 = arith.mulf %gather3A_228, %get3A_207 : vector<16xf32>
        %swap3A_230 = arith.constant 2 : i32
        %swap3A_231 = arith.index_cast %add3A_111 : i32 to index
        %swap3A_232 = arith.index_cast %swap3A_230 : i32 to index
        %swap3A_233 = arith.constant 16 : index
        %swap3A_234 = tpu.vector_load %arg10[%swap3A_231, %swap3A_232, %swap3A_233] {strides = array<i32>} : memref<13x8x128xf32, #tpu.memory_space<vmem>>, vector<16xf32>,
        tpu.vector_store %arg10[%swap3A_231, %swap3A_232, %swap3A_233], %mul3A_229 {strides = array<i32>} : memref<13x8x128xf32, #tpu.memory_space<vmem>>, vector<16xf32>,
        %broadcast_in_dim3A_235 = arith.constant 3 : i32
        %broadcast_in_dim3A_236 = vector.broadcast %broadcast_in_dim3A_235 : i32 to vector<16xi32>
        %gather3A_237 = tpu.vector_load_idx %arg8[%broadcast_in_dim3A_236, %get3A_200] : memref<8x8192xf32, #tpu.memory_space<vmem>>[vector<16xi32>, vector<16xi32>], vector<16xf32>,
        %mul3A_238 = arith.mulf %gather3A_237, %get3A_207 : vector<16xf32>
        %swap3A_239 = arith.constant 3 : i32
        %swap3A_240 = arith.index_cast %add3A_111 : i32 to index
        %swap3A_241 = arith.index_cast %swap3A_239 : i32 to index
        %swap3A_242 = arith.constant 16 : index
        %swap3A_243 = tpu.vector_load %arg10[%swap3A_240, %swap3A_241, %swap3A_242] {strides = array<i32>} : memref<13x8x128xf32, #tpu.memory_space<vmem>>, vector<16xf32>,
        tpu.vector_store %arg10[%swap3A_240, %swap3A_241, %swap3A_242], %mul3A_238 {strides = array<i32>} : memref<13x8x128xf32, #tpu.memory_space<vmem>>, vector<16xf32>,
        %broadcast_in_dim3A_244 = arith.constant 4 : i32
        %broadcast_in_dim3A_245 = vector.broadcast %broadcast_in_dim3A_244 : i32 to vector<16xi32>
        %gather3A_246 = tpu.vector_load_idx %arg8[%broadcast_in_dim3A_245, %get3A_200] : memref<8x8192xf32, #tpu.memory_space<vmem>>[vector<16xi32>, vector<16xi32>], vector<16xf32>,
        %mul3A_247 = arith.mulf %gather3A_246, %get3A_207 : vector<16xf32>
        %swap3A_248 = arith.constant 4 : i32
        %swap3A_249 = arith.index_cast %add3A_111 : i32 to index
        %swap3A_250 = arith.index_cast %swap3A_248 : i32 to index
        %swap3A_251 = arith.constant 16 : index
        %swap3A_252 = tpu.vector_load %arg10[%swap3A_249, %swap3A_250, %swap3A_251] {strides = array<i32>} : memref<13x8x128xf32, #tpu.memory_space<vmem>>, vector<16xf32>,
        tpu.vector_store %arg10[%swap3A_249, %swap3A_250, %swap3A_251], %mul3A_247 {strides = array<i32>} : memref<13x8x128xf32, #tpu.memory_space<vmem>>, vector<16xf32>,
        %broadcast_in_dim3A_253 = arith.constant 5 : i32
        %broadcast_in_dim3A_254 = vector.broadcast %broadcast_in_dim3A_253 : i32 to vector<16xi32>
        %gather3A_255 = tpu.vector_load_idx %arg8[%broadcast_in_dim3A_254, %get3A_200] : memref<8x8192xf32, #tpu.memory_space<vmem>>[vector<16xi32>, vector<16xi32>], vector<16xf32>,
        %mul3A_256 = arith.mulf %gather3A_255, %get3A_207 : vector<16xf32>
        %swap3A_257 = arith.constant 5 : i32
        %swap3A_258 = arith.index_cast %add3A_111 : i32 to index
        %swap3A_259 = arith.index_cast %swap3A_257 : i32 to index
        %swap3A_260 = arith.constant 16 : index
        %swap3A_261 = tpu.vector_load %arg10[%swap3A_258, %swap3A_259, %swap3A_260] {strides = array<i32>} : memref<13x8x128xf32, #tpu.memory_space<vmem>>, vector<16xf32>,
        tpu.vector_store %arg10[%swap3A_258, %swap3A_259, %swap3A_260], %mul3A_256 {strides = array<i32>} : memref<13x8x128xf32, #tpu.memory_space<vmem>>, vector<16xf32>,
        %broadcast_in_dim3A_262 = arith.constant 6 : i32
        %broadcast_in_dim3A_263 = vector.broadcast %broadcast_in_dim3A_262 : i32 to vector<16xi32>
        %gather3A_264 = tpu.vector_load_idx %arg8[%broadcast_in_dim3A_263, %get3A_200] : memref<8x8192xf32, #tpu.memory_space<vmem>>[vector<16xi32>, vector<16xi32>], vector<16xf32>,
        %mul3A_265 = arith.mulf %gather3A_264, %get3A_207 : vector<16xf32>
        %swap3A_266 = arith.constant 6 : i32
        %swap3A_267 = arith.index_cast %add3A_111 : i32 to index
        %swap3A_268 = arith.index_cast %swap3A_266 : i32 to index
        %swap3A_269 = arith.constant 16 : index
        %swap3A_270 = tpu.vector_load %arg10[%swap3A_267, %swap3A_268, %swap3A_269] {strides = array<i32>} : memref<13x8x128xf32, #tpu.memory_space<vmem>>, vector<16xf32>,
        tpu.vector_store %arg10[%swap3A_267, %swap3A_268, %swap3A_269], %mul3A_265 {strides = array<i32>} : memref<13x8x128xf32, #tpu.memory_space<vmem>>, vector<16xf32>,
        %broadcast_in_dim3A_271 = arith.constant 7 : i32
        %broadcast_in_dim3A_272 = vector.broadcast %broadcast_in_dim3A_271 : i32 to vector<16xi32>
        %gather3A_273 = tpu.vector_load_idx %arg8[%broadcast_in_dim3A_272, %get3A_200] : memref<8x8192xf32, #tpu.memory_space<vmem>>[vector<16xi32>, vector<16xi32>], vector<16xf32>,
        %mul3A_274 = arith.mulf %gather3A_273, %get3A_207 : vector<16xf32>
        %swap3A_275 = arith.constant 7 : i32
        %swap3A_276 = arith.index_cast %add3A_111 : i32 to index
        %swap3A_277 = arith.index_cast %swap3A_275 : i32 to index
        %swap3A_278 = arith.constant 16 : index
        %swap3A_279 = tpu.vector_load %arg10[%swap3A_276, %swap3A_277, %swap3A_278] {strides = array<i32>} : memref<13x8x128xf32, #tpu.memory_space<vmem>>, vector<16xf32>,
        tpu.vector_store %arg10[%swap3A_276, %swap3A_277, %swap3A_278], %mul3A_274 {strides = array<i32>} : memref<13x8x128xf32, #tpu.memory_space<vmem>>, vector<16xf32>,
        %mul3A_280 = arith.constant 128 : i32
        %mul3A_281 = arith.muli %add3A_111, %mul3A_280 : i32
        %add3A_282 = arith.constant 32 : i32
        %add3A_283 = arith.addi %mul3A_281, %add3A_282 : i32
        %get3A_284 = arith.index_cast %select_n3A : i32 to index
        %get3A_285 = arith.index_cast %add3A_283 : i32 to index
        %get3A_286 = tpu.vector_load %arg6[%get3A_284, %get3A_285] {strides = array<i32>} : memref<2x1664xi32, #tpu.memory_space<vmem>>, vector<16xi32>,
        %mul3A_287 = arith.constant 128 : i32
        %mul3A_288 = arith.muli %add3A_111, %mul3A_287 : i32
        %add3A_289 = arith.constant 32 : i32
        %add3A_290 = arith.addi %mul3A_288, %add3A_289 : i32
        %get3A_291 = arith.index_cast %select_n3A : i32 to index
        %get3A_292 = arith.index_cast %add3A_290 : i32 to index
        %get3A_293 = tpu.vector_load %arg7[%get3A_291, %get3A_292] {strides = array<i32>} : memref<2x1664xf32, #tpu.memory_space<vmem>>, vector<16xf32>,
        %broadcast_in_dim3A_294 = arith.constant 0 : i32
        %broadcast_in_dim3A_295 = vector.broadcast %broadcast_in_dim3A_294 : i32 to vector<16xi32>
        %gather3A_296 = tpu.vector_load_idx %arg8[%broadcast_in_dim3A_295, %get3A_286] : memref<8x8192xf32, #tpu.memory_space<vmem>>[vector<16xi32>, vector<16xi32>], vector<16xf32>,
        %mul3A_297 = arith.mulf %gather3A_296, %get3A_293 : vector<16xf32>
        %swap3A_298 = arith.constant 0 : i32
        %swap3A_299 = arith.index_cast %add3A_111 : i32 to index
        %swap3A_300 = arith.index_cast %swap3A_298 : i32 to index
        %swap3A_301 = arith.constant 32 : index
        %swap3A_302 = tpu.vector_load %arg10[%swap3A_299, %swap3A_300, %swap3A_301] {strides = array<i32>} : memref<13x8x128xf32, #tpu.memory_space<vmem>>, vector<16xf32>,
        tpu.vector_store %arg10[%swap3A_299, %swap3A_300, %swap3A_301], %mul3A_297 {strides = array<i32>} : memref<13x8x128xf32, #tpu.memory_space<vmem>>, vector<16xf32>,
        %broadcast_in_dim3A_303 = arith.constant 1 : i32
        %broadcast_in_dim3A_304 = vector.broadcast %broadcast_in_dim3A_303 : i32 to vector<16xi32>
        %gather3A_305 = tpu.vector_load_idx %arg8[%broadcast_in_dim3A_304, %get3A_286] : memref<8x8192xf32, #tpu.memory_space<vmem>>[vector<16xi32>, vector<16xi32>], vector<16xf32>,
        %mul3A_306 = arith.mulf %gather3A_305, %get3A_293 : vector<16xf32>
        %swap3A_307 = arith.constant 1 : i32
        %swap3A_308 = arith.index_cast %add3A_111 : i32 to index
        %swap3A_309 = arith.index_cast %swap3A_307 : i32 to index
        %swap3A_310 = arith.constant 32 : index
        %swap3A_311 = tpu.vector_load %arg10[%swap3A_308, %swap3A_309, %swap3A_310] {strides = array<i32>} : memref<13x8x128xf32, #tpu.memory_space<vmem>>, vector<16xf32>,
        tpu.vector_store %arg10[%swap3A_308, %swap3A_309, %swap3A_310], %mul3A_306 {strides = array<i32>} : memref<13x8x128xf32, #tpu.memory_space<vmem>>, vector<16xf32>,
        %broadcast_in_dim3A_312 = arith.constant 2 : i32
        %broadcast_in_dim3A_313 = vector.broadcast %broadcast_in_dim3A_312 : i32 to vector<16xi32>
        %gather3A_314 = tpu.vector_load_idx %arg8[%broadcast_in_dim3A_313, %get3A_286] : memref<8x8192xf32, #tpu.memory_space<vmem>>[vector<16xi32>, vector<16xi32>], vector<16xf32>,
        %mul3A_315 = arith.mulf %gather3A_314, %get3A_293 : vector<16xf32>
        %swap3A_316 = arith.constant 2 : i32
        %swap3A_317 = arith.index_cast %add3A_111 : i32 to index
        %swap3A_318 = arith.index_cast %swap3A_316 : i32 to index
        %swap3A_319 = arith.constant 32 : index
        %swap3A_320 = tpu.vector_load %arg10[%swap3A_317, %swap3A_318, %swap3A_319] {strides = array<i32>} : memref<13x8x128xf32, #tpu.memory_space<vmem>>, vector<16xf32>,
        tpu.vector_store %arg10[%swap3A_317, %swap3A_318, %swap3A_319], %mul3A_315 {strides = array<i32>} : memref<13x8x128xf32, #tpu.memory_space<vmem>>, vector<16xf32>,
        %broadcast_in_dim3A_321 = arith.constant 3 : i32
        %broadcast_in_dim3A_322 = vector.broadcast %broadcast_in_dim3A_321 : i32 to vector<16xi32>
        %gather3A_323 = tpu.vector_load_idx %arg8[%broadcast_in_dim3A_322, %get3A_286] : memref<8x8192xf32, #tpu.memory_space<vmem>>[vector<16xi32>, vector<16xi32>], vector<16xf32>,
        %mul3A_324 = arith.mulf %gather3A_323, %get3A_293 : vector<16xf32>
        %swap3A_325 = arith.constant 3 : i32
        %swap3A_326 = arith.index_cast %add3A_111 : i32 to index
        %swap3A_327 = arith.index_cast %swap3A_325 : i32 to index
        %swap3A_328 = arith.constant 32 : index
        %swap3A_329 = tpu.vector_load %arg10[%swap3A_326, %swap3A_327, %swap3A_328] {strides = array<i32>} : memref<13x8x128xf32, #tpu.memory_space<vmem>>, vector<16xf32>,
        tpu.vector_store %arg10[%swap3A_326, %swap3A_327, %swap3A_328], %mul3A_324 {strides = array<i32>} : memref<13x8x128xf32, #tpu.memory_space<vmem>>, vector<16xf32>,
        %broadcast_in_dim3A_330 = arith.constant 4 : i32
        %broadcast_in_dim3A_331 = vector.broadcast %broadcast_in_dim3A_330 : i32 to vector<16xi32>
        %gather3A_332 = tpu.vector_load_idx %arg8[%broadcast_in_dim3A_331, %get3A_286] : memref<8x8192xf32, #tpu.memory_space<vmem>>[vector<16xi32>, vector<16xi32>], vector<16xf32>,
        %mul3A_333 = arith.mulf %gather3A_332, %get3A_293 : vector<16xf32>
        %swap3A_334 = arith.constant 4 : i32
        %swap3A_335 = arith.index_cast %add3A_111 : i32 to index
        %swap3A_336 = arith.index_cast %swap3A_334 : i32 to index
        %swap3A_337 = arith.constant 32 : index
        %swap3A_338 = tpu.vector_load %arg10[%swap3A_335, %swap3A_336, %swap3A_337] {strides = array<i32>} : memref<13x8x128xf32, #tpu.memory_space<vmem>>, vector<16xf32>,
        tpu.vector_store %arg10[%swap3A_335, %swap3A_336, %swap3A_337], %mul3A_333 {strides = array<i32>} : memref<13x8x128xf32, #tpu.memory_space<vmem>>, vector<16xf32>,
        %broadcast_in_dim3A_339 = arith.constant 5 : i32
        %broadcast_in_dim3A_340 = vector.broadcast %broadcast_in_dim3A_339 : i32 to vector<16xi32>
        %gather3A_341 = tpu.vector_load_idx %arg8[%broadcast_in_dim3A_340, %get3A_286] : memref<8x8192xf32, #tpu.memory_space<vmem>>[vector<16xi32>, vector<16xi32>], vector<16xf32>,
        %mul3A_342 = arith.mulf %gather3A_341, %get3A_293 : vector<16xf32>
        %swap3A_343 = arith.constant 5 : i32
        %swap3A_344 = arith.index_cast %add3A_111 : i32 to index
        %swap3A_345 = arith.index_cast %swap3A_343 : i32 to index
        %swap3A_346 = arith.constant 32 : index
        %swap3A_347 = tpu.vector_load %arg10[%swap3A_344, %swap3A_345, %swap3A_346] {strides = array<i32>} : memref<13x8x128xf32, #tpu.memory_space<vmem>>, vector<16xf32>,
        tpu.vector_store %arg10[%swap3A_344, %swap3A_345, %swap3A_346], %mul3A_342 {strides = array<i32>} : memref<13x8x128xf32, #tpu.memory_space<vmem>>, vector<16xf32>,
        %broadcast_in_dim3A_348 = arith.constant 6 : i32
        %broadcast_in_dim3A_349 = vector.broadcast %broadcast_in_dim3A_348 : i32 to vector<16xi32>
        %gather3A_350 = tpu.vector_load_idx %arg8[%broadcast_in_dim3A_349, %get3A_286] : memref<8x8192xf32, #tpu.memory_space<vmem>>[vector<16xi32>, vector<16xi32>], vector<16xf32>,
        %mul3A_351 = arith.mulf %gather3A_350, %get3A_293 : vector<16xf32>
        %swap3A_352 = arith.constant 6 : i32
        %swap3A_353 = arith.index_cast %add3A_111 : i32 to index
        %swap3A_354 = arith.index_cast %swap3A_352 : i32 to index
        %swap3A_355 = arith.constant 32 : index
        %swap3A_356 = tpu.vector_load %arg10[%swap3A_353, %swap3A_354, %swap3A_355] {strides = array<i32>} : memref<13x8x128xf32, #tpu.memory_space<vmem>>, vector<16xf32>,
        tpu.vector_store %arg10[%swap3A_353, %swap3A_354, %swap3A_355], %mul3A_351 {strides = array<i32>} : memref<13x8x128xf32, #tpu.memory_space<vmem>>, vector<16xf32>,
        %broadcast_in_dim3A_357 = arith.constant 7 : i32
        %broadcast_in_dim3A_358 = vector.broadcast %broadcast_in_dim3A_357 : i32 to vector<16xi32>
        %gather3A_359 = tpu.vector_load_idx %arg8[%broadcast_in_dim3A_358, %get3A_286] : memref<8x8192xf32, #tpu.memory_space<vmem>>[vector<16xi32>, vector<16xi32>], vector<16xf32>,
        %mul3A_360 = arith.mulf %gather3A_359, %get3A_293 : vector<16xf32>
        %swap3A_361 = arith.constant 7 : i32
        %swap3A_362 = arith.index_cast %add3A_111 : i32 to index
        %swap3A_363 = arith.index_cast %swap3A_361 : i32 to index
        %swap3A_364 = arith.constant 32 : index
        %swap3A_365 = tpu.vector_load %arg10[%swap3A_362, %swap3A_363, %swap3A_364] {strides = array<i32>} : memref<13x8x128xf32, #tpu.memory_space<vmem>>, vector<16xf32>,
        tpu.vector_store %arg10[%swap3A_362, %swap3A_363, %swap3A_364], %mul3A_360 {strides = array<i32>} : memref<13x8x128xf32, #tpu.memory_space<vmem>>, vector<16xf32>,
        %mul3A_366 = arith.constant 128 : i32
        %mul3A_367 = arith.muli %add3A_111, %mul3A_366 : i32
        %add3A_368 = arith.constant 48 : i32
        %add3A_369 = arith.addi %mul3A_367, %add3A_368 : i32
        %get3A_370 = arith.index_cast %select_n3A : i32 to index
        %get3A_371 = arith.index_cast %add3A_369 : i32 to index
        %get3A_372 = tpu.vector_load %arg6[%get3A_370, %get3A_371] {strides = array<i32>} : memref<2x1664xi32, #tpu.memory_space<vmem>>, vector<16xi32>,
        %mul3A_373 = arith.constant 128 : i32
        %mul3A_374 = arith.muli %add3A_111, %mul3A_373 : i32
        %add3A_375 = arith.constant 48 : i32
        %add3A_376 = arith.addi %mul3A_374, %add3A_375 : i32
        %get3A_377 = arith.index_cast %select_n3A : i32 to index
        %get3A_378 = arith.index_cast %add3A_376 : i32 to index
        %get3A_379 = tpu.vector_load %arg7[%get3A_377, %get3A_378] {strides = array<i32>} : memref<2x1664xf32, #tpu.memory_space<vmem>>, vector<16xf32>,
        %broadcast_in_dim3A_380 = arith.constant 0 : i32
        %broadcast_in_dim3A_381 = vector.broadcast %broadcast_in_dim3A_380 : i32 to vector<16xi32>
        %gather3A_382 = tpu.vector_load_idx %arg8[%broadcast_in_dim3A_381, %get3A_372] : memref<8x8192xf32, #tpu.memory_space<vmem>>[vector<16xi32>, vector<16xi32>], vector<16xf32>,
        %mul3A_383 = arith.mulf %gather3A_382, %get3A_379 : vector<16xf32>
        %swap3A_384 = arith.constant 0 : i32
        %swap3A_385 = arith.index_cast %add3A_111 : i32 to index
        %swap3A_386 = arith.index_cast %swap3A_384 : i32 to index
        %swap3A_387 = arith.constant 48 : index
        %swap3A_388 = tpu.vector_load %arg10[%swap3A_385, %swap3A_386, %swap3A_387] {strides = array<i32>} : memref<13x8x128xf32, #tpu.memory_space<vmem>>, vector<16xf32>,
        tpu.vector_store %arg10[%swap3A_385, %swap3A_386, %swap3A_387], %mul3A_383 {strides = array<i32>} : memref<13x8x128xf32, #tpu.memory_space<vmem>>, vector<16xf32>,
        %broadcast_in_dim3A_389 = arith.constant 1 : i32
        %broadcast_in_dim3A_390 = vector.broadcast %broadcast_in_dim3A_389 : i32 to vector<16xi32>
        %gather3A_391 = tpu.vector_load_idx %arg8[%broadcast_in_dim3A_390, %get3A_372] : memref<8x8192xf32, #tpu.memory_space<vmem>>[vector<16xi32>, vector<16xi32>], vector<16xf32>,
        %mul3A_392 = arith.mulf %gather3A_391, %get3A_379 : vector<16xf32>
        %swap3A_393 = arith.constant 1 : i32
        %swap3A_394 = arith.index_cast %add3A_111 : i32 to index
        %swap3A_395 = arith.index_cast %swap3A_393 : i32 to index
        %swap3A_396 = arith.constant 48 : index
        %swap3A_397 = tpu.vector_load %arg10[%swap3A_394, %swap3A_395, %swap3A_396] {strides = array<i32>} : memref<13x8x128xf32, #tpu.memory_space<vmem>>, vector<16xf32>,
        tpu.vector_store %arg10[%swap3A_394, %swap3A_395, %swap3A_396], %mul3A_392 {strides = array<i32>} : memref<13x8x128xf32, #tpu.memory_space<vmem>>, vector<16xf32>,
        %broadcast_in_dim3A_398 = arith.constant 2 : i32
        %broadcast_in_dim3A_399 = vector.broadcast %broadcast_in_dim3A_398 : i32 to vector<16xi32>
        %gather3A_400 = tpu.vector_load_idx %arg8[%broadcast_in_dim3A_399, %get3A_372] : memref<8x8192xf32, #tpu.memory_space<vmem>>[vector<16xi32>, vector<16xi32>], vector<16xf32>,
        %mul3A_401 = arith.mulf %gather3A_400, %get3A_379 : vector<16xf32>
        %swap3A_402 = arith.constant 2 : i32
        %swap3A_403 = arith.index_cast %add3A_111 : i32 to index
        %swap3A_404 = arith.index_cast %swap3A_402 : i32 to index
        %swap3A_405 = arith.constant 48 : index
        %swap3A_406 = tpu.vector_load %arg10[%swap3A_403, %swap3A_404, %swap3A_405] {strides = array<i32>} : memref<13x8x128xf32, #tpu.memory_space<vmem>>, vector<16xf32>,
        tpu.vector_store %arg10[%swap3A_403, %swap3A_404, %swap3A_405], %mul3A_401 {strides = array<i32>} : memref<13x8x128xf32, #tpu.memory_space<vmem>>, vector<16xf32>,
        %broadcast_in_dim3A_407 = arith.constant 3 : i32
        %broadcast_in_dim3A_408 = vector.broadcast %broadcast_in_dim3A_407 : i32 to vector<16xi32>
        %gather3A_409 = tpu.vector_load_idx %arg8[%broadcast_in_dim3A_408, %get3A_372] : memref<8x8192xf32, #tpu.memory_space<vmem>>[vector<16xi32>, vector<16xi32>], vector<16xf32>,
        %mul3A_410 = arith.mulf %gather3A_409, %get3A_379 : vector<16xf32>
        %swap3A_411 = arith.constant 3 : i32
        %swap3A_412 = arith.index_cast %add3A_111 : i32 to index
        %swap3A_413 = arith.index_cast %swap3A_411 : i32 to index
        %swap3A_414 = arith.constant 48 : index
        %swap3A_415 = tpu.vector_load %arg10[%swap3A_412, %swap3A_413, %swap3A_414] {strides = array<i32>} : memref<13x8x128xf32, #tpu.memory_space<vmem>>, vector<16xf32>,
        tpu.vector_store %arg10[%swap3A_412, %swap3A_413, %swap3A_414], %mul3A_410 {strides = array<i32>} : memref<13x8x128xf32, #tpu.memory_space<vmem>>, vector<16xf32>,
        %broadcast_in_dim3A_416 = arith.constant 4 : i32
        %broadcast_in_dim3A_417 = vector.broadcast %broadcast_in_dim3A_416 : i32 to vector<16xi32>
        %gather3A_418 = tpu.vector_load_idx %arg8[%broadcast_in_dim3A_417, %get3A_372] : memref<8x8192xf32, #tpu.memory_space<vmem>>[vector<16xi32>, vector<16xi32>], vector<16xf32>,
        %mul3A_419 = arith.mulf %gather3A_418, %get3A_379 : vector<16xf32>
        %swap3A_420 = arith.constant 4 : i32
        %swap3A_421 = arith.index_cast %add3A_111 : i32 to index
        %swap3A_422 = arith.index_cast %swap3A_420 : i32 to index
        %swap3A_423 = arith.constant 48 : index
        %swap3A_424 = tpu.vector_load %arg10[%swap3A_421, %swap3A_422, %swap3A_423] {strides = array<i32>} : memref<13x8x128xf32, #tpu.memory_space<vmem>>, vector<16xf32>,
        tpu.vector_store %arg10[%swap3A_421, %swap3A_422, %swap3A_423], %mul3A_419 {strides = array<i32>} : memref<13x8x128xf32, #tpu.memory_space<vmem>>, vector<16xf32>,
        %broadcast_in_dim3A_425 = arith.constant 5 : i32
        %broadcast_in_dim3A_426 = vector.broadcast %broadcast_in_dim3A_425 : i32 to vector<16xi32>
        %gather3A_427 = tpu.vector_load_idx %arg8[%broadcast_in_dim3A_426, %get3A_372] : memref<8x8192xf32, #tpu.memory_space<vmem>>[vector<16xi32>, vector<16xi32>], vector<16xf32>,
        %mul3A_428 = arith.mulf %gather3A_427, %get3A_379 : vector<16xf32>
        %swap3A_429 = arith.constant 5 : i32
        %swap3A_430 = arith.index_cast %add3A_111 : i32 to index
        %swap3A_431 = arith.index_cast %swap3A_429 : i32 to index
        %swap3A_432 = arith.constant 48 : index
        %swap3A_433 = tpu.vector_load %arg10[%swap3A_430, %swap3A_431, %swap3A_432] {strides = array<i32>} : memref<13x8x128xf32, #tpu.memory_space<vmem>>, vector<16xf32>,
        tpu.vector_store %arg10[%swap3A_430, %swap3A_431, %swap3A_432], %mul3A_428 {strides = array<i32>} : memref<13x8x128xf32, #tpu.memory_space<vmem>>, vector<16xf32>,
        %broadcast_in_dim3A_434 = arith.constant 6 : i32
        %broadcast_in_dim3A_435 = vector.broadcast %broadcast_in_dim3A_434 : i32 to vector<16xi32>
        %gather3A_436 = tpu.vector_load_idx %arg8[%broadcast_in_dim3A_435, %get3A_372] : memref<8x8192xf32, #tpu.memory_space<vmem>>[vector<16xi32>, vector<16xi32>], vector<16xf32>,
        %mul3A_437 = arith.mulf %gather3A_436, %get3A_379 : vector<16xf32>
        %swap3A_438 = arith.constant 6 : i32
        %swap3A_439 = arith.index_cast %add3A_111 : i32 to index
        %swap3A_440 = arith.index_cast %swap3A_438 : i32 to index
        %swap3A_441 = arith.constant 48 : index
        %swap3A_442 = tpu.vector_load %arg10[%swap3A_439, %swap3A_440, %swap3A_441] {strides = array<i32>} : memref<13x8x128xf32, #tpu.memory_space<vmem>>, vector<16xf32>,
        tpu.vector_store %arg10[%swap3A_439, %swap3A_440, %swap3A_441], %mul3A_437 {strides = array<i32>} : memref<13x8x128xf32, #tpu.memory_space<vmem>>, vector<16xf32>,
        %broadcast_in_dim3A_443 = arith.constant 7 : i32
        %broadcast_in_dim3A_444 = vector.broadcast %broadcast_in_dim3A_443 : i32 to vector<16xi32>
        %gather3A_445 = tpu.vector_load_idx %arg8[%broadcast_in_dim3A_444, %get3A_372] : memref<8x8192xf32, #tpu.memory_space<vmem>>[vector<16xi32>, vector<16xi32>], vector<16xf32>,
        %mul3A_446 = arith.mulf %gather3A_445, %get3A_379 : vector<16xf32>
        %swap3A_447 = arith.constant 7 : i32
        %swap3A_448 = arith.index_cast %add3A_111 : i32 to index
        %swap3A_449 = arith.index_cast %swap3A_447 : i32 to index
        %swap3A_450 = arith.constant 48 : index
        %swap3A_451 = tpu.vector_load %arg10[%swap3A_448, %swap3A_449, %swap3A_450] {strides = array<i32>} : memref<13x8x128xf32, #tpu.memory_space<vmem>>, vector<16xf32>,
        tpu.vector_store %arg10[%swap3A_448, %swap3A_449, %swap3A_450], %mul3A_446 {strides = array<i32>} : memref<13x8x128xf32, #tpu.memory_space<vmem>>, vector<16xf32>,
        %mul3A_452 = arith.constant 128 : i32
        %mul3A_453 = arith.muli %add3A_111, %mul3A_452 : i32
        %add3A_454 = arith.constant 64 : i32
        %add3A_455 = arith.addi %mul3A_453, %add3A_454 : i32
        %get3A_456 = arith.index_cast %select_n3A : i32 to index
        %get3A_457 = arith.index_cast %add3A_455 : i32 to index
        %get3A_458 = tpu.vector_load %arg6[%get3A_456, %get3A_457] {strides = array<i32>} : memref<2x1664xi32, #tpu.memory_space<vmem>>, vector<16xi32>,
        %mul3A_459 = arith.constant 128 : i32
        %mul3A_460 = arith.muli %add3A_111, %mul3A_459 : i32
        %add3A_461 = arith.constant 64 : i32
        %add3A_462 = arith.addi %mul3A_460, %add3A_461 : i32
        %get3A_463 = arith.index_cast %select_n3A : i32 to index
        %get3A_464 = arith.index_cast %add3A_462 : i32 to index
        %get3A_465 = tpu.vector_load %arg7[%get3A_463, %get3A_464] {strides = array<i32>} : memref<2x1664xf32, #tpu.memory_space<vmem>>, vector<16xf32>,
        %broadcast_in_dim3A_466 = arith.constant 0 : i32
        %broadcast_in_dim3A_467 = vector.broadcast %broadcast_in_dim3A_466 : i32 to vector<16xi32>
        %gather3A_468 = tpu.vector_load_idx %arg8[%broadcast_in_dim3A_467, %get3A_458] : memref<8x8192xf32, #tpu.memory_space<vmem>>[vector<16xi32>, vector<16xi32>], vector<16xf32>,
        %mul3A_469 = arith.mulf %gather3A_468, %get3A_465 : vector<16xf32>
        %swap3A_470 = arith.constant 0 : i32
        %swap3A_471 = arith.index_cast %add3A_111 : i32 to index
        %swap3A_472 = arith.index_cast %swap3A_470 : i32 to index
        %swap3A_473 = arith.constant 64 : index
        %swap3A_474 = tpu.vector_load %arg10[%swap3A_471, %swap3A_472, %swap3A_473] {strides = array<i32>} : memref<13x8x128xf32, #tpu.memory_space<vmem>>, vector<16xf32>,
        tpu.vector_store %arg10[%swap3A_471, %swap3A_472, %swap3A_473], %mul3A_469 {strides = array<i32>} : memref<13x8x128xf32, #tpu.memory_space<vmem>>, vector<16xf32>,
        %broadcast_in_dim3A_475 = arith.constant 1 : i32
        %broadcast_in_dim3A_476 = vector.broadcast %broadcast_in_dim3A_475 : i32 to vector<16xi32>
        %gather3A_477 = tpu.vector_load_idx %arg8[%broadcast_in_dim3A_476, %get3A_458] : memref<8x8192xf32, #tpu.memory_space<vmem>>[vector<16xi32>, vector<16xi32>], vector<16xf32>,
        %mul3A_478 = arith.mulf %gather3A_477, %get3A_465 : vector<16xf32>
        %swap3A_479 = arith.constant 1 : i32
        %swap3A_480 = arith.index_cast %add3A_111 : i32 to index
        %swap3A_481 = arith.index_cast %swap3A_479 : i32 to index
        %swap3A_482 = arith.constant 64 : index
        %swap3A_483 = tpu.vector_load %arg10[%swap3A_480, %swap3A_481, %swap3A_482] {strides = array<i32>} : memref<13x8x128xf32, #tpu.memory_space<vmem>>, vector<16xf32>,
        tpu.vector_store %arg10[%swap3A_480, %swap3A_481, %swap3A_482], %mul3A_478 {strides = array<i32>} : memref<13x8x128xf32, #tpu.memory_space<vmem>>, vector<16xf32>,
        %broadcast_in_dim3A_484 = arith.constant 2 : i32
        %broadcast_in_dim3A_485 = vector.broadcast %broadcast_in_dim3A_484 : i32 to vector<16xi32>
        %gather3A_486 = tpu.vector_load_idx %arg8[%broadcast_in_dim3A_485, %get3A_458] : memref<8x8192xf32, #tpu.memory_space<vmem>>[vector<16xi32>, vector<16xi32>], vector<16xf32>,
        %mul3A_487 = arith.mulf %gather3A_486, %get3A_465 : vector<16xf32>
        %swap3A_488 = arith.constant 2 : i32
        %swap3A_489 = arith.index_cast %add3A_111 : i32 to index
        %swap3A_490 = arith.index_cast %swap3A_488 : i32 to index
        %swap3A_491 = arith.constant 64 : index
        %swap3A_492 = tpu.vector_load %arg10[%swap3A_489, %swap3A_490, %swap3A_491] {strides = array<i32>} : memref<13x8x128xf32, #tpu.memory_space<vmem>>, vector<16xf32>,
        tpu.vector_store %arg10[%swap3A_489, %swap3A_490, %swap3A_491], %mul3A_487 {strides = array<i32>} : memref<13x8x128xf32, #tpu.memory_space<vmem>>, vector<16xf32>,
        %broadcast_in_dim3A_493 = arith.constant 3 : i32
        %broadcast_in_dim3A_494 = vector.broadcast %broadcast_in_dim3A_493 : i32 to vector<16xi32>
        %gather3A_495 = tpu.vector_load_idx %arg8[%broadcast_in_dim3A_494, %get3A_458] : memref<8x8192xf32, #tpu.memory_space<vmem>>[vector<16xi32>, vector<16xi32>], vector<16xf32>,
        %mul3A_496 = arith.mulf %gather3A_495, %get3A_465 : vector<16xf32>
        %swap3A_497 = arith.constant 3 : i32
        %swap3A_498 = arith.index_cast %add3A_111 : i32 to index
        %swap3A_499 = arith.index_cast %swap3A_497 : i32 to index
        %swap3A_500 = arith.constant 64 : index
        %swap3A_501 = tpu.vector_load %arg10[%swap3A_498, %swap3A_499, %swap3A_500] {strides = array<i32>} : memref<13x8x128xf32, #tpu.memory_space<vmem>>, vector<16xf32>,
        tpu.vector_store %arg10[%swap3A_498, %swap3A_499, %swap3A_500], %mul3A_496 {strides = array<i32>} : memref<13x8x128xf32, #tpu.memory_space<vmem>>, vector<16xf32>,
        %broadcast_in_dim3A_502 = arith.constant 4 : i32
        %broadcast_in_dim3A_503 = vector.broadcast %broadcast_in_dim3A_502 : i32 to vector<16xi32>
        %gather3A_504 = tpu.vector_load_idx %arg8[%broadcast_in_dim3A_503, %get3A_458] : memref<8x8192xf32, #tpu.memory_space<vmem>>[vector<16xi32>, vector<16xi32>], vector<16xf32>,
        %mul3A_505 = arith.mulf %gather3A_504, %get3A_465 : vector<16xf32>
        %swap3A_506 = arith.constant 4 : i32
        %swap3A_507 = arith.index_cast %add3A_111 : i32 to index
        %swap3A_508 = arith.index_cast %swap3A_506 : i32 to index
        %swap3A_509 = arith.constant 64 : index
        %swap3A_510 = tpu.vector_load %arg10[%swap3A_507, %swap3A_508, %swap3A_509] {strides = array<i32>} : memref<13x8x128xf32, #tpu.memory_space<vmem>>, vector<16xf32>,
        tpu.vector_store %arg10[%swap3A_507, %swap3A_508, %swap3A_509], %mul3A_505 {strides = array<i32>} : memref<13x8x128xf32, #tpu.memory_space<vmem>>, vector<16xf32>,
        %broadcast_in_dim3A_511 = arith.constant 5 : i32
        %broadcast_in_dim3A_512 = vector.broadcast %broadcast_in_dim3A_511 : i32 to vector<16xi32>
        %gather3A_513 = tpu.vector_load_idx %arg8[%broadcast_in_dim3A_512, %get3A_458] : memref<8x8192xf32, #tpu.memory_space<vmem>>[vector<16xi32>, vector<16xi32>], vector<16xf32>,
        %mul3A_514 = arith.mulf %gather3A_513, %get3A_465 : vector<16xf32>
        %swap3A_515 = arith.constant 5 : i32
        %swap3A_516 = arith.index_cast %add3A_111 : i32 to index
        %swap3A_517 = arith.index_cast %swap3A_515 : i32 to index
        %swap3A_518 = arith.constant 64 : index
        %swap3A_519 = tpu.vector_load %arg10[%swap3A_516, %swap3A_517, %swap3A_518] {strides = array<i32>} : memref<13x8x128xf32, #tpu.memory_space<vmem>>, vector<16xf32>,
        tpu.vector_store %arg10[%swap3A_516, %swap3A_517, %swap3A_518], %mul3A_514 {strides = array<i32>} : memref<13x8x128xf32, #tpu.memory_space<vmem>>, vector<16xf32>,
        %broadcast_in_dim3A_520 = arith.constant 6 : i32
        %broadcast_in_dim3A_521 = vector.broadcast %broadcast_in_dim3A_520 : i32 to vector<16xi32>
        %gather3A_522 = tpu.vector_load_idx %arg8[%broadcast_in_dim3A_521, %get3A_458] : memref<8x8192xf32, #tpu.memory_space<vmem>>[vector<16xi32>, vector<16xi32>], vector<16xf32>,
        %mul3A_523 = arith.mulf %gather3A_522, %get3A_465 : vector<16xf32>
        %swap3A_524 = arith.constant 6 : i32
        %swap3A_525 = arith.index_cast %add3A_111 : i32 to index
        %swap3A_526 = arith.index_cast %swap3A_524 : i32 to index
        %swap3A_527 = arith.constant 64 : index
        %swap3A_528 = tpu.vector_load %arg10[%swap3A_525, %swap3A_526, %swap3A_527] {strides = array<i32>} : memref<13x8x128xf32, #tpu.memory_space<vmem>>, vector<16xf32>,
        tpu.vector_store %arg10[%swap3A_525, %swap3A_526, %swap3A_527], %mul3A_523 {strides = array<i32>} : memref<13x8x128xf32, #tpu.memory_space<vmem>>, vector<16xf32>,
        %broadcast_in_dim3A_529 = arith.constant 7 : i32
        %broadcast_in_dim3A_530 = vector.broadcast %broadcast_in_dim3A_529 : i32 to vector<16xi32>
        %gather3A_531 = tpu.vector_load_idx %arg8[%broadcast_in_dim3A_530, %get3A_458] : memref<8x8192xf32, #tpu.memory_space<vmem>>[vector<16xi32>, vector<16xi32>], vector<16xf32>,
        %mul3A_532 = arith.mulf %gather3A_531, %get3A_465 : vector<16xf32>
        %swap3A_533 = arith.constant 7 : i32
        %swap3A_534 = arith.index_cast %add3A_111 : i32 to index
        %swap3A_535 = arith.index_cast %swap3A_533 : i32 to index
        %swap3A_536 = arith.constant 64 : index
        %swap3A_537 = tpu.vector_load %arg10[%swap3A_534, %swap3A_535, %swap3A_536] {strides = array<i32>} : memref<13x8x128xf32, #tpu.memory_space<vmem>>, vector<16xf32>,
        tpu.vector_store %arg10[%swap3A_534, %swap3A_535, %swap3A_536], %mul3A_532 {strides = array<i32>} : memref<13x8x128xf32, #tpu.memory_space<vmem>>, vector<16xf32>,
        %mul3A_538 = arith.constant 128 : i32
        %mul3A_539 = arith.muli %add3A_111, %mul3A_538 : i32
        %add3A_540 = arith.constant 80 : i32
        %add3A_541 = arith.addi %mul3A_539, %add3A_540 : i32
        %get3A_542 = arith.index_cast %select_n3A : i32 to index
        %get3A_543 = arith.index_cast %add3A_541 : i32 to index
        %get3A_544 = tpu.vector_load %arg6[%get3A_542, %get3A_543] {strides = array<i32>} : memref<2x1664xi32, #tpu.memory_space<vmem>>, vector<16xi32>,
        %mul3A_545 = arith.constant 128 : i32
        %mul3A_546 = arith.muli %add3A_111, %mul3A_545 : i32
        %add3A_547 = arith.constant 80 : i32
        %add3A_548 = arith.addi %mul3A_546, %add3A_547 : i32
        %get3A_549 = arith.index_cast %select_n3A : i32 to index
        %get3A_550 = arith.index_cast %add3A_548 : i32 to index
        %get3A_551 = tpu.vector_load %arg7[%get3A_549, %get3A_550] {strides = array<i32>} : memref<2x1664xf32, #tpu.memory_space<vmem>>, vector<16xf32>,
        %broadcast_in_dim3A_552 = arith.constant 0 : i32
        %broadcast_in_dim3A_553 = vector.broadcast %broadcast_in_dim3A_552 : i32 to vector<16xi32>
        %gather3A_554 = tpu.vector_load_idx %arg8[%broadcast_in_dim3A_553, %get3A_544] : memref<8x8192xf32, #tpu.memory_space<vmem>>[vector<16xi32>, vector<16xi32>], vector<16xf32>,
        %mul3A_555 = arith.mulf %gather3A_554, %get3A_551 : vector<16xf32>
        %swap3A_556 = arith.constant 0 : i32
        %swap3A_557 = arith.index_cast %add3A_111 : i32 to index
        %swap3A_558 = arith.index_cast %swap3A_556 : i32 to index
        %swap3A_559 = arith.constant 80 : index
        %swap3A_560 = tpu.vector_load %arg10[%swap3A_557, %swap3A_558, %swap3A_559] {strides = array<i32>} : memref<13x8x128xf32, #tpu.memory_space<vmem>>, vector<16xf32>,
        tpu.vector_store %arg10[%swap3A_557, %swap3A_558, %swap3A_559], %mul3A_555 {strides = array<i32>} : memref<13x8x128xf32, #tpu.memory_space<vmem>>, vector<16xf32>,
        %broadcast_in_dim3A_561 = arith.constant 1 : i32
        %broadcast_in_dim3A_562 = vector.broadcast %broadcast_in_dim3A_561 : i32 to vector<16xi32>
        %gather3A_563 = tpu.vector_load_idx %arg8[%broadcast_in_dim3A_562, %get3A_544] : memref<8x8192xf32, #tpu.memory_space<vmem>>[vector<16xi32>, vector<16xi32>], vector<16xf32>,
        %mul3A_564 = arith.mulf %gather3A_563, %get3A_551 : vector<16xf32>
        %swap3A_565 = arith.constant 1 : i32
        %swap3A_566 = arith.index_cast %add3A_111 : i32 to index
        %swap3A_567 = arith.index_cast %swap3A_565 : i32 to index
        %swap3A_568 = arith.constant 80 : index
        %swap3A_569 = tpu.vector_load %arg10[%swap3A_566, %swap3A_567, %swap3A_568] {strides = array<i32>} : memref<13x8x128xf32, #tpu.memory_space<vmem>>, vector<16xf32>,
        tpu.vector_store %arg10[%swap3A_566, %swap3A_567, %swap3A_568], %mul3A_564 {strides = array<i32>} : memref<13x8x128xf32, #tpu.memory_space<vmem>>, vector<16xf32>,
        %broadcast_in_dim3A_570 = arith.constant 2 : i32
        %broadcast_in_dim3A_571 = vector.broadcast %broadcast_in_dim3A_570 : i32 to vector<16xi32>
        %gather3A_572 = tpu.vector_load_idx %arg8[%broadcast_in_dim3A_571, %get3A_544] : memref<8x8192xf32, #tpu.memory_space<vmem>>[vector<16xi32>, vector<16xi32>], vector<16xf32>,
        %mul3A_573 = arith.mulf %gather3A_572, %get3A_551 : vector<16xf32>
        %swap3A_574 = arith.constant 2 : i32
        %swap3A_575 = arith.index_cast %add3A_111 : i32 to index
        %swap3A_576 = arith.index_cast %swap3A_574 : i32 to index
        %swap3A_577 = arith.constant 80 : index
        %swap3A_578 = tpu.vector_load %arg10[%swap3A_575, %swap3A_576, %swap3A_577] {strides = array<i32>} : memref<13x8x128xf32, #tpu.memory_space<vmem>>, vector<16xf32>,
        tpu.vector_store %arg10[%swap3A_575, %swap3A_576, %swap3A_577], %mul3A_573 {strides = array<i32>} : memref<13x8x128xf32, #tpu.memory_space<vmem>>, vector<16xf32>,
        %broadcast_in_dim3A_579 = arith.constant 3 : i32
        %broadcast_in_dim3A_580 = vector.broadcast %broadcast_in_dim3A_579 : i32 to vector<16xi32>
        %gather3A_581 = tpu.vector_load_idx %arg8[%broadcast_in_dim3A_580, %get3A_544] : memref<8x8192xf32, #tpu.memory_space<vmem>>[vector<16xi32>, vector<16xi32>], vector<16xf32>,
        %mul3A_582 = arith.mulf %gather3A_581, %get3A_551 : vector<16xf32>
        %swap3A_583 = arith.constant 3 : i32
        %swap3A_584 = arith.index_cast %add3A_111 : i32 to index
        %swap3A_585 = arith.index_cast %swap3A_583 : i32 to index
        %swap3A_586 = arith.constant 80 : index
        %swap3A_587 = tpu.vector_load %arg10[%swap3A_584, %swap3A_585, %swap3A_586] {strides = array<i32>} : memref<13x8x128xf32, #tpu.memory_space<vmem>>, vector<16xf32>,
        tpu.vector_store %arg10[%swap3A_584, %swap3A_585, %swap3A_586], %mul3A_582 {strides = array<i32>} : memref<13x8x128xf32, #tpu.memory_space<vmem>>, vector<16xf32>,
        %broadcast_in_dim3A_588 = arith.constant 4 : i32
        %broadcast_in_dim3A_589 = vector.broadcast %broadcast_in_dim3A_588 : i32 to vector<16xi32>
        %gather3A_590 = tpu.vector_load_idx %arg8[%broadcast_in_dim3A_589, %get3A_544] : memref<8x8192xf32, #tpu.memory_space<vmem>>[vector<16xi32>, vector<16xi32>], vector<16xf32>,
        %mul3A_591 = arith.mulf %gather3A_590, %get3A_551 : vector<16xf32>
        %swap3A_592 = arith.constant 4 : i32
        %swap3A_593 = arith.index_cast %add3A_111 : i32 to index
        %swap3A_594 = arith.index_cast %swap3A_592 : i32 to index
        %swap3A_595 = arith.constant 80 : index
        %swap3A_596 = tpu.vector_load %arg10[%swap3A_593, %swap3A_594, %swap3A_595] {strides = array<i32>} : memref<13x8x128xf32, #tpu.memory_space<vmem>>, vector<16xf32>,
        tpu.vector_store %arg10[%swap3A_593, %swap3A_594, %swap3A_595], %mul3A_591 {strides = array<i32>} : memref<13x8x128xf32, #tpu.memory_space<vmem>>, vector<16xf32>,
        %broadcast_in_dim3A_597 = arith.constant 5 : i32
        %broadcast_in_dim3A_598 = vector.broadcast %broadcast_in_dim3A_597 : i32 to vector<16xi32>
        %gather3A_599 = tpu.vector_load_idx %arg8[%broadcast_in_dim3A_598, %get3A_544] : memref<8x8192xf32, #tpu.memory_space<vmem>>[vector<16xi32>, vector<16xi32>], vector<16xf32>,
        %mul3A_600 = arith.mulf %gather3A_599, %get3A_551 : vector<16xf32>
        %swap3A_601 = arith.constant 5 : i32
        %swap3A_602 = arith.index_cast %add3A_111 : i32 to index
        %swap3A_603 = arith.index_cast %swap3A_601 : i32 to index
        %swap3A_604 = arith.constant 80 : index
        %swap3A_605 = tpu.vector_load %arg10[%swap3A_602, %swap3A_603, %swap3A_604] {strides = array<i32>} : memref<13x8x128xf32, #tpu.memory_space<vmem>>, vector<16xf32>,
        tpu.vector_store %arg10[%swap3A_602, %swap3A_603, %swap3A_604], %mul3A_600 {strides = array<i32>} : memref<13x8x128xf32, #tpu.memory_space<vmem>>, vector<16xf32>,
        %broadcast_in_dim3A_606 = arith.constant 6 : i32
        %broadcast_in_dim3A_607 = vector.broadcast %broadcast_in_dim3A_606 : i32 to vector<16xi32>
        %gather3A_608 = tpu.vector_load_idx %arg8[%broadcast_in_dim3A_607, %get3A_544] : memref<8x8192xf32, #tpu.memory_space<vmem>>[vector<16xi32>, vector<16xi32>], vector<16xf32>,
        %mul3A_609 = arith.mulf %gather3A_608, %get3A_551 : vector<16xf32>
        %swap3A_610 = arith.constant 6 : i32
        %swap3A_611 = arith.index_cast %add3A_111 : i32 to index
        %swap3A_612 = arith.index_cast %swap3A_610 : i32 to index
        %swap3A_613 = arith.constant 80 : index
        %swap3A_614 = tpu.vector_load %arg10[%swap3A_611, %swap3A_612, %swap3A_613] {strides = array<i32>} : memref<13x8x128xf32, #tpu.memory_space<vmem>>, vector<16xf32>,
        tpu.vector_store %arg10[%swap3A_611, %swap3A_612, %swap3A_613], %mul3A_609 {strides = array<i32>} : memref<13x8x128xf32, #tpu.memory_space<vmem>>, vector<16xf32>,
        %broadcast_in_dim3A_615 = arith.constant 7 : i32
        %broadcast_in_dim3A_616 = vector.broadcast %broadcast_in_dim3A_615 : i32 to vector<16xi32>
        %gather3A_617 = tpu.vector_load_idx %arg8[%broadcast_in_dim3A_616, %get3A_544] : memref<8x8192xf32, #tpu.memory_space<vmem>>[vector<16xi32>, vector<16xi32>], vector<16xf32>,
        %mul3A_618 = arith.mulf %gather3A_617, %get3A_551 : vector<16xf32>
        %swap3A_619 = arith.constant 7 : i32
        %swap3A_620 = arith.index_cast %add3A_111 : i32 to index
        %swap3A_621 = arith.index_cast %swap3A_619 : i32 to index
        %swap3A_622 = arith.constant 80 : index
        %swap3A_623 = tpu.vector_load %arg10[%swap3A_620, %swap3A_621, %swap3A_622] {strides = array<i32>} : memref<13x8x128xf32, #tpu.memory_space<vmem>>, vector<16xf32>,
        tpu.vector_store %arg10[%swap3A_620, %swap3A_621, %swap3A_622], %mul3A_618 {strides = array<i32>} : memref<13x8x128xf32, #tpu.memory_space<vmem>>, vector<16xf32>,
        %mul3A_624 = arith.constant 128 : i32
        %mul3A_625 = arith.muli %add3A_111, %mul3A_624 : i32
        %add3A_626 = arith.constant 96 : i32
        %add3A_627 = arith.addi %mul3A_625, %add3A_626 : i32
        %get3A_628 = arith.index_cast %select_n3A : i32 to index
        %get3A_629 = arith.index_cast %add3A_627 : i32 to index
        %get3A_630 = tpu.vector_load %arg6[%get3A_628, %get3A_629] {strides = array<i32>} : memref<2x1664xi32, #tpu.memory_space<vmem>>, vector<16xi32>,
        %mul3A_631 = arith.constant 128 : i32
        %mul3A_632 = arith.muli %add3A_111, %mul3A_631 : i32
        %add3A_633 = arith.constant 96 : i32
        %add3A_634 = arith.addi %mul3A_632, %add3A_633 : i32
        %get3A_635 = arith.index_cast %select_n3A : i32 to index
        %get3A_636 = arith.index_cast %add3A_634 : i32 to index
        %get3A_637 = tpu.vector_load %arg7[%get3A_635, %get3A_636] {strides = array<i32>} : memref<2x1664xf32, #tpu.memory_space<vmem>>, vector<16xf32>,
        %broadcast_in_dim3A_638 = arith.constant 0 : i32
        %broadcast_in_dim3A_639 = vector.broadcast %broadcast_in_dim3A_638 : i32 to vector<16xi32>
        %gather3A_640 = tpu.vector_load_idx %arg8[%broadcast_in_dim3A_639, %get3A_630] : memref<8x8192xf32, #tpu.memory_space<vmem>>[vector<16xi32>, vector<16xi32>], vector<16xf32>,
        %mul3A_641 = arith.mulf %gather3A_640, %get3A_637 : vector<16xf32>
        %swap3A_642 = arith.constant 0 : i32
        %swap3A_643 = arith.index_cast %add3A_111 : i32 to index
        %swap3A_644 = arith.index_cast %swap3A_642 : i32 to index
        %swap3A_645 = arith.constant 96 : index
        %swap3A_646 = tpu.vector_load %arg10[%swap3A_643, %swap3A_644, %swap3A_645] {strides = array<i32>} : memref<13x8x128xf32, #tpu.memory_space<vmem>>, vector<16xf32>,
        tpu.vector_store %arg10[%swap3A_643, %swap3A_644, %swap3A_645], %mul3A_641 {strides = array<i32>} : memref<13x8x128xf32, #tpu.memory_space<vmem>>, vector<16xf32>,
        %broadcast_in_dim3A_647 = arith.constant 1 : i32
        %broadcast_in_dim3A_648 = vector.broadcast %broadcast_in_dim3A_647 : i32 to vector<16xi32>
        %gather3A_649 = tpu.vector_load_idx %arg8[%broadcast_in_dim3A_648, %get3A_630] : memref<8x8192xf32, #tpu.memory_space<vmem>>[vector<16xi32>, vector<16xi32>], vector<16xf32>,
        %mul3A_650 = arith.mulf %gather3A_649, %get3A_637 : vector<16xf32>
        %swap3A_651 = arith.constant 1 : i32
        %swap3A_652 = arith.index_cast %add3A_111 : i32 to index
        %swap3A_653 = arith.index_cast %swap3A_651 : i32 to index
        %swap3A_654 = arith.constant 96 : index
        %swap3A_655 = tpu.vector_load %arg10[%swap3A_652, %swap3A_653, %swap3A_654] {strides = array<i32>} : memref<13x8x128xf32, #tpu.memory_space<vmem>>, vector<16xf32>,
        tpu.vector_store %arg10[%swap3A_652, %swap3A_653, %swap3A_654], %mul3A_650 {strides = array<i32>} : memref<13x8x128xf32, #tpu.memory_space<vmem>>, vector<16xf32>,
        %broadcast_in_dim3A_656 = arith.constant 2 : i32
        %broadcast_in_dim3A_657 = vector.broadcast %broadcast_in_dim3A_656 : i32 to vector<16xi32>
        %gather3A_658 = tpu.vector_load_idx %arg8[%broadcast_in_dim3A_657, %get3A_630] : memref<8x8192xf32, #tpu.memory_space<vmem>>[vector<16xi32>, vector<16xi32>], vector<16xf32>,
        %mul3A_659 = arith.mulf %gather3A_658, %get3A_637 : vector<16xf32>
        %swap3A_660 = arith.constant 2 : i32
        %swap3A_661 = arith.index_cast %add3A_111 : i32 to index
        %swap3A_662 = arith.index_cast %swap3A_660 : i32 to index
        %swap3A_663 = arith.constant 96 : index
        %swap3A_664 = tpu.vector_load %arg10[%swap3A_661, %swap3A_662, %swap3A_663] {strides = array<i32>} : memref<13x8x128xf32, #tpu.memory_space<vmem>>, vector<16xf32>,
        tpu.vector_store %arg10[%swap3A_661, %swap3A_662, %swap3A_663], %mul3A_659 {strides = array<i32>} : memref<13x8x128xf32, #tpu.memory_space<vmem>>, vector<16xf32>,
        %broadcast_in_dim3A_665 = arith.constant 3 : i32
        %broadcast_in_dim3A_666 = vector.broadcast %broadcast_in_dim3A_665 : i32 to vector<16xi32>
        %gather3A_667 = tpu.vector_load_idx %arg8[%broadcast_in_dim3A_666, %get3A_630] : memref<8x8192xf32, #tpu.memory_space<vmem>>[vector<16xi32>, vector<16xi32>], vector<16xf32>,
        %mul3A_668 = arith.mulf %gather3A_667, %get3A_637 : vector<16xf32>
        %swap3A_669 = arith.constant 3 : i32
        %swap3A_670 = arith.index_cast %add3A_111 : i32 to index
        %swap3A_671 = arith.index_cast %swap3A_669 : i32 to index
        %swap3A_672 = arith.constant 96 : index
        %swap3A_673 = tpu.vector_load %arg10[%swap3A_670, %swap3A_671, %swap3A_672] {strides = array<i32>} : memref<13x8x128xf32, #tpu.memory_space<vmem>>, vector<16xf32>,
        tpu.vector_store %arg10[%swap3A_670, %swap3A_671, %swap3A_672], %mul3A_668 {strides = array<i32>} : memref<13x8x128xf32, #tpu.memory_space<vmem>>, vector<16xf32>,
        %broadcast_in_dim3A_674 = arith.constant 4 : i32
        %broadcast_in_dim3A_675 = vector.broadcast %broadcast_in_dim3A_674 : i32 to vector<16xi32>
        %gather3A_676 = tpu.vector_load_idx %arg8[%broadcast_in_dim3A_675, %get3A_630] : memref<8x8192xf32, #tpu.memory_space<vmem>>[vector<16xi32>, vector<16xi32>], vector<16xf32>,
        %mul3A_677 = arith.mulf %gather3A_676, %get3A_637 : vector<16xf32>
        %swap3A_678 = arith.constant 4 : i32
        %swap3A_679 = arith.index_cast %add3A_111 : i32 to index
        %swap3A_680 = arith.index_cast %swap3A_678 : i32 to index
        %swap3A_681 = arith.constant 96 : index
        %swap3A_682 = tpu.vector_load %arg10[%swap3A_679, %swap3A_680, %swap3A_681] {strides = array<i32>} : memref<13x8x128xf32, #tpu.memory_space<vmem>>, vector<16xf32>,
        tpu.vector_store %arg10[%swap3A_679, %swap3A_680, %swap3A_681], %mul3A_677 {strides = array<i32>} : memref<13x8x128xf32, #tpu.memory_space<vmem>>, vector<16xf32>,
        %broadcast_in_dim3A_683 = arith.constant 5 : i32
        %broadcast_in_dim3A_684 = vector.broadcast %broadcast_in_dim3A_683 : i32 to vector<16xi32>
        %gather3A_685 = tpu.vector_load_idx %arg8[%broadcast_in_dim3A_684, %get3A_630] : memref<8x8192xf32, #tpu.memory_space<vmem>>[vector<16xi32>, vector<16xi32>], vector<16xf32>,
        %mul3A_686 = arith.mulf %gather3A_685, %get3A_637 : vector<16xf32>
        %swap3A_687 = arith.constant 5 : i32
        %swap3A_688 = arith.index_cast %add3A_111 : i32 to index
        %swap3A_689 = arith.index_cast %swap3A_687 : i32 to index
        %swap3A_690 = arith.constant 96 : index
        %swap3A_691 = tpu.vector_load %arg10[%swap3A_688, %swap3A_689, %swap3A_690] {strides = array<i32>} : memref<13x8x128xf32, #tpu.memory_space<vmem>>, vector<16xf32>,
        tpu.vector_store %arg10[%swap3A_688, %swap3A_689, %swap3A_690], %mul3A_686 {strides = array<i32>} : memref<13x8x128xf32, #tpu.memory_space<vmem>>, vector<16xf32>,
        %broadcast_in_dim3A_692 = arith.constant 6 : i32
        %broadcast_in_dim3A_693 = vector.broadcast %broadcast_in_dim3A_692 : i32 to vector<16xi32>
        %gather3A_694 = tpu.vector_load_idx %arg8[%broadcast_in_dim3A_693, %get3A_630] : memref<8x8192xf32, #tpu.memory_space<vmem>>[vector<16xi32>, vector<16xi32>], vector<16xf32>,
        %mul3A_695 = arith.mulf %gather3A_694, %get3A_637 : vector<16xf32>
        %swap3A_696 = arith.constant 6 : i32
        %swap3A_697 = arith.index_cast %add3A_111 : i32 to index
        %swap3A_698 = arith.index_cast %swap3A_696 : i32 to index
        %swap3A_699 = arith.constant 96 : index
        %swap3A_700 = tpu.vector_load %arg10[%swap3A_697, %swap3A_698, %swap3A_699] {strides = array<i32>} : memref<13x8x128xf32, #tpu.memory_space<vmem>>, vector<16xf32>,
        tpu.vector_store %arg10[%swap3A_697, %swap3A_698, %swap3A_699], %mul3A_695 {strides = array<i32>} : memref<13x8x128xf32, #tpu.memory_space<vmem>>, vector<16xf32>,
        %broadcast_in_dim3A_701 = arith.constant 7 : i32
        %broadcast_in_dim3A_702 = vector.broadcast %broadcast_in_dim3A_701 : i32 to vector<16xi32>
        %gather3A_703 = tpu.vector_load_idx %arg8[%broadcast_in_dim3A_702, %get3A_630] : memref<8x8192xf32, #tpu.memory_space<vmem>>[vector<16xi32>, vector<16xi32>], vector<16xf32>,
        %mul3A_704 = arith.mulf %gather3A_703, %get3A_637 : vector<16xf32>
        %swap3A_705 = arith.constant 7 : i32
        %swap3A_706 = arith.index_cast %add3A_111 : i32 to index
        %swap3A_707 = arith.index_cast %swap3A_705 : i32 to index
        %swap3A_708 = arith.constant 96 : index
        %swap3A_709 = tpu.vector_load %arg10[%swap3A_706, %swap3A_707, %swap3A_708] {strides = array<i32>} : memref<13x8x128xf32, #tpu.memory_space<vmem>>, vector<16xf32>,
        tpu.vector_store %arg10[%swap3A_706, %swap3A_707, %swap3A_708], %mul3A_704 {strides = array<i32>} : memref<13x8x128xf32, #tpu.memory_space<vmem>>, vector<16xf32>,
        %mul3A_710 = arith.constant 128 : i32
        %mul3A_711 = arith.muli %add3A_111, %mul3A_710 : i32
        %add3A_712 = arith.constant 112 : i32
        %add3A_713 = arith.addi %mul3A_711, %add3A_712 : i32
        %get3A_714 = arith.index_cast %select_n3A : i32 to index
        %get3A_715 = arith.index_cast %add3A_713 : i32 to index
        %get3A_716 = tpu.vector_load %arg6[%get3A_714, %get3A_715] {strides = array<i32>} : memref<2x1664xi32, #tpu.memory_space<vmem>>, vector<16xi32>,
        %mul3A_717 = arith.constant 128 : i32
        %mul3A_718 = arith.muli %add3A_111, %mul3A_717 : i32
        %add3A_719 = arith.constant 112 : i32
        %add3A_720 = arith.addi %mul3A_718, %add3A_719 : i32
        %get3A_721 = arith.index_cast %select_n3A : i32 to index
        %get3A_722 = arith.index_cast %add3A_720 : i32 to index
        %get3A_723 = tpu.vector_load %arg7[%get3A_721, %get3A_722] {strides = array<i32>} : memref<2x1664xf32, #tpu.memory_space<vmem>>, vector<16xf32>,
        %broadcast_in_dim3A_724 = arith.constant 0 : i32
        %broadcast_in_dim3A_725 = vector.broadcast %broadcast_in_dim3A_724 : i32 to vector<16xi32>
        %gather3A_726 = tpu.vector_load_idx %arg8[%broadcast_in_dim3A_725, %get3A_716] : memref<8x8192xf32, #tpu.memory_space<vmem>>[vector<16xi32>, vector<16xi32>], vector<16xf32>,
        %mul3A_727 = arith.mulf %gather3A_726, %get3A_723 : vector<16xf32>
        %swap3A_728 = arith.constant 0 : i32
        %swap3A_729 = arith.index_cast %add3A_111 : i32 to index
        %swap3A_730 = arith.index_cast %swap3A_728 : i32 to index
        %swap3A_731 = arith.constant 112 : index
        %swap3A_732 = tpu.vector_load %arg10[%swap3A_729, %swap3A_730, %swap3A_731] {strides = array<i32>} : memref<13x8x128xf32, #tpu.memory_space<vmem>>, vector<16xf32>,
        tpu.vector_store %arg10[%swap3A_729, %swap3A_730, %swap3A_731], %mul3A_727 {strides = array<i32>} : memref<13x8x128xf32, #tpu.memory_space<vmem>>, vector<16xf32>,
        %broadcast_in_dim3A_733 = arith.constant 1 : i32
        %broadcast_in_dim3A_734 = vector.broadcast %broadcast_in_dim3A_733 : i32 to vector<16xi32>
        %gather3A_735 = tpu.vector_load_idx %arg8[%broadcast_in_dim3A_734, %get3A_716] : memref<8x8192xf32, #tpu.memory_space<vmem>>[vector<16xi32>, vector<16xi32>], vector<16xf32>,
        %mul3A_736 = arith.mulf %gather3A_735, %get3A_723 : vector<16xf32>
        %swap3A_737 = arith.constant 1 : i32
        %swap3A_738 = arith.index_cast %add3A_111 : i32 to index
        %swap3A_739 = arith.index_cast %swap3A_737 : i32 to index
        %swap3A_740 = arith.constant 112 : index
        %swap3A_741 = tpu.vector_load %arg10[%swap3A_738, %swap3A_739, %swap3A_740] {strides = array<i32>} : memref<13x8x128xf32, #tpu.memory_space<vmem>>, vector<16xf32>,
        tpu.vector_store %arg10[%swap3A_738, %swap3A_739, %swap3A_740], %mul3A_736 {strides = array<i32>} : memref<13x8x128xf32, #tpu.memory_space<vmem>>, vector<16xf32>,
        %broadcast_in_dim3A_742 = arith.constant 2 : i32
        %broadcast_in_dim3A_743 = vector.broadcast %broadcast_in_dim3A_742 : i32 to vector<16xi32>
        %gather3A_744 = tpu.vector_load_idx %arg8[%broadcast_in_dim3A_743, %get3A_716] : memref<8x8192xf32, #tpu.memory_space<vmem>>[vector<16xi32>, vector<16xi32>], vector<16xf32>,
        %mul3A_745 = arith.mulf %gather3A_744, %get3A_723 : vector<16xf32>
        %swap3A_746 = arith.constant 2 : i32
        %swap3A_747 = arith.index_cast %add3A_111 : i32 to index
        %swap3A_748 = arith.index_cast %swap3A_746 : i32 to index
        %swap3A_749 = arith.constant 112 : index
        %swap3A_750 = tpu.vector_load %arg10[%swap3A_747, %swap3A_748, %swap3A_749] {strides = array<i32>} : memref<13x8x128xf32, #tpu.memory_space<vmem>>, vector<16xf32>,
        tpu.vector_store %arg10[%swap3A_747, %swap3A_748, %swap3A_749], %mul3A_745 {strides = array<i32>} : memref<13x8x128xf32, #tpu.memory_space<vmem>>, vector<16xf32>,
        %broadcast_in_dim3A_751 = arith.constant 3 : i32
        %broadcast_in_dim3A_752 = vector.broadcast %broadcast_in_dim3A_751 : i32 to vector<16xi32>
        %gather3A_753 = tpu.vector_load_idx %arg8[%broadcast_in_dim3A_752, %get3A_716] : memref<8x8192xf32, #tpu.memory_space<vmem>>[vector<16xi32>, vector<16xi32>], vector<16xf32>,
        %mul3A_754 = arith.mulf %gather3A_753, %get3A_723 : vector<16xf32>
        %swap3A_755 = arith.constant 3 : i32
        %swap3A_756 = arith.index_cast %add3A_111 : i32 to index
        %swap3A_757 = arith.index_cast %swap3A_755 : i32 to index
        %swap3A_758 = arith.constant 112 : index
        %swap3A_759 = tpu.vector_load %arg10[%swap3A_756, %swap3A_757, %swap3A_758] {strides = array<i32>} : memref<13x8x128xf32, #tpu.memory_space<vmem>>, vector<16xf32>,
        tpu.vector_store %arg10[%swap3A_756, %swap3A_757, %swap3A_758], %mul3A_754 {strides = array<i32>} : memref<13x8x128xf32, #tpu.memory_space<vmem>>, vector<16xf32>,
        %broadcast_in_dim3A_760 = arith.constant 4 : i32
        %broadcast_in_dim3A_761 = vector.broadcast %broadcast_in_dim3A_760 : i32 to vector<16xi32>
        %gather3A_762 = tpu.vector_load_idx %arg8[%broadcast_in_dim3A_761, %get3A_716] : memref<8x8192xf32, #tpu.memory_space<vmem>>[vector<16xi32>, vector<16xi32>], vector<16xf32>,
        %mul3A_763 = arith.mulf %gather3A_762, %get3A_723 : vector<16xf32>
        %swap3A_764 = arith.constant 4 : i32
        %swap3A_765 = arith.index_cast %add3A_111 : i32 to index
        %swap3A_766 = arith.index_cast %swap3A_764 : i32 to index
        %swap3A_767 = arith.constant 112 : index
        %swap3A_768 = tpu.vector_load %arg10[%swap3A_765, %swap3A_766, %swap3A_767] {strides = array<i32>} : memref<13x8x128xf32, #tpu.memory_space<vmem>>, vector<16xf32>,
        tpu.vector_store %arg10[%swap3A_765, %swap3A_766, %swap3A_767], %mul3A_763 {strides = array<i32>} : memref<13x8x128xf32, #tpu.memory_space<vmem>>, vector<16xf32>,
        %broadcast_in_dim3A_769 = arith.constant 5 : i32
        %broadcast_in_dim3A_770 = vector.broadcast %broadcast_in_dim3A_769 : i32 to vector<16xi32>
        %gather3A_771 = tpu.vector_load_idx %arg8[%broadcast_in_dim3A_770, %get3A_716] : memref<8x8192xf32, #tpu.memory_space<vmem>>[vector<16xi32>, vector<16xi32>], vector<16xf32>,
        %mul3A_772 = arith.mulf %gather3A_771, %get3A_723 : vector<16xf32>
        %swap3A_773 = arith.constant 5 : i32
        %swap3A_774 = arith.index_cast %add3A_111 : i32 to index
        %swap3A_775 = arith.index_cast %swap3A_773 : i32 to index
        %swap3A_776 = arith.constant 112 : index
        %swap3A_777 = tpu.vector_load %arg10[%swap3A_774, %swap3A_775, %swap3A_776] {strides = array<i32>} : memref<13x8x128xf32, #tpu.memory_space<vmem>>, vector<16xf32>,
        tpu.vector_store %arg10[%swap3A_774, %swap3A_775, %swap3A_776], %mul3A_772 {strides = array<i32>} : memref<13x8x128xf32, #tpu.memory_space<vmem>>, vector<16xf32>,
        %broadcast_in_dim3A_778 = arith.constant 6 : i32
        %broadcast_in_dim3A_779 = vector.broadcast %broadcast_in_dim3A_778 : i32 to vector<16xi32>
        %gather3A_780 = tpu.vector_load_idx %arg8[%broadcast_in_dim3A_779, %get3A_716] : memref<8x8192xf32, #tpu.memory_space<vmem>>[vector<16xi32>, vector<16xi32>], vector<16xf32>,
        %mul3A_781 = arith.mulf %gather3A_780, %get3A_723 : vector<16xf32>
        %swap3A_782 = arith.constant 6 : i32
        %swap3A_783 = arith.index_cast %add3A_111 : i32 to index
        %swap3A_784 = arith.index_cast %swap3A_782 : i32 to index
        %swap3A_785 = arith.constant 112 : index
        %swap3A_786 = tpu.vector_load %arg10[%swap3A_783, %swap3A_784, %swap3A_785] {strides = array<i32>} : memref<13x8x128xf32, #tpu.memory_space<vmem>>, vector<16xf32>,
        tpu.vector_store %arg10[%swap3A_783, %swap3A_784, %swap3A_785], %mul3A_781 {strides = array<i32>} : memref<13x8x128xf32, #tpu.memory_space<vmem>>, vector<16xf32>,
        %broadcast_in_dim3A_787 = arith.constant 7 : i32
        %broadcast_in_dim3A_788 = vector.broadcast %broadcast_in_dim3A_787 : i32 to vector<16xi32>
        %gather3A_789 = tpu.vector_load_idx %arg8[%broadcast_in_dim3A_788, %get3A_716] : memref<8x8192xf32, #tpu.memory_space<vmem>>[vector<16xi32>, vector<16xi32>], vector<16xf32>,
        %mul3A_790 = arith.mulf %gather3A_789, %get3A_723 : vector<16xf32>
        %swap3A_791 = arith.constant 7 : i32
        %swap3A_792 = arith.index_cast %add3A_111 : i32 to index
        %swap3A_793 = arith.index_cast %swap3A_791 : i32 to index
        %swap3A_794 = arith.constant 112 : index
        %swap3A_795 = tpu.vector_load %arg10[%swap3A_792, %swap3A_793, %swap3A_794] {strides = array<i32>} : memref<13x8x128xf32, #tpu.memory_space<vmem>>, vector<16xf32>,
        tpu.vector_store %arg10[%swap3A_792, %swap3A_793, %swap3A_794], %mul3A_790 {strides = array<i32>} : memref<13x8x128xf32, #tpu.memory_space<vmem>>, vector<16xf32>,
      }
      %scan3A_91 = arith.constant 13 : i32
      %add3A_92 = arith.constant 1 : i32
      %add3A_93 = arith.addi %add3A_58, %add3A_92 : i32
      %sub3A_94 = arith.constant 384 : i32
      %sub3A_95 = arith.subi %add3A_4, %sub3A_94 : i32
      %add3A_96 = arith.addi %sub3A_95, %add3A_93 : i32
      %dma_start3A_97 = arith.constant 0 : i32
      %dma_start3A_98 = arith.constant 0 : i32
      %dma_start3A_99 = arith.constant 0 : i32
      %dma_start3A_100 = tpu.memref_slice %arg5[%add3A_96, %dma_start3A_97, %dma_start3A_98, %dma_start3A_99] : memref<128x13x8x128xf32, #tpu.memory_space<hbm>> -> memref<1x13x8x128xf32, #tpu.memory_space<hbm>>
      %dma_start3A_101 = tpu.memref_squeeze %dma_start3A_100 : memref<1x13x8x128xf32, #tpu.memory_space<hbm>> -> memref<13x8x128xf32, #tpu.memory_space<hbm>>
      %dma_start3A_102 = arith.constant 0 : i32
      %dma_start3A_103 = arith.constant 0 : i32
      %dma_start3A_104 = arith.constant 0 : i32
      %dma_start3A_105 = tpu.memref_slice %arg5[%add3A_96, %dma_start3A_102, %dma_start3A_103, %dma_start3A_104] : memref<128x13x8x128xf32, #tpu.memory_space<hbm>> -> memref<1x13x8x128xf32, #tpu.memory_space<hbm>>
      %dma_start3A_106 = tpu.memref_squeeze %dma_start3A_105 : memref<1x13x8x128xf32, #tpu.memory_space<hbm>> -> memref<13x8x128xf32, #tpu.memory_space<hbm>>
      tpu.enqueue_dma source(%arg10 : memref<13x8x128xf32, #tpu.memory_space<vmem>>) target(%dma_start3A_106 : memref<13x8x128xf32, #tpu.memory_space<hbm>>) target_semaphore(%arg12 : memref<!tpu.dma_semaphore, #tpu.memory_space<semaphore_mem>>)
    }
    %scan3A_26 = arith.constant 2 : i32
    %sub3A_27 = arith.constant 384 : i32
    %sub3A_28 = arith.subi %add3A_4, %sub3A_27 : i32
    %add3A_29 = arith.constant 2 : i32
    %add3A_30 = arith.addi %sub3A_28, %add3A_29 : i32
    %dma_wait3A = arith.constant 0 : i32
    %dma_wait3A_31 = arith.constant 0 : i32
    %dma_wait3A_32 = arith.constant 0 : i32
    %dma_wait3A_33 = tpu.memref_slice %arg5[%add3A_30, %dma_wait3A, %dma_wait3A_31, %dma_wait3A_32] : memref<128x13x8x128xf32, #tpu.memory_space<hbm>> -> memref<1x13x8x128xf32, #tpu.memory_space<hbm>>
    %dma_wait3A_34 = tpu.memref_squeeze %dma_wait3A_33 : memref<1x13x8x128xf32, #tpu.memory_space<hbm>> -> memref<13x8x128xf32, #tpu.memory_space<hbm>>
    %dma_wait3A_35 = arith.constant 0 : i32
    %dma_wait3A_36 = arith.constant 0 : i32
    %dma_wait3A_37 = arith.constant 0 : i32
    %dma_wait3A_38 = tpu.memref_slice %arg5[%add3A_30, %dma_wait3A_35, %dma_wait3A_36, %dma_wait3A_37] : memref<128x13x8x128xf32, #tpu.memory_space<hbm>> -> memref<1x13x8x128xf32, #tpu.memory_space<hbm>>
    %dma_wait3A_39 = tpu.memref_squeeze %dma_wait3A_38 : memref<1x13x8x128xf32, #tpu.memory_space<hbm>> -> memref<13x8x128xf32, #tpu.memory_space<hbm>>
    tpu.wait_dma2 semaphore(%arg11 : memref<!tpu.dma_semaphore, #tpu.memory_space<semaphore_mem>>) src(%arg9 : memref<13x8x128xf32, #tpu.memory_space<vmem>>) dst(%dma_wait3A_39 : memref<13x8x128xf32, #tpu.memory_space<hbm>>)
    %sub3A_40 = arith.constant 384 : i32
    %sub3A_41 = arith.subi %add3A_4, %sub3A_40 : i32
    %add3A_42 = arith.constant 3 : i32
    %add3A_43 = arith.addi %sub3A_41, %add3A_42 : i32
    %dma_wait3A_44 = arith.constant 0 : i32
    %dma_wait3A_45 = arith.constant 0 : i32
    %dma_wait3A_46 = arith.constant 0 : i32
    %dma_wait3A_47 = tpu.memref_slice %arg5[%add3A_43, %dma_wait3A_44, %dma_wait3A_45, %dma_wait3A_46] : memref<128x13x8x128xf32, #tpu.memory_space<hbm>> -> memref<1x13x8x128xf32, #tpu.memory_space<hbm>>
    %dma_wait3A_48 = tpu.memref_squeeze %dma_wait3A_47 : memref<1x13x8x128xf32, #tpu.memory_space<hbm>> -> memref<13x8x128xf32, #tpu.memory_space<hbm>>
    %dma_wait3A_49 = arith.constant 0 : i32
    %dma_wait3A_50 = arith.constant 0 : i32
    %dma_wait3A_51 = arith.constant 0 : i32
    %dma_wait3A_52 = tpu.memref_slice %arg5[%add3A_43, %dma_wait3A_49, %dma_wait3A_50, %dma_wait3A_51] : memref<128x13x8x128xf32, #tpu.memory_space<hbm>> -> memref<1x13x8x128xf32, #tpu.memory_space<hbm>>
    %dma_wait3A_53 = tpu.memref_squeeze %dma_wait3A_52 : memref<1x13x8x128xf32, #tpu.memory_space<hbm>> -> memref<13x8x128xf32, #tpu.memory_space<hbm>>
    tpu.wait_dma2 semaphore(%arg12 : memref<!tpu.dma_semaphore, #tpu.memory_space<semaphore_mem>>) src(%arg10 : memref<13x8x128xf32, #tpu.memory_space<vmem>>) dst(%dma_wait3A_53 : memref<13x8x128xf32, #tpu.memory_space<hbm>>)
    return
  }
}

module attributes {stable_mosaic.version = 14 : i64} {
  func.func @tc_select_body(%arg0: i32, %arg1: memref<256x8192xf32, #tpu.memory_space<vmem>>, %arg2: memref<1x5x1664xf32, #tpu.memory_space<vmem>>, %arg3: memref<256x1640xf32, #tpu.memory_space<vmem>>) attributes {dimension_semantics = [#tpu.dimension_semantics<arbitrary>], iteration_bounds = array<i64: 12>, scalar_prefetch = 0 : i64, scratch_operands = 0 : i64, tpu.core_type = #tpu.core_type<tc>, window_params = [{transform_indices = @transform_0, window_bounds = array<i64: 256, 8192>}, {transform_indices = @transform_1, window_bounds = array<i64: 1, 5, 1664>}, {transform_indices = @transform_2, window_bounds = array<i64: 256, 1640>}]} {
    %get3A = arith.constant 0 : index
    %get3A_0 = arith.constant 0 : index
    %get3A_1 = vector.load %arg1[%get3A, %get3A_0] : memref<256x8192xf32, #tpu.memory_space<vmem>>, vector<256x8192xf32>
    %broadcast_in_dim3A = arith.constant 0.000000e+00 : f32
    %broadcast_in_dim3A_2 = vector.broadcast %broadcast_in_dim3A : f32 to vector<256x4xf32>
    %slice3A = vector.extract_strided_slice %get3A_1 {offsets = [0, 0], sizes = [256, 1636], strides = [1, 1]} : vector<256x8192xf32> to vector<256x1636xf32>
    %concatenate3A = tpu.concatenate %broadcast_in_dim3A_2, %slice3A in 1 : vector<256x4xf32>, vector<256x1636xf32> -> vector<256x1640xf32>
    %get3A_3 = arith.constant 0 : index
    %get3A_4 = arith.constant 0 : index
    %get3A_5 = arith.constant 0 : index
    %get3A_6 = vector.load %arg2[%get3A_3, %get3A_4, %get3A_5] : memref<1x5x1664xf32, #tpu.memory_space<vmem>>, vector<1x1x1640xf32>
    %get3A_7 = vector.shape_cast %get3A_6 : vector<1x1x1640xf32> to vector<1x1640xf32>
    %mul3A = vector.broadcast %get3A_7 : vector<1x1640xf32> to vector<256x1640xf32>
    %mul3A_8 = arith.mulf %concatenate3A, %mul3A : vector<256x1640xf32>
    %slice3A_9 = vector.extract_strided_slice %get3A_1 {offsets = [0, 1636], sizes = [256, 1640], strides = [1, 1]} : vector<256x8192xf32> to vector<256x1640xf32>
    %get3A_10 = arith.constant 0 : index
    %get3A_11 = arith.constant 1 : index
    %get3A_12 = arith.constant 0 : index
    %get3A_13 = vector.load %arg2[%get3A_10, %get3A_11, %get3A_12] : memref<1x5x1664xf32, #tpu.memory_space<vmem>>, vector<1x1x1640xf32>
    %get3A_14 = vector.shape_cast %get3A_13 : vector<1x1x1640xf32> to vector<1x1640xf32>
    %mul3A_15 = vector.broadcast %get3A_14 : vector<1x1640xf32> to vector<256x1640xf32>
    %mul3A_16 = arith.mulf %slice3A_9, %mul3A_15 : vector<256x1640xf32>
    %add3A = arith.addf %mul3A_8, %mul3A_16 : vector<256x1640xf32>
    %slice3A_17 = vector.extract_strided_slice %get3A_1 {offsets = [0, 3276], sizes = [256, 1640], strides = [1, 1]} : vector<256x8192xf32> to vector<256x1640xf32>
    %get3A_18 = arith.constant 0 : index
    %get3A_19 = arith.constant 2 : index
    %get3A_20 = arith.constant 0 : index
    %get3A_21 = vector.load %arg2[%get3A_18, %get3A_19, %get3A_20] : memref<1x5x1664xf32, #tpu.memory_space<vmem>>, vector<1x1x1640xf32>
    %get3A_22 = vector.shape_cast %get3A_21 : vector<1x1x1640xf32> to vector<1x1640xf32>
    %mul3A_23 = vector.broadcast %get3A_22 : vector<1x1640xf32> to vector<256x1640xf32>
    %mul3A_24 = arith.mulf %slice3A_17, %mul3A_23 : vector<256x1640xf32>
    %add3A_25 = arith.addf %add3A, %mul3A_24 : vector<256x1640xf32>
    %slice3A_26 = vector.extract_strided_slice %get3A_1 {offsets = [0, 4916], sizes = [256, 1640], strides = [1, 1]} : vector<256x8192xf32> to vector<256x1640xf32>
    %get3A_27 = arith.constant 0 : index
    %get3A_28 = arith.constant 3 : index
    %get3A_29 = arith.constant 0 : index
    %get3A_30 = vector.load %arg2[%get3A_27, %get3A_28, %get3A_29] : memref<1x5x1664xf32, #tpu.memory_space<vmem>>, vector<1x1x1640xf32>
    %get3A_31 = vector.shape_cast %get3A_30 : vector<1x1x1640xf32> to vector<1x1640xf32>
    %mul3A_32 = vector.broadcast %get3A_31 : vector<1x1640xf32> to vector<256x1640xf32>
    %mul3A_33 = arith.mulf %slice3A_26, %mul3A_32 : vector<256x1640xf32>
    %add3A_34 = arith.addf %add3A_25, %mul3A_33 : vector<256x1640xf32>
    %slice3A_35 = vector.extract_strided_slice %get3A_1 {offsets = [0, 6556], sizes = [256, 1636], strides = [1, 1]} : vector<256x8192xf32> to vector<256x1636xf32>
    %concatenate3A_36 = tpu.concatenate %slice3A_35, %broadcast_in_dim3A_2 in 1 : vector<256x1636xf32>, vector<256x4xf32> -> vector<256x1640xf32>
    %get3A_37 = arith.constant 0 : index
    %get3A_38 = arith.constant 4 : index
    %get3A_39 = arith.constant 0 : index
    %get3A_40 = vector.load %arg2[%get3A_37, %get3A_38, %get3A_39] : memref<1x5x1664xf32, #tpu.memory_space<vmem>>, vector<1x1x1640xf32>
    %get3A_41 = vector.shape_cast %get3A_40 : vector<1x1x1640xf32> to vector<1x1640xf32>
    %mul3A_42 = vector.broadcast %get3A_41 : vector<1x1640xf32> to vector<256x1640xf32>
    %mul3A_43 = arith.mulf %concatenate3A_36, %mul3A_42 : vector<256x1640xf32>
    %add3A_44 = arith.addf %add3A_34, %mul3A_43 : vector<256x1640xf32>
    %swap3A = arith.constant 0 : index
    %swap3A_45 = arith.constant 0 : index
    %swap3A_46 = vector.load %arg3[%swap3A, %swap3A_45] : memref<256x1640xf32, #tpu.memory_space<vmem>>, vector<256x1640xf32>
    tpu.vector_store %arg3[%swap3A, %swap3A_45], %add3A_44 {strides = array<i32>} : memref<256x1640xf32, #tpu.memory_space<vmem>>, vector<256x1640xf32>,
    return
  }
  func.func @transform_0(%arg0: i32) -> (i32, i32) {
    %c0_i32 = arith.constant 0 : i32
    %c0_i32_0 = arith.constant 0 : i32
    return %arg0, %c0_i32 : i32, i32
  }
  func.func @transform_1(%arg0: i32) -> (i32, i32, i32) {
    %mul3A = arith.constant 256 : i32
    %mul3A_0 = arith.muli %arg0, %mul3A : i32
    %jit3A = arith.constant 2048 : i32
    %div3A = arith.divsi %mul3A_0, %jit3A : i32
    %sign3A = arith.constant 0 : i32
    %sign3A_1 = arith.cmpi sgt, %mul3A_0, %sign3A : i32
    %sign3A_2 = arith.extui %sign3A_1 : i1 to i32
    %sign3A_3 = arith.constant 0 : i32
    %sign3A_4 = arith.cmpi slt, %mul3A_0, %sign3A_3 : i32
    %sign3A_5 = arith.extui %sign3A_4 : i1 to i32
    %sign3A_6 = arith.subi %sign3A_2, %sign3A_5 : i32
    %sign3A_7 = arith.constant 0 : i32
    %sign3A_8 = arith.cmpi sgt, %jit3A, %sign3A_7 : i32
    %sign3A_9 = arith.extui %sign3A_8 : i1 to i32
    %sign3A_10 = arith.constant 0 : i32
    %sign3A_11 = arith.cmpi slt, %jit3A, %sign3A_10 : i32
    %sign3A_12 = arith.extui %sign3A_11 : i1 to i32
    %sign3A_13 = arith.subi %sign3A_9, %sign3A_12 : i32
    %ne3A = arith.cmpi ne, %sign3A_6, %sign3A_13 : i32
    %rem3A = arith.remsi %mul3A_0, %jit3A : i32
    %ne3A_14 = arith.constant 0 : i32
    %ne3A_15 = arith.cmpi ne, %rem3A, %ne3A_14 : i32
    %and3A = arith.andi %ne3A, %ne3A_15 : i1
    %sub3A = arith.constant 1 : i32
    %sub3A_16 = arith.subi %div3A, %sub3A : i32
    %select_n3A = arith.select %and3A, %sub3A_16, %div3A : i32
    %c0_i32 = arith.constant 0 : i32
    %c0_i32_17 = arith.constant 0 : i32
    %c0_i32_18 = arith.constant 0 : i32
    return %select_n3A, %c0_i32, %c0_i32_17 : i32, i32, i32
  }
  func.func @transform_2(%arg0: i32) -> (i32, i32) {
    %c0_i32 = arith.constant 0 : i32
    %c0_i32_0 = arith.constant 0 : i32
    return %arg0, %c0_i32 : i32, i32
  }
}

module attributes {stable_mosaic.version = 14 : i64} {
  func.func @fold_body(%arg0: i32, %arg1: memref<32x13x8x128xf32, #tpu.memory_space<vmem>>, %arg2: memref<256x1640xf32, #tpu.memory_space<vmem>>, %arg3: memref<256x1640xf32, #tpu.memory_space<vmem>>) attributes {dimension_semantics = [#tpu.dimension_semantics<arbitrary>], iteration_bounds = array<i64: 4>, scalar_prefetch = 0 : i64, scratch_operands = 0 : i64, tpu.core_type = #tpu.core_type<tc>, window_params = [{transform_indices = @transform_0, window_bounds = array<i64: 32, 13, 8, 128>}, {transform_indices = @transform_1, window_bounds = array<i64: 256, 1640>}, {transform_indices = @transform_2, window_bounds = array<i64: 256, 1640>}]} {
    %get3A = arith.constant 0 : index
    %get3A_0 = arith.constant 0 : index
    %get3A_1 = arith.constant 0 : index
    %get3A_2 = arith.constant 0 : index
    %get3A_3 = vector.load %arg1[%get3A, %get3A_0, %get3A_1, %get3A_2] : memref<32x13x8x128xf32, #tpu.memory_space<vmem>>, vector<32x13x8x128xf32>
    %transpose3A = tpu.transpose %get3A_3, [0, 2, 1, 3] : vector<32x13x8x128xf32> -> vector<32x8x13x128xf32>
    %reshape3A = vector.shape_cast %transpose3A : vector<32x8x13x128xf32> to vector<256x1664xf32>
    %slice3A = vector.extract_strided_slice %reshape3A {offsets = [0, 0], sizes = [256, 1640], strides = [1, 1]} : vector<256x1664xf32> to vector<256x1640xf32>
    %swap3A = arith.constant 0 : index
    %swap3A_4 = arith.constant 0 : index
    %swap3A_5 = vector.load %arg3[%swap3A, %swap3A_4] : memref<256x1640xf32, #tpu.memory_space<vmem>>, vector<256x1640xf32>
    tpu.vector_store %arg3[%swap3A, %swap3A_4], %slice3A {strides = array<i32>} : memref<256x1640xf32, #tpu.memory_space<vmem>>, vector<256x1640xf32>,
    return
  }
  func.func @transform_0(%arg0: i32) -> (i32, i32, i32, i32) {
    %c0_i32 = arith.constant 0 : i32
    %c0_i32_0 = arith.constant 0 : i32
    %c0_i32_1 = arith.constant 0 : i32
    %c0_i32_2 = arith.constant 0 : i32
    return %arg0, %c0_i32, %c0_i32_0, %c0_i32_1 : i32, i32, i32, i32
  }
  func.func @transform_1(%arg0: i32) -> (i32, i32) {
    %c0_i32 = arith.constant 0 : i32
    %c0_i32_0 = arith.constant 0 : i32
    %c0_i32_1 = arith.constant 0 : i32
    return %c0_i32, %c0_i32_0 : i32, i32
  }
  func.func @transform_2(%arg0: i32) -> (i32, i32) {
    %add3A = arith.constant 12 : i32
    %add3A_0 = arith.addi %arg0, %add3A : i32
    %c0_i32 = arith.constant 0 : i32
    %c0_i32_1 = arith.constant 0 : i32
    return %add3A_0, %c0_i32 : i32, i32
  }
}

</mosaic_0001>

<sc_bundles>
// kernel: kernel.5.cloned.1.call-start
scs
__scs_entry_jumppad:
0x0: {  	(pc) =	sbr.rel $0x88, $3  }
0x1: {  	(tag) =	ssettag $0x0;
	lr =	simm.s32 $0x1  }
0x2: {  	[smem:$0x3FA0] =	sst lr;
	_ =	strace $0xD0000000  }
0x3: {  	_ = 	snop  }
0x4: {  	_ = 	snop  }
0x5: {  	_ = 	snop  }
0x6: {  	_ = 	snop  }
0x7: {  	_ = 	snop  }
__scs_overlays_trampoline_lowered:
0x8: {  	[smem:$0x3FAF] =	sst s0  }
0x9: {  	[smem:$0x3FB0] =	sst s1  }
0xa: {  	[smem:$0x3FB1] =	sst s2  }
0xb: {  	[smem:$0x3FB2] =	sst s3  }
0xc: {  	[smem:$0x3FB3] =	sst s4  }
0xd: {  	[smem:$0x3FB4] =	sst s5  }
0xe: {  	[smem:$0x3FB5] =	sst s6  }
0xf: {  	[smem:$0x3FB6] =	sst s7  }
0x10: {  	[smem:$0x3FB7] =	sst s8  }
0x11: {  	[smem:$0x3FB8] =	sst s9;
	s0 =	simm.s32 @!p0 $0x0  }
0x12: {  	s1 =	sld [smem:$0x3F9E];
	s0 =	simm.s32 @p0 $0x1  }
0x13: {  	[smem:$0x3FB9] =	sst s0;
	s0 =	simm.s32 @!p1 $0x0  }
0x14: {  	s2 =	sld [smem:$0x3F9D];
	s0 =	simm.s32 @p1 $0x1  }
0x15: {  	[smem:$0x3FBA] =	sst s0;
	s0 =	simm.s32 @!p2 $0x0  }
0x16: {  	s3 =	sld [smem:$0x3FDB];
	s0 =	simm.s32 @p2 $0x1  }
0x17: {  	s4 =	simm.s32 $0x1BF5;
	[smem:$0x3FBC] =	sst s0  }
0x18: {  	s0 =	sld [smem:$0x3F9F];
	_ =	swait.ge [sflag:s4], $0x0  }
0x19: {  	s7 =	sld [smem:$0x3FA0]  }
0x1a: {  	s8 =	sadd.s32 $0xFFFFE003, lr  }
0x1b: {  	s9 =	sadd.s32 $0xFFFFFEF7, lr;
	s5 =	simm.s32 $0xFFFFFFFF;
	p2 =	slt.u32 s8, $0xFFFFF086  }
0x1c: {  	p1 =	slt.u32 s9, $0xF7A;
	s5 =	simm.s32 @!p2 $0x0  }
0x1d: {  	s5 =	simm.s32 @p1 $0x1;
	p0 =	seq.s32 s7, s2  }
0x1e: {  	s7 =	smul.u32 @!p0 $0xF7A, s2;
	p2 =	seq.s32 @!p0 s5, $0x0  }
0x1f: {  	s9 =	smul.u32 $0xF7A, s1;
	s8 =	simm.s32 @!p0 $0x1BF5;
	p2 =	por !p2, p0  }
0x20: {  	[sflag:s8] =	ssyncset.s32 @!p0 $0xFFFFF086;
	s6 =	sadd.s32 @!p0 s3, s7;
	s7 =	simm.s32 @!p0 $0x108  }
0x21: {  	s3 =	sadd.s32 s3, s9;
	s6 =	sadd.s32 @!p0 $0x88, s6;
	s7 =	simm.s32 @p2 $0x1082  }
0x22: {  	[simem:s7], [sflag:s8] =	dma.local @!p0 [hbm:s6], $0xF7A  }
0x23: {  	s9 =	sor.u32 $0xD0000000, s2;
	s6 =	simm.s32 $0x108;
	_ =	swait.ge @!p0 [sflag:s8], $0x0  }
0x24: {  	s3 =	sadd.s32 $0x88, s3;
	s6 =	simm.s32 @!p1 $0x1082;
	[sflag:s4] =	ssyncset.s32 $0xFFFFF086  }
0x25: {  	[simem:s6], [sflag:s4] =	dma.local [hbm:s3], $0xF7A  }
0x26: {  	[smem:$0x3FA0] =	sst s1;
	(tag) =	ssettag s2;
	_ =	strace s9  }
0x27: {  	s1 =	sld [smem:$0x3FB0]  }
0x28: {  	s2 =	sld [smem:$0x3FB1]  }
0x29: {  	s4 =	sld [smem:$0x3FB3]  }
0x2a: {  	p0 =	seq.s32 s5, $0x0;
	s5 =	sld [smem:$0x3FB4]  }
0x2b: {  	s6 =	sld [smem:$0x3FB5]  }
0x2c: {  	s7 =	sld [smem:$0x3FB6]  }
0x2d: {  	s3 =	simm.s32 $0x108;
	s8 =	sld [smem:$0x3FB7]  }
0x2e: {  	s3 =	simm.s32 @!p0 $0x1082;
	s9 =	sld [smem:$0x3FB8]  }
0x2f: {  	lr =	sadd.s32 s0, s3;
	s0 =	sld [smem:$0x3FAF]  }
0x30: {  	s3 =	sld [smem:$0x3FB2]  }
0x31: {  	[smem:$0x3FBB] =	sst s10  }
0x32: {  	s10 =	sld [smem:$0x3FB9];
	_ =	sdelay $0x3  }
0x33: {  	p0 =	seq.s32 s10, $0x1;
	s10 =	sld [smem:$0x3FBB];
	_ =	sdelay $0x3  }
0x34: {  	[smem:$0x3FBB] =	sst s10  }
0x35: {  	s10 =	sld [smem:$0x3FBA];
	_ =	sdelay $0x3  }
0x36: {  	p1 =	seq.s32 s10, $0x1;
	s10 =	sld [smem:$0x3FBB];
	_ =	sdelay $0x3  }
0x37: {  	[smem:$0x3FBB] =	sst s10  }
0x38: {  	s10 =	sld [smem:$0x3FBC]  }
0x39: {  	_ = 	snop;
	(pc) =	sbr.ind lr, $3  }
0x3a: {  	_ = 	snop  }
0x3b: {  	_ = 	snop  }
0x3c: {  	p2 =	seq.s32 s10, $0x1;
	s10 =	sld [smem:$0x3FBB]  }
0x3d: {  	_ =	shalt  }
0x3e: {  	_ =	shalt  }
0x3f: {  	_ =	shalt  }
0x40: {  	_ =	shalt  }
0x41: {  	_ =	shalt  }
0x42: {  	_ =	shalt  }
0x43: {  	_ =	shalt  }
0x44: {  	_ =	shalt  }
0x45: {  	_ =	shalt  }
0x46: {  	_ =	shalt  }
0x47: {  	_ =	shalt  }
0x48: {  	_ =	shalt  }
0x49: {  	_ =	shalt  }
0x4a: {  	_ =	shalt  }
0x4b: {  	_ =	shalt  }
0x4c: {  	_ =	shalt  }
0x4d: {  	_ =	shalt  }
0x4e: {  	_ =	shalt  }
0x4f: {  	_ =	shalt  }
0x50: {  	_ =	shalt  }
0x51: {  	_ =	shalt  }
0x52: {  	_ =	shalt  }
0x53: {  	_ =	shalt  }
0x54: {  	_ =	shalt  }
0x55: {  	_ =	shalt  }
0x56: {  	_ =	shalt  }
0x57: {  	_ =	shalt  }
0x58: {  	_ =	shalt  }
0x59: {  	_ =	shalt  }
0x5a: {  	_ =	shalt  }
0x5b: {  	_ =	shalt  }
0x5c: {  	_ =	shalt  }
0x5d: {  	_ =	shalt  }
0x5e: {  	_ =	shalt  }
0x5f: {  	_ =	shalt  }
0x60: {  	_ =	shalt  }
0x61: {  	_ =	shalt  }
0x62: {  	_ =	shalt  }
0x63: {  	_ =	shalt  }
0x64: {  	_ =	shalt  }
0x65: {  	_ =	shalt  }
0x66: {  	_ =	shalt  }
0x67: {  	_ =	shalt  }
0x68: {  	_ =	shalt  }
0x69: {  	_ =	shalt  }
0x6a: {  	_ =	shalt  }
0x6b: {  	_ =	shalt  }
0x6c: {  	_ =	shalt  }
0x6d: {  	_ =	shalt  }
0x6e: {  	_ =	shalt  }
0x6f: {  	_ =	shalt  }
0x70: {  	_ =	shalt  }
0x71: {  	_ =	shalt  }
0x72: {  	_ =	shalt  }
0x73: {  	_ =	shalt  }
0x74: {  	_ =	shalt  }
0x75: {  	_ =	shalt  }
0x76: {  	_ =	shalt  }
0x77: {  	_ =	shalt  }
0x78: {  	_ =	shalt  }
0x79: {  	_ =	shalt  }
0x7a: {  	_ =	shalt  }
0x7b: {  	_ =	shalt  }
0x7c: {  	_ =	shalt  }
0x7d: {  	_ =	shalt  }
0x7e: {  	_ =	shalt  }
0x7f: {  	_ =	shalt  }
0x80: {  	_ =	shalt  }
0x81: {  	_ =	shalt  }
0x82: {  	_ =	shalt  }
0x83: {  	_ =	shalt  }
0x84: {  	_ =	shalt  }
0x85: {  	_ =	shalt  }
0x86: {  	_ =	shalt  }
0x87: {  	_ =	shalt  }
.Lfunc_end0:
.L_simem_size_0:
called_computation_lowered:
.L_overlay_start_0:
0x88: {  	s2 =	sld [smem:$0x3FD9]  }
0x89: {  	s3 =	sld [smem:$0x3FFE];
	_ =	sdelay $0x1  }
0x8a: {  	s1 =	srdreg.scid  }
0x8b: {  	s0 =	sand.u32 $0x1, s1  }
0x8c: {  	s17 =	sshll.u32 s0, $0xA;
	s2 =	sadd.s32 s3, s2  }
0x8d: {  	s2 =	sadd.s32 s2, s17  }
0x8e: {  	[smem:$0x3FC7] =	sst s2  }
0x8f: {  	_ = 	snop  }
0x90: {  	s2 =	sld [smem:$0x3FC9]  }
0x91: {  	s18 =	sld [smem:$0x3FD0];
	(tm) =	ssettm $0x1  }
0x92: {  	s4 =	sld [smem:$0x3FFB];
	_ =	sdelay $0x3  }
0x93: {  	_ =	strace s4  }
0x94: {  	s4 =	sld [smem:$0x3FFC];
	_ =	sdelay $0x3  }
0x95: {  	_ =	strace s4  }
0x96: {  	s4 =	sld [smem:$0x3FFD];
	_ =	sdelay $0x3  }
0x97: {  	_ =	strace s4  }
0x98: {  	_ =	strace $0x8FFFFFFF  }
0x99: {  	s19 =	sld [smem:$0x3FDB];
	_ =	sdelay $0x1  }
0x9a: {  	s5 =	simm.s32 $_scs_section_size  }
0x9b: {  	s6 =	simm.s32 $_size__tile_overlayer_lowered;
	s7 =	simm.s32 $_tile_overlayer_lowered  }
0x9c: {  	s22 =	simm.s32 $0x1BFF;
	s21 =	sshll.u32 s7, $0x1;
	s4 =	sadd.s32 s5, s19  }
0x9d: {  	s8 =	simm.s32 $0x0;
	s20 =	sshll.u32 s6, $0x1;
	s6 =	sadd.s32 s21, s4  }
0x9e: {  	[timem:s8], [sflag:s22] =	dma.local [hbm:s6], s20  }
0x9f: {  	_ =	swait.ge [sflag:s22], s20  }
0xa0: {  	s5 =	ssub.s32 $0x0, s20;
	[sflag:s22] =	ssyncset.done $0x0  }
0xa1: {  	[sflag:s22] =	ssyncadd.s32 s5;
	_ =	sdelay $0x1  }
0xa2: {  	s23 =	simm.s32 $0x1B8B  }
0xa3: {  	_ =	swait.ge [sflag:s23], $0x1  }
0xa4: {  	[sflag:s23] =	ssyncset.done $0x0  }
0xa5: {  	s25 =	simm.s32 $0x1B8E;
	s24 =	sld [smem:$0x3FFE];
	[sflag:s23] =	ssyncadd.s32 $0xFFFFFFFF  }
0xa6: {  	s26 =	simm.s32 $execute0_lowered;
	[smem:$0x3FD2] =	sst s25  }
0xa7: {  	s6 =	sshll.u32 s26, $0x1;
	_ =	strace $0x80000046;
	[dreg:$0x1] =	wrdreg $0xFFFFFFFF  }
0xa8: {  	s28 =	simm.s32 $_size_execute0_lowered;
	s4 =	sadd.s32 s4, s6;
	[dreg:$0x0] =	wrdreg $0x0  }
0xa9: {  	s6 =	sshll.u32 s28, $0x1;
	[dreg:$0x2] =	wrdreg s4  }
0xaa: {  	[dreg:$0x3] =	wrdreg s6  }
0xab: {  	[dreg:$0x4] =	wrdreg $0xC0  }
0xac: {  	_ =	task [dreg:s8], $0x5FFFF  }
0xad: {  	[dreg:$0x1] =	wrdreg $0xFFFFFFFF  }
0xae: {  	[dreg:$0x0] =	wrdreg $0x60  }
0xaf: {  	[dreg:$0x2] =	wrdreg s2  }
0xb0: {  	[dreg:$0x3] =	wrdreg s24  }
0xb1: {  	[dreg:$0x4] =	wrdreg s18  }
0xb2: {  	[dreg:$0x5] =	wrdreg $0x9  }
0xb3: {  	_ =	task.clear_ibuf [dreg:s8], $0x6FFFF;
	_ =	strace $0x90000046  }
0xb4: {  	s29 =	simm.s32 $0x9;
	_ =	strace $0x80000048  }
0xb5: {  	_ =	swait.ge [sflag:s29], $0x1  }
0xb6: {  	[sflag:s29] =	ssyncadd.s32 $0xFFFFFFFF  }
0xb7: {  	_ =	strace $0x90000048  }
0xb8: {  	_ =	sfence  }
0xb9: {  	s30 =	sld [smem:$0x0];
	_ =	sdelay $0x2  }
0xba: {  	s31 =	sshll.u32 s1, $0xD;
	s1 =	sshrl.u32 s1, $0x2  }
0xbb: {  	s3 =	sand.u32 $0x4000, s31;
	s1 =	sadd.s32 s1, s30  }
0xbc: {  	s0 =	sor.u32 s3, s0;
	s1 =	sshll.u32 s1, $0x11  }
0xbd: {  	s0 =	sor.u32 s1, s0  }
0xbe: {  	s0 =	sadd.s32 $0x8F2B, s0  }
0xbf: {  	[sflag:s0] =	ssyncadd.remote.s32 $0x1  }
0xc0: {  	_ =	sfence.sel $0xFFFF  }
0xc1: {  	[dreg:$0x0] =	wrdreg $0xFFFFFFFF;
	(pc) =	sbr.abs _section_cstart, $3  }
0xc2: {  	[dreg:$0x1] =	wrdreg $0xFFFFFFFF  }
0xc3: {  	_ =	task.clear_ibuf [dreg:s8], $0x2FFFF;
	_ =	strace $0x9FFFFFFF  }
0xc4: {  	(tm) =	ssettm $0x7FFFFFFF  }
0xc5: {  	_ =	shalt  }
tec
execute0_lowered:
.L_overlay_start_1:
0x0: {  	(tag) =	ssettag $0x1  }
0x1: {  	s1 =	rddreg [dreg:$0x0]  }
0x2: {  	s7 =	rddreg [dreg:$0x1]  }
0x3: {  	s2 =	rddreg [dreg:$0x2]  }
0x4: {  	s0 =	rddreg [dreg:$0x3]  }
0x5: {  	s4 =	simm.s32 $0x0;
	s5 =	srdreg.scid;
	s3 =	stileid.u32  }
0x6: {  	s11 =	simm.s32 $0xD00;
	s12 =	simm.s32 $0x1A00;
	s13 =	simm.s32 $0x11A00  }
0x7: {  	s14 =	simm.s32 $0x14E00;
	s15 =	simm.s32 $0x1;
	s16 =	simm.s32 $0x2  }
0x8: {  	s17 =	simm.s32 $0x0;
	[smem:$0x7FF] =	sst s4;
	s5 =	sand.u32 $0x1, s5  }
0x9: {  	s6 =	sshll.u32 s3, $0x3;
	_ =	strace $0x80000047;
	s8 =	ssub.s32 $0x2, s5  }
0xa: {  	s9 =	sshll.u32 s5, $0x2;
	s5 =	sadd.s32 $0xE00, s7;
	s10 =	sshrl.u32 s8, $0x1  }
0xb: {  	s7 =	sadd.s32 $0xC00, s7;
	s6 =	sor.u32 s9, s6;
	s31 =	ssub.s32 s8, s10  }
0xc: {  	s8 =	sor.u32 $0x180, s6;
	s10 =	simm.s32 $0x3;
	s9 =	smax.u32 s31, $0x1  }
.LBB2_1:
0xd: {  	[tilespmem:s4], [sflag:$0x3] =	stream.linear.gather [hbm4b:s5+s4], $0xD00, $0x38;
	[tilespmem:$0x18200] =	vst v63  }
0xe: {  	_ =	swait.ge [sflag:s10], $0xD00  }
0xf: {  	[sflag:s10] =	ssyncset.done $0x0  }
0x10: {  	[sflag:s10] =	ssyncadd.s32 $0xFFFFF300  }
0x11: {  	[tilespmem:s11], [sflag:$0x3] =	stream.linear.gather [hbm4b:s7+s4], $0xD00, $0x38;
	[tilespmem:$0x18200] =	vst v63  }
0x12: {  	_ =	swait.ge [sflag:s10], $0xD00  }
0x13: {  	[sflag:s10] =	ssyncset.done $0x0  }
0x14: {  	p1 =	por $0x1, $0x1;
	s18 =	simm.s32 $0x0;
	[sflag:s10] =	ssyncadd.s32 $0xFFFFF300  }
.LBB2_2:
0x15: {  	s19 =	simm.s32 @!p1 $0x1;
	s20 =	sor.u32 s8, s18  }
0x16: {  	_ =	swait.ge @!p1 [sflag:s19], $0x3400;
	s20 =	sshll.u32 s20, $0xD  }
0x17: {  	[sflag:s19] =	ssyncset.done @!p1 $0x0;
	s20 =	sand.u32 $0x1FFFC000, s20  }
0x18: {  	[sflag:s19] =	ssyncadd.s32 @!p1 $0xFFFFCC00;
	s20 =	sadd.s32 s1, s20;
	s19 =	simm.s32 $0x0  }
0x19: {  	[tilespmem:s12], [sflag:$0x3] =	stream.linear.gather [hbm4b:s20+s19], $0x10000, $0x38;
	[tilespmem:$0x18200] =	vst v63  }
0x1a: {  	_ =	swait.ge [sflag:s10], $0x10000  }
0x1b: {  	[sflag:s10] =	ssyncset.done $0x0  }
0x1c: {  	p0 =	por p1, p1;
	s20 =	simm.s32 $0x11C00;
	[sflag:s10] =	ssyncadd.s32 $0xFFFF0000  }
.LBB2_3:
0x1d: {  	s21 =	sshra.s32 s19, $0x2  }
0x1e: {  	v0 =	vld [tilespmem:s21+$0x80];
	_ =	sdelay $0x4  }
0x1f: {  	v1 =	vshll.u32 v0, $0x3  }
0x20: {  	v0 =	vand.u32 $0x7F, v0;
	v1 =	vand.u32 $0xFFFFFC00, v1  }
0x21: {  	v0 =	vor.u32 v0, v1;
	_ =	sdelay $0x3  }
0x22: {  	v60 =	vld [tilespmem:s21+$0xD80]  }
0x23: {  	v2 =	vld.idx.msk [tilespmem:v0+s12+$0x0], $0xffff;
	_ =	sdelay $0x2  }
0x24: {  	v3 =	vor.u32 $0x80, v0;
	_ =	sdelay $0x1  }
0x25: {  	v2 =	vmul.f32 v2, v60;
	_ =	sdelay $0x1  }
0x26: {  	[tilespmem:s20+$0xFFFFFE00] =	vst v2  }
0x27: {  	v2 =	vld.idx.msk [tilespmem:v3+s12+$0x0], $0xffff;
	_ =	sdelay $0x2  }
0x28: {  	v61 =	vor.u32 $0x100, v0;
	_ =	sdelay $0x1  }
0x29: {  	v2 =	vmul.f32 v2, v60;
	_ =	sdelay $0x1  }
0x2a: {  	[tilespmem:s20+$0xFFFFFE80] =	vst v2  }
0x2b: {  	v2 =	vld.idx.msk [tilespmem:v61+s12+$0x0], $0xffff;
	_ =	sdelay $0x2  }
0x2c: {  	v62 =	vor.u32 $0x180, v0;
	_ =	sdelay $0x1  }
0x2d: {  	v2 =	vmul.f32 v2, v60;
	_ =	sdelay $0x1  }
0x2e: {  	[tilespmem:s20+$0xFFFFFF00] =	vst v2  }
0x2f: {  	v2 =	vld.idx.msk [tilespmem:v62+s12+$0x0], $0xffff;
	_ =	sdelay $0x2  }
0x30: {  	v63 =	vor.u32 $0x200, v0;
	_ =	sdelay $0x1  }
0x31: {  	v2 =	vmul.f32 v2, v60;
	_ =	sdelay $0x1  }
0x32: {  	[tilespmem:s20+$0xFFFFFF80] =	vst v2  }
0x33: {  	v2 =	vld.idx.msk [tilespmem:v63+s12+$0x0], $0xffff;
	_ =	sdelay $0x2  }
0x34: {  	v6 =	vor.u32 $0x280, v0;
	_ =	sdelay $0x1  }
0x35: {  	v2 =	vmul.f32 v2, v60;
	_ =	sdelay $0x1  }
0x36: {  	[tilespmem:s20+$0x0] =	vst v2  }
0x37: {  	v2 =	vld.idx.msk [tilespmem:v6+s12+$0x0], $0xffff;
	_ =	sdelay $0x2  }
0x38: {  	v7 =	vor.u32 $0x300, v0;
	_ =	sdelay $0x1  }
0x39: {  	v2 =	vmul.f32 v2, v60;
	_ =	sdelay $0x1  }
0x3a: {  	[tilespmem:s20+$0x80] =	vst v2  }
0x3b: {  	v2 =	vld.idx.msk [tilespmem:v7+s12+$0x0], $0xffff;
	_ =	sdelay $0x2  }
0x3c: {  	v0 =	vor.u32 $0x380, v0;
	_ =	sdelay $0x1  }
0x3d: {  	v2 =	vmul.f32 v2, v60;
	_ =	sdelay $0x1  }
0x3e: {  	[tilespmem:s20+$0x100] =	vst v2  }
0x3f: {  	v0 =	vld.idx.msk [tilespmem:v0+s12+$0x0], $0xffff;
	_ =	sdelay $0x4  }
0x40: {  	v0 =	vmul.f32 v0, v60;
	_ =	sdelay $0x1  }
0x41: {  	[tilespmem:s20+$0x180] =	vst v0  }
0x42: {  	v0 =	vld [tilespmem:s21+$0x90];
	_ =	sdelay $0x4  }
0x43: {  	v8 =	vshll.u32 v0, $0x3  }
0x44: {  	v0 =	vand.u32 $0x7F, v0;
	v1 =	vand.u32 $0xFFFFFC00, v8  }
0x45: {  	v0 =	vor.u32 v0, v1;
	_ =	sdelay $0x3  }
0x46: {  	v9 =	vld [tilespmem:s21+$0xD90]  }
0x47: {  	v2 =	vld.idx.msk [tilespmem:v0+s12+$0x0], $0xffff;
	_ =	sdelay $0x2  }
0x48: {  	v10 =	vor.u32 $0x80, v0;
	_ =	sdelay $0x1  }
0x49: {  	v2 =	vmul.f32 v2, v9;
	_ =	sdelay $0x1  }
0x4a: {  	[tilespmem:s20+$0xFFFFFE10] =	vst v2  }
0x4b: {  	v2 =	vld.idx.msk [tilespmem:v10+s12+$0x0], $0xffff;
	_ =	sdelay $0x2  }
0x4c: {  	v11 =	vor.u32 $0x100, v0;
	_ =	sdelay $0x1  }
0x4d: {  	v2 =	vmul.f32 v2, v9;
	_ =	sdelay $0x1  }
0x4e: {  	[tilespmem:s20+$0xFFFFFE90] =	vst v2  }
0x4f: {  	v2 =	vld.idx.msk [tilespmem:v11+s12+$0x0], $0xffff;
	_ =	sdelay $0x2  }
0x50: {  	v12 =	vor.u32 $0x180, v0;
	_ =	sdelay $0x1  }
0x51: {  	v2 =	vmul.f32 v2, v9;
	_ =	sdelay $0x1  }
0x52: {  	[tilespmem:s20+$0xFFFFFF10] =	vst v2  }
0x53: {  	v2 =	vld.idx.msk [tilespmem:v12+s12+$0x0], $0xffff;
	_ =	sdelay $0x2  }
0x54: {  	v13 =	vor.u32 $0x200, v0;
	_ =	sdelay $0x1  }
0x55: {  	v2 =	vmul.f32 v2, v9;
	_ =	sdelay $0x1  }
0x56: {  	[tilespmem:s20+$0xFFFFFF90] =	vst v2  }
0x57: {  	v2 =	vld.idx.msk [tilespmem:v13+s12+$0x0], $0xffff;
	_ =	sdelay $0x2  }
0x58: {  	v14 =	vor.u32 $0x280, v0;
	_ =	sdelay $0x1  }
0x59: {  	v2 =	vmul.f32 v2, v9;
	_ =	sdelay $0x1  }
0x5a: {  	[tilespmem:s20+$0x10] =	vst v2  }
0x5b: {  	v2 =	vld.idx.msk [tilespmem:v14+s12+$0x0], $0xffff;
	_ =	sdelay $0x2  }
0x5c: {  	v15 =	vor.u32 $0x300, v0;
	_ =	sdelay $0x1  }
0x5d: {  	v2 =	vmul.f32 v2, v9;
	_ =	sdelay $0x1  }
0x5e: {  	[tilespmem:s20+$0x90] =	vst v2  }
0x5f: {  	v2 =	vld.idx.msk [tilespmem:v15+s12+$0x0], $0xffff;
	_ =	sdelay $0x2  }
0x60: {  	v0 =	vor.u32 $0x380, v0;
	_ =	sdelay $0x1  }
0x61: {  	v2 =	vmul.f32 v2, v9;
	_ =	sdelay $0x1  }
0x62: {  	[tilespmem:s20+$0x110] =	vst v2  }
0x63: {  	v0 =	vld.idx.msk [tilespmem:v0+s12+$0x0], $0xffff;
	_ =	sdelay $0x4  }
0x64: {  	v0 =	vmul.f32 v0, v9;
	_ =	sdelay $0x1  }
0x65: {  	[tilespmem:s20+$0x190] =	vst v0  }
0x66: {  	v0 =	vld [tilespmem:s21+$0xA0];
	_ =	sdelay $0x4  }
0x67: {  	v16 =	vshll.u32 v0, $0x3  }
0x68: {  	v0 =	vand.u32 $0x7F, v0;
	v1 =	vand.u32 $0xFFFFFC00, v16  }
0x69: {  	v0 =	vor.u32 v0, v1;
	_ =	sdelay $0x3  }
0x6a: {  	v17 =	vld [tilespmem:s21+$0xDA0]  }
0x6b: {  	v2 =	vld.idx.msk [tilespmem:v0+s12+$0x0], $0xffff;
	_ =	sdelay $0x2  }
0x6c: {  	v18 =	vor.u32 $0x80, v0;
	_ =	sdelay $0x1  }
0x6d: {  	v2 =	vmul.f32 v2, v17;
	_ =	sdelay $0x1  }
0x6e: {  	[tilespmem:s20+$0xFFFFFE20] =	vst v2  }
0x6f: {  	v2 =	vld.idx.msk [tilespmem:v18+s12+$0x0], $0xffff;
	_ =	sdelay $0x2  }
0x70: {  	v19 =	vor.u32 $0x100, v0;
	_ =	sdelay $0x1  }
0x71: {  	v2 =	vmul.f32 v2, v17;
	_ =	sdelay $0x1  }
0x72: {  	[tilespmem:s20+$0xFFFFFEA0] =	vst v2  }
0x73: {  	v2 =	vld.idx.msk [tilespmem:v19+s12+$0x0], $0xffff;
	_ =	sdelay $0x2  }
0x74: {  	v20 =	vor.u32 $0x180, v0;
	_ =	sdelay $0x1  }
0x75: {  	v2 =	vmul.f32 v2, v17;
	_ =	sdelay $0x1  }
0x76: {  	[tilespmem:s20+$0xFFFFFF20] =	vst v2  }
0x77: {  	v2 =	vld.idx.msk [tilespmem:v20+s12+$0x0], $0xffff;
	_ =	sdelay $0x2  }
0x78: {  	v21 =	vor.u32 $0x200, v0;
	_ =	sdelay $0x1  }
0x79: {  	v2 =	vmul.f32 v2, v17;
	_ =	sdelay $0x1  }
0x7a: {  	[tilespmem:s20+$0xFFFFFFA0] =	vst v2  }
0x7b: {  	v2 =	vld.idx.msk [tilespmem:v21+s12+$0x0], $0xffff;
	_ =	sdelay $0x2  }
0x7c: {  	v22 =	vor.u32 $0x280, v0;
	_ =	sdelay $0x1  }
0x7d: {  	v2 =	vmul.f32 v2, v17;
	_ =	sdelay $0x1  }
0x7e: {  	[tilespmem:s20+$0x20] =	vst v2  }
0x7f: {  	v2 =	vld.idx.msk [tilespmem:v22+s12+$0x0], $0xffff;
	_ =	sdelay $0x2  }
0x80: {  	v23 =	vor.u32 $0x300, v0;
	_ =	sdelay $0x1  }
0x81: {  	v2 =	vmul.f32 v2, v17;
	_ =	sdelay $0x1  }
0x82: {  	[tilespmem:s20+$0xA0] =	vst v2  }
0x83: {  	v2 =	vld.idx.msk [tilespmem:v23+s12+$0x0], $0xffff;
	_ =	sdelay $0x2  }
0x84: {  	v0 =	vor.u32 $0x380, v0;
	_ =	sdelay $0x1  }
0x85: {  	v2 =	vmul.f32 v2, v17;
	_ =	sdelay $0x1  }
0x86: {  	[tilespmem:s20+$0x120] =	vst v2  }
0x87: {  	v0 =	vld.idx.msk [tilespmem:v0+s12+$0x0], $0xffff;
	_ =	sdelay $0x4  }
0x88: {  	v0 =	vmul.f32 v0, v17;
	_ =	sdelay $0x1  }
0x89: {  	[tilespmem:s20+$0x1A0] =	vst v0  }
0x8a: {  	v0 =	vld [tilespmem:s21+$0xB0];
	_ =	sdelay $0x4  }
0x8b: {  	v24 =	vshll.u32 v0, $0x3  }
0x8c: {  	v0 =	vand.u32 $0x7F, v0;
	v1 =	vand.u32 $0xFFFFFC00, v24  }
0x8d: {  	v0 =	vor.u32 v0, v1;
	_ =	sdelay $0x3  }
0x8e: {  	v25 =	vld [tilespmem:s21+$0xDB0]  }
0x8f: {  	v2 =	vld.idx.msk [tilespmem:v0+s12+$0x0], $0xffff;
	_ =	sdelay $0x2  }
0x90: {  	v26 =	vor.u32 $0x80, v0;
	_ =	sdelay $0x1  }
0x91: {  	v2 =	vmul.f32 v2, v25;
	_ =	sdelay $0x1  }
0x92: {  	[tilespmem:s20+$0xFFFFFE30] =	vst v2  }
0x93: {  	v2 =	vld.idx.msk [tilespmem:v26+s12+$0x0], $0xffff;
	_ =	sdelay $0x2  }
0x94: {  	v27 =	vor.u32 $0x100, v0;
	_ =	sdelay $0x1  }
0x95: {  	v2 =	vmul.f32 v2, v25;
	_ =	sdelay $0x1  }
0x96: {  	[tilespmem:s20+$0xFFFFFEB0] =	vst v2  }
0x97: {  	v2 =	vld.idx.msk [tilespmem:v27+s12+$0x0], $0xffff;
	_ =	sdelay $0x2  }
0x98: {  	v28 =	vor.u32 $0x180, v0;
	_ =	sdelay $0x1  }
0x99: {  	v2 =	vmul.f32 v2, v25;
	_ =	sdelay $0x1  }
0x9a: {  	[tilespmem:s20+$0xFFFFFF30] =	vst v2  }
0x9b: {  	v2 =	vld.idx.msk [tilespmem:v28+s12+$0x0], $0xffff;
	_ =	sdelay $0x2  }
0x9c: {  	v29 =	vor.u32 $0x200, v0;
	_ =	sdelay $0x1  }
0x9d: {  	v2 =	vmul.f32 v2, v25;
	_ =	sdelay $0x1  }
0x9e: {  	[tilespmem:s20+$0xFFFFFFB0] =	vst v2  }
0x9f: {  	v2 =	vld.idx.msk [tilespmem:v29+s12+$0x0], $0xffff;
	_ =	sdelay $0x2  }
0xa0: {  	v30 =	vor.u32 $0x280, v0;
	_ =	sdelay $0x1  }
0xa1: {  	v2 =	vmul.f32 v2, v25;
	_ =	sdelay $0x1  }
0xa2: {  	[tilespmem:s20+$0x30] =	vst v2  }
0xa3: {  	v2 =	vld.idx.msk [tilespmem:v30+s12+$0x0], $0xffff;
	_ =	sdelay $0x2  }
0xa4: {  	v31 =	vor.u32 $0x300, v0;
	_ =	sdelay $0x1  }
0xa5: {  	v2 =	vmul.f32 v2, v25;
	_ =	sdelay $0x1  }
0xa6: {  	[tilespmem:s20+$0xB0] =	vst v2  }
0xa7: {  	v2 =	vld.idx.msk [tilespmem:v31+s12+$0x0], $0xffff;
	_ =	sdelay $0x2  }
0xa8: {  	v0 =	vor.u32 $0x380, v0;
	_ =	sdelay $0x1  }
0xa9: {  	v2 =	vmul.f32 v2, v25;
	_ =	sdelay $0x1  }
0xaa: {  	[tilespmem:s20+$0x130] =	vst v2  }
0xab: {  	v0 =	vld.idx.msk [tilespmem:v0+s12+$0x0], $0xffff;
	_ =	sdelay $0x4  }
0xac: {  	v0 =	vmul.f32 v0, v25;
	_ =	sdelay $0x1  }
0xad: {  	[tilespmem:s20+$0x1B0] =	vst v0  }
0xae: {  	v0 =	vld [tilespmem:s21+$0xC0];
	_ =	sdelay $0x4  }
0xaf: {  	v32 =	vshll.u32 v0, $0x3  }
0xb0: {  	v0 =	vand.u32 $0x7F, v0;
	v1 =	vand.u32 $0xFFFFFC00, v32  }
0xb1: {  	v0 =	vor.u32 v0, v1;
	_ =	sdelay $0x3  }
0xb2: {  	v33 =	vld [tilespmem:s21+$0xDC0]  }
0xb3: {  	v2 =	vld.idx.msk [tilespmem:v0+s12+$0x0], $0xffff;
	_ =	sdelay $0x2  }
0xb4: {  	v34 =	vor.u32 $0x80, v0;
	_ =	sdelay $0x1  }
0xb5: {  	v2 =	vmul.f32 v2, v33;
	_ =	sdelay $0x1  }
0xb6: {  	[tilespmem:s20+$0xFFFFFE40] =	vst v2  }
0xb7: {  	v2 =	vld.idx.msk [tilespmem:v34+s12+$0x0], $0xffff;
	_ =	sdelay $0x2  }
0xb8: {  	v35 =	vor.u32 $0x100, v0;
	_ =	sdelay $0x1  }
0xb9: {  	v2 =	vmul.f32 v2, v33;
	_ =	sdelay $0x1  }
0xba: {  	[tilespmem:s20+$0xFFFFFEC0] =	vst v2  }
0xbb: {  	v2 =	vld.idx.msk [tilespmem:v35+s12+$0x0], $0xffff;
	_ =	sdelay $0x2  }
0xbc: {  	v36 =	vor.u32 $0x180, v0;
	_ =	sdelay $0x1  }
0xbd: {  	v2 =	vmul.f32 v2, v33;
	_ =	sdelay $0x1  }
0xbe: {  	[tilespmem:s20+$0xFFFFFF40] =	vst v2  }
0xbf: {  	v2 =	vld.idx.msk [tilespmem:v36+s12+$0x0], $0xffff;
	_ =	sdelay $0x2  }
0xc0: {  	v37 =	vor.u32 $0x200, v0;
	_ =	sdelay $0x1  }
0xc1: {  	v2 =	vmul.f32 v2, v33;
	_ =	sdelay $0x1  }
0xc2: {  	[tilespmem:s20+$0xFFFFFFC0] =	vst v2  }
0xc3: {  	v2 =	vld.idx.msk [tilespmem:v37+s12+$0x0], $0xffff;
	_ =	sdelay $0x2  }
0xc4: {  	v38 =	vor.u32 $0x280, v0;
	_ =	sdelay $0x1  }
0xc5: {  	v2 =	vmul.f32 v2, v33;
	_ =	sdelay $0x1  }
0xc6: {  	[tilespmem:s20+$0x40] =	vst v2  }
0xc7: {  	v2 =	vld.idx.msk [tilespmem:v38+s12+$0x0], $0xffff;
	_ =	sdelay $0x2  }
0xc8: {  	v39 =	vor.u32 $0x300, v0;
	_ =	sdelay $0x1  }
0xc9: {  	v2 =	vmul.f32 v2, v33;
	_ =	sdelay $0x1  }
0xca: {  	[tilespmem:s20+$0xC0] =	vst v2  }
0xcb: {  	v2 =	vld.idx.msk [tilespmem:v39+s12+$0x0], $0xffff;
	_ =	sdelay $0x2  }
0xcc: {  	v0 =	vor.u32 $0x380, v0;
	_ =	sdelay $0x1  }
0xcd: {  	v2 =	vmul.f32 v2, v33;
	_ =	sdelay $0x1  }
0xce: {  	[tilespmem:s20+$0x140] =	vst v2  }
0xcf: {  	v0 =	vld.idx.msk [tilespmem:v0+s12+$0x0], $0xffff;
	_ =	sdelay $0x4  }
0xd0: {  	v0 =	vmul.f32 v0, v33;
	_ =	sdelay $0x1  }
0xd1: {  	[tilespmem:s20+$0x1C0] =	vst v0  }
0xd2: {  	v0 =	vld [tilespmem:s21+$0xD0];
	_ =	sdelay $0x4  }
0xd3: {  	v40 =	vshll.u32 v0, $0x3  }
0xd4: {  	v0 =	vand.u32 $0x7F, v0;
	v1 =	vand.u32 $0xFFFFFC00, v40  }
0xd5: {  	v0 =	vor.u32 v0, v1;
	_ =	sdelay $0x3  }
0xd6: {  	v41 =	vld [tilespmem:s21+$0xDD0]  }
0xd7: {  	v2 =	vld.idx.msk [tilespmem:v0+s12+$0x0], $0xffff;
	_ =	sdelay $0x2  }
0xd8: {  	v42 =	vor.u32 $0x80, v0;
	_ =	sdelay $0x1  }
0xd9: {  	v2 =	vmul.f32 v2, v41;
	_ =	sdelay $0x1  }
0xda: {  	[tilespmem:s20+$0xFFFFFE50] =	vst v2  }
0xdb: {  	v2 =	vld.idx.msk [tilespmem:v42+s12+$0x0], $0xffff;
	_ =	sdelay $0x2  }
0xdc: {  	v43 =	vor.u32 $0x100, v0;
	_ =	sdelay $0x1  }
0xdd: {  	v2 =	vmul.f32 v2, v41;
	_ =	sdelay $0x1  }
0xde: {  	[tilespmem:s20+$0xFFFFFED0] =	vst v2  }
0xdf: {  	v2 =	vld.idx.msk [tilespmem:v43+s12+$0x0], $0xffff;
	_ =	sdelay $0x2  }
0xe0: {  	v44 =	vor.u32 $0x180, v0;
	_ =	sdelay $0x1  }
0xe1: {  	v2 =	vmul.f32 v2, v41;
	_ =	sdelay $0x1  }
0xe2: {  	[tilespmem:s20+$0xFFFFFF50] =	vst v2  }
0xe3: {  	v2 =	vld.idx.msk [tilespmem:v44+s12+$0x0], $0xffff;
	_ =	sdelay $0x2  }
0xe4: {  	v45 =	vor.u32 $0x200, v0;
	_ =	sdelay $0x1  }
0xe5: {  	v2 =	vmul.f32 v2, v41;
	_ =	sdelay $0x1  }
0xe6: {  	[tilespmem:s20+$0xFFFFFFD0] =	vst v2  }
0xe7: {  	v2 =	vld.idx.msk [tilespmem:v45+s12+$0x0], $0xffff;
	_ =	sdelay $0x2  }
0xe8: {  	v46 =	vor.u32 $0x280, v0;
	_ =	sdelay $0x1  }
0xe9: {  	v2 =	vmul.f32 v2, v41;
	_ =	sdelay $0x1  }
0xea: {  	[tilespmem:s20+$0x50] =	vst v2  }
0xeb: {  	v2 =	vld.idx.msk [tilespmem:v46+s12+$0x0], $0xffff;
	_ =	sdelay $0x2  }
0xec: {  	v47 =	vor.u32 $0x300, v0;
	_ =	sdelay $0x1  }
0xed: {  	v2 =	vmul.f32 v2, v41;
	_ =	sdelay $0x1  }
0xee: {  	[tilespmem:s20+$0xD0] =	vst v2  }
0xef: {  	v2 =	vld.idx.msk [tilespmem:v47+s12+$0x0], $0xffff;
	_ =	sdelay $0x2  }
0xf0: {  	v0 =	vor.u32 $0x380, v0;
	_ =	sdelay $0x1  }
0xf1: {  	v2 =	vmul.f32 v2, v41;
	_ =	sdelay $0x1  }
0xf2: {  	[tilespmem:s20+$0x150] =	vst v2  }
0xf3: {  	v0 =	vld.idx.msk [tilespmem:v0+s12+$0x0], $0xffff;
	_ =	sdelay $0x4  }
0xf4: {  	v0 =	vmul.f32 v0, v41;
	_ =	sdelay $0x1  }
0xf5: {  	[tilespmem:s20+$0x1D0] =	vst v0  }
0xf6: {  	v0 =	vld [tilespmem:s21+$0xE0];
	_ =	sdelay $0x4  }
0xf7: {  	v48 =	vshll.u32 v0, $0x3  }
0xf8: {  	v0 =	vand.u32 $0x7F, v0;
	v1 =	vand.u32 $0xFFFFFC00, v48  }
0xf9: {  	v0 =	vor.u32 v0, v1;
	_ =	sdelay $0x3  }
0xfa: {  	v49 =	vld [tilespmem:s21+$0xDE0]  }
0xfb: {  	v2 =	vld.idx.msk [tilespmem:v0+s12+$0x0], $0xffff;
	_ =	sdelay $0x2  }
0xfc: {  	v50 =	vor.u32 $0x80, v0;
	_ =	sdelay $0x1  }
0xfd: {  	v2 =	vmul.f32 v2, v49;
	_ =	sdelay $0x1  }
0xfe: {  	[tilespmem:s20+$0xFFFFFE60] =	vst v2  }
0xff: {  	v2 =	vld.idx.msk [tilespmem:v50+s12+$0x0], $0xffff;
	_ =	sdelay $0x2  }
0x100: {  	v51 =	vor.u32 $0x100, v0;
	_ =	sdelay $0x1  }
0x101: {  	v2 =	vmul.f32 v2, v49;
	_ =	sdelay $0x1  }
0x102: {  	[tilespmem:s20+$0xFFFFFEE0] =	vst v2  }
0x103: {  	v2 =	vld.idx.msk [tilespmem:v51+s12+$0x0], $0xffff;
	_ =	sdelay $0x2  }
0x104: {  	v52 =	vor.u32 $0x180, v0;
	_ =	sdelay $0x1  }
0x105: {  	v2 =	vmul.f32 v2, v49;
	_ =	sdelay $0x1  }
0x106: {  	[tilespmem:s20+$0xFFFFFF60] =	vst v2  }
0x107: {  	v2 =	vld.idx.msk [tilespmem:v52+s12+$0x0], $0xffff;
	_ =	sdelay $0x2  }
0x108: {  	v53 =	vor.u32 $0x200, v0;
	_ =	sdelay $0x1  }
0x109: {  	v2 =	vmul.f32 v2, v49;
	_ =	sdelay $0x1  }
0x10a: {  	[tilespmem:s20+$0xFFFFFFE0] =	vst v2  }
0x10b: {  	v2 =	vld.idx.msk [tilespmem:v53+s12+$0x0], $0xffff;
	_ =	sdelay $0x2  }
0x10c: {  	v54 =	vor.u32 $0x280, v0;
	_ =	sdelay $0x1  }
0x10d: {  	v2 =	vmul.f32 v2, v49;
	_ =	sdelay $0x1  }
0x10e: {  	[tilespmem:s20+$0x60] =	vst v2  }
0x10f: {  	v2 =	vld.idx.msk [tilespmem:v54+s12+$0x0], $0xffff;
	_ =	sdelay $0x2  }
0x110: {  	v55 =	vor.u32 $0x300, v0;
	_ =	sdelay $0x1  }
0x111: {  	v2 =	vmul.f32 v2, v49;
	_ =	sdelay $0x1  }
0x112: {  	[tilespmem:s20+$0xE0] =	vst v2  }
0x113: {  	v2 =	vld.idx.msk [tilespmem:v55+s12+$0x0], $0xffff;
	_ =	sdelay $0x2  }
0x114: {  	v0 =	vor.u32 $0x380, v0;
	_ =	sdelay $0x1  }
0x115: {  	v2 =	vmul.f32 v2, v49;
	_ =	sdelay $0x1  }
0x116: {  	[tilespmem:s20+$0x160] =	vst v2  }
0x117: {  	v0 =	vld.idx.msk [tilespmem:v0+s12+$0x0], $0xffff;
	_ =	sdelay $0x4  }
0x118: {  	v0 =	vmul.f32 v0, v49;
	_ =	sdelay $0x1  }
0x119: {  	[tilespmem:s20+$0x1E0] =	vst v0  }
0x11a: {  	v0 =	vld [tilespmem:s21+$0xF0];
	_ =	sdelay $0x4  }
0x11b: {  	v56 =	vshll.u32 v0, $0x3  }
0x11c: {  	v0 =	vand.u32 $0x7F, v0;
	v1 =	vand.u32 $0xFFFFFC00, v56  }
0x11d: {  	v0 =	vor.u32 v0, v1;
	_ =	sdelay $0x3  }
0x11e: {  	v57 =	vld [tilespmem:s21+$0xDF0]  }
0x11f: {  	v2 =	vld.idx.msk [tilespmem:v0+s12+$0x0], $0xffff;
	_ =	sdelay $0x2  }
0x120: {  	v58 =	vor.u32 $0x80, v0;
	_ =	sdelay $0x1  }
0x121: {  	v2 =	vmul.f32 v2, v57;
	_ =	sdelay $0x1  }
0x122: {  	[tilespmem:s20+$0xFFFFFE70] =	vst v2  }
0x123: {  	v2 =	vld.idx.msk [tilespmem:v58+s12+$0x0], $0xffff;
	_ =	sdelay $0x2  }
0x124: {  	v59 =	vor.u32 $0x100, v0;
	_ =	sdelay $0x1  }
0x125: {  	v2 =	vmul.f32 v2, v57;
	_ =	sdelay $0x1  }
0x126: {  	[tilespmem:s20+$0xFFFFFEF0] =	vst v2  }
0x127: {  	v2 =	vld.idx.msk [tilespmem:v59+s12+$0x0], $0xffff;
	_ =	sdelay $0x2  }
0x128: {  	v60 =	vor.u32 $0x180, v0;
	_ =	sdelay $0x1  }
0x129: {  	v2 =	vmul.f32 v2, v57;
	_ =	sdelay $0x1  }
0x12a: {  	[tilespmem:s20+$0xFFFFFF70] =	vst v2  }
0x12b: {  	v2 =	vld.idx.msk [tilespmem:v60+s12+$0x0], $0xffff;
	_ =	sdelay $0x2  }
0x12c: {  	v61 =	vor.u32 $0x200, v0;
	_ =	sdelay $0x1  }
0x12d: {  	v2 =	vmul.f32 v2, v57;
	_ =	sdelay $0x1  }
0x12e: {  	[tilespmem:s20+$0xFFFFFFF0] =	vst v2  }
0x12f: {  	v2 =	vld.idx.msk [tilespmem:v61+s12+$0x0], $0xffff;
	_ =	sdelay $0x2  }
0x130: {  	v62 =	vor.u32 $0x280, v0;
	_ =	sdelay $0x1  }
0x131: {  	v2 =	vmul.f32 v2, v57;
	_ =	sdelay $0x1  }
0x132: {  	[tilespmem:s20+$0x70] =	vst v2  }
0x133: {  	v2 =	vld.idx.msk [tilespmem:v62+s12+$0x0], $0xffff;
	_ =	sdelay $0x2  }
0x134: {  	v63 =	vor.u32 $0x300, v0;
	_ =	sdelay $0x1  }
0x135: {  	v2 =	vmul.f32 v2, v57;
	_ =	sdelay $0x1  }
0x136: {  	[tilespmem:s20+$0xF0] =	vst v2  }
0x137: {  	v2 =	vld.idx.msk [tilespmem:v63+s12+$0x0], $0xffff;
	_ =	sdelay $0x2  }
0x138: {  	v0 =	vor.u32 $0x380, v0;
	_ =	sdelay $0x1  }
0x139: {  	v2 =	vmul.f32 v2, v57;
	_ =	sdelay $0x1  }
0x13a: {  	[tilespmem:s20+$0x170] =	vst v2  }
0x13b: {  	v0 =	vld.idx.msk [tilespmem:v0+s12+$0x0], $0xffff;
	_ =	sdelay $0x1  }
0x13c: {  	p1 =	sne.s32 s19, $0x3000  }
.Ltmp0:
0x13d: {  	_ = 	snop;
	(pc) =	sbr.rel @p1 .LBB2_3-.Ltmp0, $3  }
0x13e: {  	_ = 	snop  }
0x13f: {  	v0 =	vmul.f32 v0, v57;
	_ =	sdelay $0x1  }
0x140: {  	s19 =	sadd.s32 $0x400, s19;
	[tilespmem:s20+$0x1F0] =	vst v0;
	s20 =	sadd.s32 $0x400, s20  }
0x141: {  	s19 =	sor.u32 s6, s18  }
0x142: {  	s19 =	smul.u32 $0x680, s19;
	_ =	sdelay $0x1  }
0x143: {  	s18 =	sor.u32 $0x1, s18;
	s19 =	sadd.s32 s2, s19  }
0x144: {  	[hbm4b:s19+s4] =	stream.linear.scatter [tilespmem:s13], [sflag:$0x1], $0x3400, $0x38;
	[tilespmem:$0x18200] =	vst v63  }
0x145: {  	s20 =	sor.u32 s8, s18;
	s19 =	simm.s32 @!p0 $0x2  }
0x146: {  	s20 =	sshll.u32 s20, $0xD;
	_ =	swait.ge @!p0 [sflag:s19], $0x3400  }
0x147: {  	s20 =	sand.u32 $0x1FFFE000, s20;
	[sflag:s19] =	ssyncset.done @!p0 $0x0  }
0x148: {  	s20 =	sadd.s32 s1, s20;
	[sflag:s19] =	ssyncadd.s32 @!p0 $0xFFFFCC00;
	s19 =	simm.s32 $0x0  }
0x149: {  	[tilespmem:s12], [sflag:$0x3] =	stream.linear.gather [hbm4b:s20+s19], $0x10000, $0x38;
	[tilespmem:$0x18200] =	vst v63  }
0x14a: {  	_ =	swait.ge [sflag:s10], $0x10000  }
0x14b: {  	[sflag:s10] =	ssyncset.done $0x0  }
0x14c: {  	s20 =	simm.s32 $0x15000;
	[sflag:s10] =	ssyncadd.s32 $0xFFFF0000  }
.LBB2_5:
0x14d: {  	s21 =	sshra.s32 s19, $0x2  }
0x14e: {  	v0 =	vld [tilespmem:s21+$0x80];
	_ =	sdelay $0x4  }
0x14f: {  	v1 =	vshll.u32 v0, $0x3  }
0x150: {  	v0 =	vand.u32 $0x7F, v0;
	v1 =	vand.u32 $0xFFFFFC00, v1  }
0x151: {  	v0 =	vor.u32 v0, v1;
	_ =	sdelay $0x3  }
0x152: {  	v60 =	vld [tilespmem:s21+$0xD80]  }
0x153: {  	v2 =	vld.idx.msk [tilespmem:v0+s12+$0x0], $0xffff;
	_ =	sdelay $0x2  }
0x154: {  	v3 =	vor.u32 $0x80, v0;
	_ =	sdelay $0x1  }
0x155: {  	v2 =	vmul.f32 v2, v60;
	_ =	sdelay $0x1  }
0x156: {  	[tilespmem:s20+$0xFFFFFE00] =	vst v2  }
0x157: {  	v2 =	vld.idx.msk [tilespmem:v3+s12+$0x0], $0xffff;
	_ =	sdelay $0x2  }
0x158: {  	v61 =	vor.u32 $0x100, v0;
	_ =	sdelay $0x1  }
0x159: {  	v2 =	vmul.f32 v2, v60;
	_ =	sdelay $0x1  }
0x15a: {  	[tilespmem:s20+$0xFFFFFE80] =	vst v2  }
0x15b: {  	v2 =	vld.idx.msk [tilespmem:v61+s12+$0x0], $0xffff;
	_ =	sdelay $0x2  }
0x15c: {  	v62 =	vor.u32 $0x180, v0;
	_ =	sdelay $0x1  }
0x15d: {  	v2 =	vmul.f32 v2, v60;
	_ =	sdelay $0x1  }
0x15e: {  	[tilespmem:s20+$0xFFFFFF00] =	vst v2  }
0x15f: {  	v2 =	vld.idx.msk [tilespmem:v62+s12+$0x0], $0xffff;
	_ =	sdelay $0x2  }
0x160: {  	v63 =	vor.u32 $0x200, v0;
	_ =	sdelay $0x1  }
0x161: {  	v2 =	vmul.f32 v2, v60;
	_ =	sdelay $0x1  }
0x162: {  	[tilespmem:s20+$0xFFFFFF80] =	vst v2  }
0x163: {  	v2 =	vld.idx.msk [tilespmem:v63+s12+$0x0], $0xffff;
	_ =	sdelay $0x2  }
0x164: {  	v6 =	vor.u32 $0x280, v0;
	_ =	sdelay $0x1  }
0x165: {  	v2 =	vmul.f32 v2, v60;
	_ =	sdelay $0x1  }
0x166: {  	[tilespmem:s20+$0x0] =	vst v2  }
0x167: {  	v2 =	vld.idx.msk [tilespmem:v6+s12+$0x0], $0xffff;
	_ =	sdelay $0x2  }
0x168: {  	v7 =	vor.u32 $0x300, v0;
	_ =	sdelay $0x1  }
0x169: {  	v2 =	vmul.f32 v2, v60;
	_ =	sdelay $0x1  }
0x16a: {  	[tilespmem:s20+$0x80] =	vst v2  }
0x16b: {  	v2 =	vld.idx.msk [tilespmem:v7+s12+$0x0], $0xffff;
	_ =	sdelay $0x2  }
0x16c: {  	v0 =	vor.u32 $0x380, v0;
	_ =	sdelay $0x1  }
0x16d: {  	v2 =	vmul.f32 v2, v60;
	_ =	sdelay $0x1  }
0x16e: {  	[tilespmem:s20+$0x100] =	vst v2  }
0x16f: {  	v0 =	vld.idx.msk [tilespmem:v0+s12+$0x0], $0xffff;
	_ =	sdelay $0x4  }
0x170: {  	v0 =	vmul.f32 v0, v60;
	_ =	sdelay $0x1  }
0x171: {  	[tilespmem:s20+$0x180] =	vst v0  }
0x172: {  	v0 =	vld [tilespmem:s21+$0x90];
	_ =	sdelay $0x4  }
0x173: {  	v8 =	vshll.u32 v0, $0x3  }
0x174: {  	v0 =	vand.u32 $0x7F, v0;
	v1 =	vand.u32 $0xFFFFFC00, v8  }
0x175: {  	v0 =	vor.u32 v0, v1;
	_ =	sdelay $0x3  }
0x176: {  	v9 =	vld [tilespmem:s21+$0xD90]  }
0x177: {  	v2 =	vld.idx.msk [tilespmem:v0+s12+$0x0], $0xffff;
	_ =	sdelay $0x2  }
0x178: {  	v10 =	vor.u32 $0x80, v0;
	_ =	sdelay $0x1  }
0x179: {  	v2 =	vmul.f32 v2, v9;
	_ =	sdelay $0x1  }
0x17a: {  	[tilespmem:s20+$0xFFFFFE10] =	vst v2  }
0x17b: {  	v2 =	vld.idx.msk [tilespmem:v10+s12+$0x0], $0xffff;
	_ =	sdelay $0x2  }
0x17c: {  	v11 =	vor.u32 $0x100, v0;
	_ =	sdelay $0x1  }
0x17d: {  	v2 =	vmul.f32 v2, v9;
	_ =	sdelay $0x1  }
0x17e: {  	[tilespmem:s20+$0xFFFFFE90] =	vst v2  }
0x17f: {  	v2 =	vld.idx.msk [tilespmem:v11+s12+$0x0], $0xffff;
	_ =	sdelay $0x2  }
0x180: {  	v12 =	vor.u32 $0x180, v0;
	_ =	sdelay $0x1  }
0x181: {  	v2 =	vmul.f32 v2, v9;
	_ =	sdelay $0x1  }
0x182: {  	[tilespmem:s20+$0xFFFFFF10] =	vst v2  }
0x183: {  	v2 =	vld.idx.msk [tilespmem:v12+s12+$0x0], $0xffff;
	_ =	sdelay $0x2  }
0x184: {  	v13 =	vor.u32 $0x200, v0;
	_ =	sdelay $0x1  }
0x185: {  	v2 =	vmul.f32 v2, v9;
	_ =	sdelay $0x1  }
0x186: {  	[tilespmem:s20+$0xFFFFFF90] =	vst v2  }
0x187: {  	v2 =	vld.idx.msk [tilespmem:v13+s12+$0x0], $0xffff;
	_ =	sdelay $0x2  }
0x188: {  	v14 =	vor.u32 $0x280, v0;
	_ =	sdelay $0x1  }
0x189: {  	v2 =	vmul.f32 v2, v9;
	_ =	sdelay $0x1  }
0x18a: {  	[tilespmem:s20+$0x10] =	vst v2  }
0x18b: {  	v2 =	vld.idx.msk [tilespmem:v14+s12+$0x0], $0xffff;
	_ =	sdelay $0x2  }
0x18c: {  	v15 =	vor.u32 $0x300, v0;
	_ =	sdelay $0x1  }
0x18d: {  	v2 =	vmul.f32 v2, v9;
	_ =	sdelay $0x1  }
0x18e: {  	[tilespmem:s20+$0x90] =	vst v2  }
0x18f: {  	v2 =	vld.idx.msk [tilespmem:v15+s12+$0x0], $0xffff;
	_ =	sdelay $0x2  }
0x190: {  	v0 =	vor.u32 $0x380, v0;
	_ =	sdelay $0x1  }
0x191: {  	v2 =	vmul.f32 v2, v9;
	_ =	sdelay $0x1  }
0x192: {  	[tilespmem:s20+$0x110] =	vst v2  }
0x193: {  	v0 =	vld.idx.msk [tilespmem:v0+s12+$0x0], $0xffff;
	_ =	sdelay $0x4  }
0x194: {  	v0 =	vmul.f32 v0, v9;
	_ =	sdelay $0x1  }
0x195: {  	[tilespmem:s20+$0x190] =	vst v0  }
0x196: {  	v0 =	vld [tilespmem:s21+$0xA0];
	_ =	sdelay $0x4  }
0x197: {  	v16 =	vshll.u32 v0, $0x3  }
0x198: {  	v0 =	vand.u32 $0x7F, v0;
	v1 =	vand.u32 $0xFFFFFC00, v16  }
0x199: {  	v0 =	vor.u32 v0, v1;
	_ =	sdelay $0x3  }
0x19a: {  	v17 =	vld [tilespmem:s21+$0xDA0]  }
0x19b: {  	v2 =	vld.idx.msk [tilespmem:v0+s12+$0x0], $0xffff;
	_ =	sdelay $0x2  }
0x19c: {  	v18 =	vor.u32 $0x80, v0;
	_ =	sdelay $0x1  }
0x19d: {  	v2 =	vmul.f32 v2, v17;
	_ =	sdelay $0x1  }
0x19e: {  	[tilespmem:s20+$0xFFFFFE20] =	vst v2  }
0x19f: {  	v2 =	vld.idx.msk [tilespmem:v18+s12+$0x0], $0xffff;
	_ =	sdelay $0x2  }
0x1a0: {  	v19 =	vor.u32 $0x100, v0;
	_ =	sdelay $0x1  }
0x1a1: {  	v2 =	vmul.f32 v2, v17;
	_ =	sdelay $0x1  }
0x1a2: {  	[tilespmem:s20+$0xFFFFFEA0] =	vst v2  }
0x1a3: {  	v2 =	vld.idx.msk [tilespmem:v19+s12+$0x0], $0xffff;
	_ =	sdelay $0x2  }
0x1a4: {  	v20 =	vor.u32 $0x180, v0;
	_ =	sdelay $0x1  }
0x1a5: {  	v2 =	vmul.f32 v2, v17;
	_ =	sdelay $0x1  }
0x1a6: {  	[tilespmem:s20+$0xFFFFFF20] =	vst v2  }
0x1a7: {  	v2 =	vld.idx.msk [tilespmem:v20+s12+$0x0], $0xffff;
	_ =	sdelay $0x2  }
0x1a8: {  	v21 =	vor.u32 $0x200, v0;
	_ =	sdelay $0x1  }
0x1a9: {  	v2 =	vmul.f32 v2, v17;
	_ =	sdelay $0x1  }
0x1aa: {  	[tilespmem:s20+$0xFFFFFFA0] =	vst v2  }
0x1ab: {  	v2 =	vld.idx.msk [tilespmem:v21+s12+$0x0], $0xffff;
	_ =	sdelay $0x2  }
0x1ac: {  	v22 =	vor.u32 $0x280, v0;
	_ =	sdelay $0x1  }
0x1ad: {  	v2 =	vmul.f32 v2, v17;
	_ =	sdelay $0x1  }
0x1ae: {  	[tilespmem:s20+$0x20] =	vst v2  }
0x1af: {  	v2 =	vld.idx.msk [tilespmem:v22+s12+$0x0], $0xffff;
	_ =	sdelay $0x2  }
0x1b0: {  	v23 =	vor.u32 $0x300, v0;
	_ =	sdelay $0x1  }
0x1b1: {  	v2 =	vmul.f32 v2, v17;
	_ =	sdelay $0x1  }
0x1b2: {  	[tilespmem:s20+$0xA0] =	vst v2  }
0x1b3: {  	v2 =	vld.idx.msk [tilespmem:v23+s12+$0x0], $0xffff;
	_ =	sdelay $0x2  }
0x1b4: {  	v0 =	vor.u32 $0x380, v0;
	_ =	sdelay $0x1  }
0x1b5: {  	v2 =	vmul.f32 v2, v17;
	_ =	sdelay $0x1  }
0x1b6: {  	[tilespmem:s20+$0x120] =	vst v2  }
0x1b7: {  	v0 =	vld.idx.msk [tilespmem:v0+s12+$0x0], $0xffff;
	_ =	sdelay $0x4  }
0x1b8: {  	v0 =	vmul.f32 v0, v17;
	_ =	sdelay $0x1  }
0x1b9: {  	[tilespmem:s20+$0x1A0] =	vst v0  }
0x1ba: {  	v0 =	vld [tilespmem:s21+$0xB0];
	_ =	sdelay $0x4  }
0x1bb: {  	v24 =	vshll.u32 v0, $0x3  }
0x1bc: {  	v0 =	vand.u32 $0x7F, v0;
	v1 =	vand.u32 $0xFFFFFC00, v24  }
0x1bd: {  	v0 =	vor.u32 v0, v1;
	_ =	sdelay $0x3  }
0x1be: {  	v25 =	vld [tilespmem:s21+$0xDB0]  }
0x1bf: {  	v2 =	vld.idx.msk [tilespmem:v0+s12+$0x0], $0xffff;
	_ =	sdelay $0x2  }
0x1c0: {  	v26 =	vor.u32 $0x80, v0;
	_ =	sdelay $0x1  }
0x1c1: {  	v2 =	vmul.f32 v2, v25;
	_ =	sdelay $0x1  }
0x1c2: {  	[tilespmem:s20+$0xFFFFFE30] =	vst v2  }
0x1c3: {  	v2 =	vld.idx.msk [tilespmem:v26+s12+$0x0], $0xffff;
	_ =	sdelay $0x2  }
0x1c4: {  	v27 =	vor.u32 $0x100, v0;
	_ =	sdelay $0x1  }
0x1c5: {  	v2 =	vmul.f32 v2, v25;
	_ =	sdelay $0x1  }
0x1c6: {  	[tilespmem:s20+$0xFFFFFEB0] =	vst v2  }
0x1c7: {  	v2 =	vld.idx.msk [tilespmem:v27+s12+$0x0], $0xffff;
	_ =	sdelay $0x2  }
0x1c8: {  	v28 =	vor.u32 $0x180, v0;
	_ =	sdelay $0x1  }
0x1c9: {  	v2 =	vmul.f32 v2, v25;
	_ =	sdelay $0x1  }
0x1ca: {  	[tilespmem:s20+$0xFFFFFF30] =	vst v2  }
0x1cb: {  	v2 =	vld.idx.msk [tilespmem:v28+s12+$0x0], $0xffff;
	_ =	sdelay $0x2  }
0x1cc: {  	v29 =	vor.u32 $0x200, v0;
	_ =	sdelay $0x1  }
0x1cd: {  	v2 =	vmul.f32 v2, v25;
	_ =	sdelay $0x1  }
0x1ce: {  	[tilespmem:s20+$0xFFFFFFB0] =	vst v2  }
0x1cf: {  	v2 =	vld.idx.msk [tilespmem:v29+s12+$0x0], $0xffff;
	_ =	sdelay $0x2  }
0x1d0: {  	v30 =	vor.u32 $0x280, v0;
	_ =	sdelay $0x1  }
0x1d1: {  	v2 =	vmul.f32 v2, v25;
	_ =	sdelay $0x1  }
0x1d2: {  	[tilespmem:s20+$0x30] =	vst v2  }
0x1d3: {  	v2 =	vld.idx.msk [tilespmem:v30+s12+$0x0], $0xffff;
	_ =	sdelay $0x2  }
0x1d4: {  	v31 =	vor.u32 $0x300, v0;
	_ =	sdelay $0x1  }
0x1d5: {  	v2 =	vmul.f32 v2, v25;
	_ =	sdelay $0x1  }
0x1d6: {  	[tilespmem:s20+$0xB0] =	vst v2  }
0x1d7: {  	v2 =	vld.idx.msk [tilespmem:v31+s12+$0x0], $0xffff;
	_ =	sdelay $0x2  }
0x1d8: {  	v0 =	vor.u32 $0x380, v0;
	_ =	sdelay $0x1  }
0x1d9: {  	v2 =	vmul.f32 v2, v25;
	_ =	sdelay $0x1  }
0x1da: {  	[tilespmem:s20+$0x130] =	vst v2  }
0x1db: {  	v0 =	vld.idx.msk [tilespmem:v0+s12+$0x0], $0xffff;
	_ =	sdelay $0x4  }
0x1dc: {  	v0 =	vmul.f32 v0, v25;
	_ =	sdelay $0x1  }
0x1dd: {  	[tilespmem:s20+$0x1B0] =	vst v0  }
0x1de: {  	v0 =	vld [tilespmem:s21+$0xC0];
	_ =	sdelay $0x4  }
0x1df: {  	v32 =	vshll.u32 v0, $0x3  }
0x1e0: {  	v0 =	vand.u32 $0x7F, v0;
	v1 =	vand.u32 $0xFFFFFC00, v32  }
0x1e1: {  	v0 =	vor.u32 v0, v1;
	_ =	sdelay $0x3  }
0x1e2: {  	v33 =	vld [tilespmem:s21+$0xDC0]  }
0x1e3: {  	v2 =	vld.idx.msk [tilespmem:v0+s12+$0x0], $0xffff;
	_ =	sdelay $0x2  }
0x1e4: {  	v34 =	vor.u32 $0x80, v0;
	_ =	sdelay $0x1  }
0x1e5: {  	v2 =	vmul.f32 v2, v33;
	_ =	sdelay $0x1  }
0x1e6: {  	[tilespmem:s20+$0xFFFFFE40] =	vst v2  }
0x1e7: {  	v2 =	vld.idx.msk [tilespmem:v34+s12+$0x0], $0xffff;
	_ =	sdelay $0x2  }
0x1e8: {  	v35 =	vor.u32 $0x100, v0;
	_ =	sdelay $0x1  }
0x1e9: {  	v2 =	vmul.f32 v2, v33;
	_ =	sdelay $0x1  }
0x1ea: {  	[tilespmem:s20+$0xFFFFFEC0] =	vst v2  }
0x1eb: {  	v2 =	vld.idx.msk [tilespmem:v35+s12+$0x0], $0xffff;
	_ =	sdelay $0x2  }
0x1ec: {  	v36 =	vor.u32 $0x180, v0;
	_ =	sdelay $0x1  }
0x1ed: {  	v2 =	vmul.f32 v2, v33;
	_ =	sdelay $0x1  }
0x1ee: {  	[tilespmem:s20+$0xFFFFFF40] =	vst v2  }
0x1ef: {  	v2 =	vld.idx.msk [tilespmem:v36+s12+$0x0], $0xffff;
	_ =	sdelay $0x2  }
0x1f0: {  	v37 =	vor.u32 $0x200, v0;
	_ =	sdelay $0x1  }
0x1f1: {  	v2 =	vmul.f32 v2, v33;
	_ =	sdelay $0x1  }
0x1f2: {  	[tilespmem:s20+$0xFFFFFFC0] =	vst v2  }
0x1f3: {  	v2 =	vld.idx.msk [tilespmem:v37+s12+$0x0], $0xffff;
	_ =	sdelay $0x2  }
0x1f4: {  	v38 =	vor.u32 $0x280, v0;
	_ =	sdelay $0x1  }
0x1f5: {  	v2 =	vmul.f32 v2, v33;
	_ =	sdelay $0x1  }
0x1f6: {  	[tilespmem:s20+$0x40] =	vst v2  }
0x1f7: {  	v2 =	vld.idx.msk [tilespmem:v38+s12+$0x0], $0xffff;
	_ =	sdelay $0x2  }
0x1f8: {  	v39 =	vor.u32 $0x300, v0;
	_ =	sdelay $0x1  }
0x1f9: {  	v2 =	vmul.f32 v2, v33;
	_ =	sdelay $0x1  }
0x1fa: {  	[tilespmem:s20+$0xC0] =	vst v2  }
0x1fb: {  	v2 =	vld.idx.msk [tilespmem:v39+s12+$0x0], $0xffff;
	_ =	sdelay $0x2  }
0x1fc: {  	v0 =	vor.u32 $0x380, v0;
	_ =	sdelay $0x1  }
0x1fd: {  	v2 =	vmul.f32 v2, v33;
	_ =	sdelay $0x1  }
0x1fe: {  	[tilespmem:s20+$0x140] =	vst v2  }
0x1ff: {  	v0 =	vld.idx.msk [tilespmem:v0+s12+$0x0], $0xffff;
	_ =	sdelay $0x4  }
0x200: {  	v0 =	vmul.f32 v0, v33;
	_ =	sdelay $0x1  }
0x201: {  	[tilespmem:s20+$0x1C0] =	vst v0  }
0x202: {  	v0 =	vld [tilespmem:s21+$0xD0];
	_ =	sdelay $0x4  }
0x203: {  	v40 =	vshll.u32 v0, $0x3  }
0x204: {  	v0 =	vand.u32 $0x7F, v0;
	v1 =	vand.u32 $0xFFFFFC00, v40  }
0x205: {  	v0 =	vor.u32 v0, v1;
	_ =	sdelay $0x3  }
0x206: {  	v41 =	vld [tilespmem:s21+$0xDD0]  }
0x207: {  	v2 =	vld.idx.msk [tilespmem:v0+s12+$0x0], $0xffff;
	_ =	sdelay $0x2  }
0x208: {  	v42 =	vor.u32 $0x80, v0;
	_ =	sdelay $0x1  }
0x209: {  	v2 =	vmul.f32 v2, v41;
	_ =	sdelay $0x1  }
0x20a: {  	[tilespmem:s20+$0xFFFFFE50] =	vst v2  }
0x20b: {  	v2 =	vld.idx.msk [tilespmem:v42+s12+$0x0], $0xffff;
	_ =	sdelay $0x2  }
0x20c: {  	v43 =	vor.u32 $0x100, v0;
	_ =	sdelay $0x1  }
0x20d: {  	v2 =	vmul.f32 v2, v41;
	_ =	sdelay $0x1  }
0x20e: {  	[tilespmem:s20+$0xFFFFFED0] =	vst v2  }
0x20f: {  	v2 =	vld.idx.msk [tilespmem:v43+s12+$0x0], $0xffff;
	_ =	sdelay $0x2  }
0x210: {  	v44 =	vor.u32 $0x180, v0;
	_ =	sdelay $0x1  }
0x211: {  	v2 =	vmul.f32 v2, v41;
	_ =	sdelay $0x1  }
0x212: {  	[tilespmem:s20+$0xFFFFFF50] =	vst v2  }
0x213: {  	v2 =	vld.idx.msk [tilespmem:v44+s12+$0x0], $0xffff;
	_ =	sdelay $0x2  }
0x214: {  	v45 =	vor.u32 $0x200, v0;
	_ =	sdelay $0x1  }
0x215: {  	v2 =	vmul.f32 v2, v41;
	_ =	sdelay $0x1  }
0x216: {  	[tilespmem:s20+$0xFFFFFFD0] =	vst v2  }
0x217: {  	v2 =	vld.idx.msk [tilespmem:v45+s12+$0x0], $0xffff;
	_ =	sdelay $0x2  }
0x218: {  	v46 =	vor.u32 $0x280, v0;
	_ =	sdelay $0x1  }
0x219: {  	v2 =	vmul.f32 v2, v41;
	_ =	sdelay $0x1  }
0x21a: {  	[tilespmem:s20+$0x50] =	vst v2  }
0x21b: {  	v2 =	vld.idx.msk [tilespmem:v46+s12+$0x0], $0xffff;
	_ =	sdelay $0x2  }
0x21c: {  	v47 =	vor.u32 $0x300, v0;
	_ =	sdelay $0x1  }
0x21d: {  	v2 =	vmul.f32 v2, v41;
	_ =	sdelay $0x1  }
0x21e: {  	[tilespmem:s20+$0xD0] =	vst v2  }
0x21f: {  	v2 =	vld.idx.msk [tilespmem:v47+s12+$0x0], $0xffff;
	_ =	sdelay $0x2  }
0x220: {  	v0 =	vor.u32 $0x380, v0;
	_ =	sdelay $0x1  }
0x221: {  	v2 =	vmul.f32 v2, v41;
	_ =	sdelay $0x1  }
0x222: {  	[tilespmem:s20+$0x150] =	vst v2  }
0x223: {  	v0 =	vld.idx.msk [tilespmem:v0+s12+$0x0], $0xffff;
	_ =	sdelay $0x4  }
0x224: {  	v0 =	vmul.f32 v0, v41;
	_ =	sdelay $0x1  }
0x225: {  	[tilespmem:s20+$0x1D0] =	vst v0  }
0x226: {  	v0 =	vld [tilespmem:s21+$0xE0];
	_ =	sdelay $0x4  }
0x227: {  	v48 =	vshll.u32 v0, $0x3  }
0x228: {  	v0 =	vand.u32 $0x7F, v0;
	v1 =	vand.u32 $0xFFFFFC00, v48  }
0x229: {  	v0 =	vor.u32 v0, v1;
	_ =	sdelay $0x3  }
0x22a: {  	v49 =	vld [tilespmem:s21+$0xDE0]  }
0x22b: {  	v2 =	vld.idx.msk [tilespmem:v0+s12+$0x0], $0xffff;
	_ =	sdelay $0x2  }
0x22c: {  	v50 =	vor.u32 $0x80, v0;
	_ =	sdelay $0x1  }
0x22d: {  	v2 =	vmul.f32 v2, v49;
	_ =	sdelay $0x1  }
0x22e: {  	[tilespmem:s20+$0xFFFFFE60] =	vst v2  }
0x22f: {  	v2 =	vld.idx.msk [tilespmem:v50+s12+$0x0], $0xffff;
	_ =	sdelay $0x2  }
0x230: {  	v51 =	vor.u32 $0x100, v0;
	_ =	sdelay $0x1  }
0x231: {  	v2 =	vmul.f32 v2, v49;
	_ =	sdelay $0x1  }
0x232: {  	[tilespmem:s20+$0xFFFFFEE0] =	vst v2  }
0x233: {  	v2 =	vld.idx.msk [tilespmem:v51+s12+$0x0], $0xffff;
	_ =	sdelay $0x2  }
0x234: {  	v52 =	vor.u32 $0x180, v0;
	_ =	sdelay $0x1  }
0x235: {  	v2 =	vmul.f32 v2, v49;
	_ =	sdelay $0x1  }
0x236: {  	[tilespmem:s20+$0xFFFFFF60] =	vst v2  }
0x237: {  	v2 =	vld.idx.msk [tilespmem:v52+s12+$0x0], $0xffff;
	_ =	sdelay $0x2  }
0x238: {  	v53 =	vor.u32 $0x200, v0;
	_ =	sdelay $0x1  }
0x239: {  	v2 =	vmul.f32 v2, v49;
	_ =	sdelay $0x1  }
0x23a: {  	[tilespmem:s20+$0xFFFFFFE0] =	vst v2  }
0x23b: {  	v2 =	vld.idx.msk [tilespmem:v53+s12+$0x0], $0xffff;
	_ =	sdelay $0x2  }
0x23c: {  	v54 =	vor.u32 $0x280, v0;
	_ =	sdelay $0x1  }
0x23d: {  	v2 =	vmul.f32 v2, v49;
	_ =	sdelay $0x1  }
0x23e: {  	[tilespmem:s20+$0x60] =	vst v2  }
0x23f: {  	v2 =	vld.idx.msk [tilespmem:v54+s12+$0x0], $0xffff;
	_ =	sdelay $0x2  }
0x240: {  	v55 =	vor.u32 $0x300, v0;
	_ =	sdelay $0x1  }
0x241: {  	v2 =	vmul.f32 v2, v49;
	_ =	sdelay $0x1  }
0x242: {  	[tilespmem:s20+$0xE0] =	vst v2  }
0x243: {  	v2 =	vld.idx.msk [tilespmem:v55+s12+$0x0], $0xffff;
	_ =	sdelay $0x2  }
0x244: {  	v0 =	vor.u32 $0x380, v0;
	_ =	sdelay $0x1  }
0x245: {  	v2 =	vmul.f32 v2, v49;
	_ =	sdelay $0x1  }
0x246: {  	[tilespmem:s20+$0x160] =	vst v2  }
0x247: {  	v0 =	vld.idx.msk [tilespmem:v0+s12+$0x0], $0xffff;
	_ =	sdelay $0x4  }
0x248: {  	v0 =	vmul.f32 v0, v49;
	_ =	sdelay $0x1  }
0x249: {  	[tilespmem:s20+$0x1E0] =	vst v0  }
0x24a: {  	v0 =	vld [tilespmem:s21+$0xF0];
	_ =	sdelay $0x4  }
0x24b: {  	v56 =	vshll.u32 v0, $0x3  }
0x24c: {  	v0 =	vand.u32 $0x7F, v0;
	v1 =	vand.u32 $0xFFFFFC00, v56  }
0x24d: {  	v0 =	vor.u32 v0, v1;
	_ =	sdelay $0x3  }
0x24e: {  	v57 =	vld [tilespmem:s21+$0xDF0]  }
0x24f: {  	v2 =	vld.idx.msk [tilespmem:v0+s12+$0x0], $0xffff;
	_ =	sdelay $0x2  }
0x250: {  	v58 =	vor.u32 $0x80, v0;
	_ =	sdelay $0x1  }
0x251: {  	v2 =	vmul.f32 v2, v57;
	_ =	sdelay $0x1  }
0x252: {  	[tilespmem:s20+$0xFFFFFE70] =	vst v2  }
0x253: {  	v2 =	vld.idx.msk [tilespmem:v58+s12+$0x0], $0xffff;
	_ =	sdelay $0x2  }
0x254: {  	v59 =	vor.u32 $0x100, v0;
	_ =	sdelay $0x1  }
0x255: {  	v2 =	vmul.f32 v2, v57;
	_ =	sdelay $0x1  }
0x256: {  	[tilespmem:s20+$0xFFFFFEF0] =	vst v2  }
0x257: {  	v2 =	vld.idx.msk [tilespmem:v59+s12+$0x0], $0xffff;
	_ =	sdelay $0x2  }
0x258: {  	v60 =	vor.u32 $0x180, v0;
	_ =	sdelay $0x1  }
0x259: {  	v2 =	vmul.f32 v2, v57;
	_ =	sdelay $0x1  }
0x25a: {  	[tilespmem:s20+$0xFFFFFF70] =	vst v2  }
0x25b: {  	v2 =	vld.idx.msk [tilespmem:v60+s12+$0x0], $0xffff;
	_ =	sdelay $0x2  }
0x25c: {  	v61 =	vor.u32 $0x200, v0;
	_ =	sdelay $0x1  }
0x25d: {  	v2 =	vmul.f32 v2, v57;
	_ =	sdelay $0x1  }
0x25e: {  	[tilespmem:s20+$0xFFFFFFF0] =	vst v2  }
0x25f: {  	v2 =	vld.idx.msk [tilespmem:v61+s12+$0x0], $0xffff;
	_ =	sdelay $0x2  }
0x260: {  	v62 =	vor.u32 $0x280, v0;
	_ =	sdelay $0x1  }
0x261: {  	v2 =	vmul.f32 v2, v57;
	_ =	sdelay $0x1  }
0x262: {  	[tilespmem:s20+$0x70] =	vst v2  }
0x263: {  	v2 =	vld.idx.msk [tilespmem:v62+s12+$0x0], $0xffff;
	_ =	sdelay $0x2  }
0x264: {  	v63 =	vor.u32 $0x300, v0;
	_ =	sdelay $0x1  }
0x265: {  	v2 =	vmul.f32 v2, v57;
	_ =	sdelay $0x1  }
0x266: {  	[tilespmem:s20+$0xF0] =	vst v2  }
0x267: {  	v2 =	vld.idx.msk [tilespmem:v63+s12+$0x0], $0xffff;
	_ =	sdelay $0x2  }
0x268: {  	v0 =	vor.u32 $0x380, v0;
	_ =	sdelay $0x1  }
0x269: {  	v2 =	vmul.f32 v2, v57;
	_ =	sdelay $0x1  }
0x26a: {  	[tilespmem:s20+$0x170] =	vst v2  }
0x26b: {  	v0 =	vld.idx.msk [tilespmem:v0+s12+$0x0], $0xffff;
	_ =	sdelay $0x1  }
0x26c: {  	p1 =	sne.s32 s19, $0x3000  }
.Ltmp1:
0x26d: {  	_ = 	snop;
	(pc) =	sbr.rel @p1 .LBB2_5-.Ltmp1, $3  }
0x26e: {  	_ = 	snop  }
0x26f: {  	v0 =	vmul.f32 v0, v57;
	_ =	sdelay $0x1  }
0x270: {  	s19 =	sadd.s32 $0x400, s19;
	[tilespmem:s20+$0x1F0] =	vst v0;
	s20 =	sadd.s32 $0x400, s20  }
0x271: {  	s18 =	sor.u32 s6, s18  }
0x272: {  	s18 =	smul.u32 $0x680, s18  }
.Ltmp2:
0x273: {  	_ = 	snop;
	(pc) =	sbr.rel @p0 .LBB2_2-.Ltmp2, $4  }
0x274: {  	_ = 	snop  }
0x275: {  	s18 =	sadd.s32 s2, s18  }
0x276: {  	[hbm4b:s18+s4] =	stream.linear.scatter [tilespmem:s14], [sflag:$0x2], $0x3400, $0x38;
	[tilespmem:$0x18200] =	vst v63  }
0x277: {  	p1 =	por $0x0, $0x0;
	s18 =	simm.s32 $0x2  }
0x278: {  	s17 =	sadd.s32 $0x1, s17  }
0x279: {  	_ =	swait.ge [sflag:s15], $0x3400;
	p0 =	sne.s32 s17, s9  }
.Ltmp3:
0x27a: {  	[sflag:s15] =	ssyncset.done $0x0;
	(pc) =	sbr.rel @p0 .LBB2_1-.Ltmp3, $4  }
0x27b: {  	[sflag:s15] =	ssyncadd.s32 $0xFFFFCC00  }
0x27c: {  	_ =	swait.ge [sflag:s16], $0x3400  }
0x27d: {  	[sflag:s16] =	ssyncset.done $0x0  }
0x27e: {  	[sflag:s16] =	ssyncadd.s32 $0xFFFFCC00  }
0x27f: {  	_ =	sfence.sel $0x180000  }
0x280: {  	[bflag:$0x0] =	sbarrier.arrive $0xFFFF  }
0x281: {  	p0 =	sne.s32 s3, $0x0;
	_ =	strace $0x90000047  }
0x282: {  	s0 =	sadd.s32 @!p0 $0x100000, s0;
	[bflag:$0x2] =	sbarrier.arrive $0xFFFF  }
0x283: {  	[sflag:s0] =	ssyncadd.tile.s32 @!p0 $0x1;
	_ =	shalt  }
.Lfunc_end2:
_tile_overlayer_lowered:
.L_overlay_start_2:
0x284: {  	(tag) =	ssettag $0x2  }
0x285: {  	s0 =	rddreg [dreg:$0x0];
	s2 =	stileid.u32  }
0x286: {  	s1 =	rddreg [dreg:$0x1];
	p0 =	sne.s32 s2, $0x0  }
0x287: {  	s3 =	rddreg [dreg:$0x2];
	[bflag:$0x3] =	sbarrier.arrive $0xFFFF;
	s2 =	simm.s32 @!p0 $0x1C03  }
0x288: {  	[timem:s3], [sflag:s2] =	dma.local @!p0 [hbm:s0], s1  }
0x289: {  	s0 =	simm.s32 @!p0 $0x3  }
0x28a: {  	_ =	swait.ge @!p0 [sflag:s0], s1  }
0x28b: {  	s1 =	ssub.s32 @!p0 $0x0, s1;
	[sflag:s0] =	ssyncset.done @!p0 $0x0  }
0x28c: {  	[sflag:s0] =	ssyncadd.s32 @!p0 s1  }
0x28d: {  	[bflag:$0x3] =	sbarrier.arrive $0xFFFF  }
0x28e: {  	_ =	shalt  }

</sc_bundles>
